<compile_context>
chip_gen: v7x
topology: tpu7x:2x2x1
jax: 0.10.2.dev20260603
libtpu: 0.0.44.dev20260713+nightly
codegen_flags: <defaults>
</compile_context>

<pallas_src>
import jax
import jax.numpy as jnp
from jax import lax
from jax.experimental import pallas as pl
from jax.experimental.pallas import tpu as pltpu
from jax.experimental.pallas import tpu_sc as plsc

BATCH = 64
HW = 32
D = 256
NC = 2
NS = 16
WINDOW = 8


def _sc_body(row_hbm, col_hbm, out_hbm, chunk, sem):
    k = lax.axis_index("c") * NS + lax.axis_index("s")
    pltpu.sync_copy(col_hbm, chunk.at[:, pl.ds(0, D)])
    for i in range(HW):
        pltpu.sync_copy(row_hbm.at[pl.ds(k, 1)], chunk.at[pl.ds(i, 1), pl.ds(D, D)])
    pltpu.sync_copy(chunk, out_hbm.at[pl.ds(k * HW, HW)])
    src = out_hbm.at[pl.ds(k * HW, HW)]
    copies = [
        pltpu.make_async_copy(
            src, out_hbm.at[pl.ds(b * (HW * HW) + k * HW, HW)], sem
        )
        for b in range(1, BATCH)
    ]
    n = len(copies)
    for i in range(n):
        copies[i].start()
        if i >= WINDOW:
            copies[i - WINDOW].wait()
    for i in range(n - WINDOW, n):
        copies[i].wait()


def kernel(row_embeddings, column_embeddings):
    row = row_embeddings[:HW]
    col = column_embeddings[:HW]

    mesh = plsc.VectorSubcoreMesh(core_axis_name="c", subcore_axis_name="s")
    sc_kernel = pl.kernel(
        _sc_body,
        out_type=jax.ShapeDtypeStruct((BATCH * HW * HW, 2 * D), jnp.float32),
        mesh=mesh,
        scratch_types=[
            pltpu.VMEM((HW, 2 * D), jnp.float32),
            pltpu.SemaphoreType.DMA,
        ],
    )
    out = sc_kernel(row, col)
    return out.reshape(BATCH, HW * HW, 2 * D)

# --- scband reference (transcript-rebuilt; emitter-appended) ---
"""Pipeline reference for scband-detr-learned-position-embedding-32358283608704 (READ-ONLY COPY).

The authoritative reference and input builder live on the scoring server;
editing this copy changes nothing except your own understanding.
"""

import jax, jax.numpy as jnp
import numpy as np

BATCH = 64
HEIGHT = 32
WIDTH = 32
EMBED_DIM = 256
MAX_POS = 50


def setup_inputs(seed: int = 0) -> dict:
    key = jax.random.key(seed)
    k_row, k_col = jax.random.split(key)
    row_embeddings = jax.random.normal(k_row, (MAX_POS, EMBED_DIM), dtype=jnp.float32)
    column_embeddings = jax.random.normal(k_col, (MAX_POS, EMBED_DIM), dtype=jnp.float32)
    return {"row_embeddings": row_embeddings, "column_embeddings": column_embeddings}


def reference(row_embeddings, column_embeddings):
    # shape = (BATCH, C, HEIGHT, WIDTH); device/dtype implicit in jax
    height, width = HEIGHT, WIDTH
    width_values = jnp.arange(width)
    height_values = jnp.arange(height)
    # embedding lookups (gather)
    x_emb = jnp.take(column_embeddings, width_values, axis=0)  # [W, D]
    y_emb = jnp.take(row_embeddings, height_values, axis=0)    # [H, D]
    # cat([x_emb.unsqueeze(0).repeat(H,1,1), y_emb.unsqueeze(1).repeat(1,W,1)], dim=-1)
    pos = jnp.concatenate(
        [
            jnp.tile(x_emb[None, :, :], (height, 1, 1)),
            jnp.tile(y_emb[:, None, :], (1, width, 1)),
        ],
        axis=-1,
    )  # [H, W, 2D]
    pos = jnp.transpose(pos, (2, 0, 1))          # [2D, H, W]
    pos = pos[None, :, :, :]                      # [1, 2D, H, W]
    pos = jnp.tile(pos, (BATCH, 1, 1, 1))         # [B, 2D, H, W]
    pos = pos.reshape(BATCH, 2 * EMBED_DIM, height * width)  # flatten(2)
    pos = jnp.transpose(pos, (0, 2, 1))           # [B, H*W, 2D]
    return pos


if False:  # reference __main__ guard neutralized (emitter)
    inp = setup_inputs()
    out = reference(**inp)
    print(out.shape)

if __name__ == "__main__":
    import jax
    _d = setup_inputs()
    print(jax.jit(kernel)(*tuple(_d.values())))

</pallas_src>

<mosaic_0001>
#map = affine_map<(d0, d1) -> (0, 0)>
module attributes {stable_mosaic.version = 14 : i64} {
  func.func @_sc_body(%arg0: i32, %arg1: i32, %arg2: memref<32x256xf32, #tpu.memory_space<hbm>>, %arg3: memref<32x256xf32, #tpu.memory_space<hbm>>, %arg4: memref<65536x512xf32, #tpu.memory_space<hbm>>, %arg5: memref<32x512xf32, #tpu.memory_space<vmem>>, %arg6: memref<!tpu.dma_semaphore, #tpu.memory_space<semaphore_mem>>) attributes {dimension_semantics = [#tpu.dimension_semantics<core_parallel>, #tpu.dimension_semantics<subcore_parallel>], iteration_bounds = array<i64: 2, 16>, scalar_prefetch = 0 : i64, scratch_operands = 2 : i64, tpu.core_type = #tpu.core_type<sc_vector_subcore>, window_params = [{transform_indices = #map}, {transform_indices = #map}, {transform_indices = #map}]} {
    %mul3A = arith.constant 16 : i32
    %mul3A_0 = arith.muli %arg0, %mul3A : i32
    %add3A = arith.addi %mul3A_0, %arg1 : i32
    "tpu.region"() ({
      %run_scoped3A = tpu.sem_alloc : memref<!tpu.dma_semaphore, #tpu.memory_space<semaphore_mem>>
      %dma_start3A_759 = arith.constant 0 : i32
      %dma_start3A_760 = arith.constant 0 : i32
      %dma_start3A_761 = tpu.memref_slice %arg5[%dma_start3A_759, %dma_start3A_760] : memref<32x512xf32, #tpu.memory_space<vmem>> -> memref<32x256xf32, #tpu.memory_space<vmem>>
      %dma_start3A_762 = arith.constant 0 : i32
      %dma_start3A_763 = arith.constant 0 : i32
      %dma_start3A_764 = tpu.memref_slice %arg5[%dma_start3A_762, %dma_start3A_763] : memref<32x512xf32, #tpu.memory_space<vmem>> -> memref<32x256xf32, #tpu.memory_space<vmem>>
      tpu.enqueue_dma source(%arg3 : memref<32x256xf32, #tpu.memory_space<hbm>>) target(%dma_start3A_764 : memref<32x256xf32, #tpu.memory_space<vmem>>) target_semaphore(%run_scoped3A : memref<!tpu.dma_semaphore, #tpu.memory_space<semaphore_mem>>)
      %dma_wait3A_765 = arith.constant 0 : i32
      %dma_wait3A_766 = arith.constant 0 : i32
      %dma_wait3A_767 = tpu.memref_slice %arg5[%dma_wait3A_765, %dma_wait3A_766] : memref<32x512xf32, #tpu.memory_space<vmem>> -> memref<32x256xf32, #tpu.memory_space<vmem>>
      %dma_wait3A_768 = arith.constant 0 : i32
      %dma_wait3A_769 = arith.constant 0 : i32
      %dma_wait3A_770 = tpu.memref_slice %arg5[%dma_wait3A_768, %dma_wait3A_769] : memref<32x512xf32, #tpu.memory_space<vmem>> -> memref<32x256xf32, #tpu.memory_space<vmem>>
      tpu.wait_dma2 semaphore(%run_scoped3A : memref<!tpu.dma_semaphore, #tpu.memory_space<semaphore_mem>>) src(%arg3 : memref<32x256xf32, #tpu.memory_space<hbm>>) dst(%dma_wait3A_770 : memref<32x256xf32, #tpu.memory_space<vmem>>)
      tpu.yield
    }) : () -> ()
    "tpu.region"() ({
      %run_scoped3A = tpu.sem_alloc : memref<!tpu.dma_semaphore, #tpu.memory_space<semaphore_mem>>
      %dma_start3A_759 = arith.constant 0 : i32
      %dma_start3A_760 = arith.constant 256 : i32
      %dma_start3A_761 = tpu.memref_slice %arg5[%dma_start3A_759, %dma_start3A_760] : memref<32x512xf32, #tpu.memory_space<vmem>> -> memref<1x256xf32, #tpu.memory_space<vmem>>
      %dma_start3A_762 = arith.constant 0 : i32
      %dma_start3A_763 = tpu.memref_slice %arg2[%add3A, %dma_start3A_762] : memref<32x256xf32, #tpu.memory_space<hbm>> -> memref<1x256xf32, #tpu.memory_space<hbm>>
      %dma_start3A_764 = arith.constant 0 : i32
      %dma_start3A_765 = arith.constant 256 : i32
      %dma_start3A_766 = tpu.memref_slice %arg5[%dma_start3A_764, %dma_start3A_765] : memref<32x512xf32, #tpu.memory_space<vmem>> -> memref<1x256xf32, #tpu.memory_space<vmem>>
      %dma_start3A_767 = arith.constant 0 : i32
      %dma_start3A_768 = tpu.memref_slice %arg2[%add3A, %dma_start3A_767] : memref<32x256xf32, #tpu.memory_space<hbm>> -> memref<1x256xf32, #tpu.memory_space<hbm>>
      tpu.enqueue_dma source(%dma_start3A_768 : memref<1x256xf32, #tpu.memory_space<hbm>>) target(%dma_start3A_766 : memref<1x256xf32, #tpu.memory_space<vmem>>) target_semaphore(%run_scoped3A : memref<!tpu.dma_semaphore, #tpu.memory_space<semaphore_mem>>)
      %dma_wait3A_769 = arith.constant 0 : i32
      %dma_wait3A_770 = arith.constant 256 : i32
      %dma_wait3A_771 = tpu.memref_slice %arg5[%dma_wait3A_769, %dma_wait3A_770] : memref<32x512xf32, #tpu.memory_space<vmem>> -> memref<1x256xf32, #tpu.memory_space<vmem>>
      %dma_wait3A_772 = arith.constant 0 : i32
      %dma_wait3A_773 = tpu.memref_slice %arg2[%add3A, %dma_wait3A_772] : memref<32x256xf32, #tpu.memory_space<hbm>> -> memref<1x256xf32, #tpu.memory_space<hbm>>
      %dma_wait3A_774 = arith.constant 0 : i32
      %dma_wait3A_775 = arith.constant 256 : i32
      %dma_wait3A_776 = tpu.memref_slice %arg5[%dma_wait3A_774, %dma_wait3A_775] : memref<32x512xf32, #tpu.memory_space<vmem>> -> memref<1x256xf32, #tpu.memory_space<vmem>>
      %dma_wait3A_777 = arith.constant 0 : i32
      %dma_wait3A_778 = tpu.memref_slice %arg2[%add3A, %dma_wait3A_777] : memref<32x256xf32, #tpu.memory_space<hbm>> -> memref<1x256xf32, #tpu.memory_space<hbm>>
      tpu.wait_dma2 semaphore(%run_scoped3A : memref<!tpu.dma_semaphore, #tpu.memory_space<semaphore_mem>>) src(%dma_wait3A_778 : memref<1x256xf32, #tpu.memory_space<hbm>>) dst(%dma_wait3A_776 : memref<1x256xf32, #tpu.memory_space<vmem>>)
      tpu.yield
    }) : () -> ()
    "tpu.region"() ({
      %run_scoped3A = tpu.sem_alloc : memref<!tpu.dma_semaphore, #tpu.memory_space<semaphore_mem>>
      %dma_start3A_759 = arith.constant 1 : i32
      %dma_start3A_760 = arith.constant 256 : i32
      %dma_start3A_761 = tpu.memref_slice %arg5[%dma_start3A_759, %dma_start3A_760] : memref<32x512xf32, #tpu.memory_space<vmem>> -> memref<1x256xf32, #tpu.memory_space<vmem>>
      %dma_start3A_762 = arith.constant 0 : i32
      %dma_start3A_763 = tpu.memref_slice %arg2[%add3A, %dma_start3A_762] : memref<32x256xf32, #tpu.memory_space<hbm>> -> memref<1x256xf32, #tpu.memory_space<hbm>>
      %dma_start3A_764 = arith.constant 1 : i32
      %dma_start3A_765 = arith.constant 256 : i32
      %dma_start3A_766 = tpu.memref_slice %arg5[%dma_start3A_764, %dma_start3A_765] : memref<32x512xf32, #tpu.memory_space<vmem>> -> memref<1x256xf32, #tpu.memory_space<vmem>>
      %dma_start3A_767 = arith.constant 0 : i32
      %dma_start3A_768 = tpu.memref_slice %arg2[%add3A, %dma_start3A_767] : memref<32x256xf32, #tpu.memory_space<hbm>> -> memref<1x256xf32, #tpu.memory_space<hbm>>
      tpu.enqueue_dma source(%dma_start3A_768 : memref<1x256xf32, #tpu.memory_space<hbm>>) target(%dma_start3A_766 : memref<1x256xf32, #tpu.memory_space<vmem>>) target_semaphore(%run_scoped3A : memref<!tpu.dma_semaphore, #tpu.memory_space<semaphore_mem>>)
      %dma_wait3A_769 = arith.constant 1 : i32
      %dma_wait3A_770 = arith.constant 256 : i32
      %dma_wait3A_771 = tpu.memref_slice %arg5[%dma_wait3A_769, %dma_wait3A_770] : memref<32x512xf32, #tpu.memory_space<vmem>> -> memref<1x256xf32, #tpu.memory_space<vmem>>
      %dma_wait3A_772 = arith.constant 0 : i32
      %dma_wait3A_773 = tpu.memref_slice %arg2[%add3A, %dma_wait3A_772] : memref<32x256xf32, #tpu.memory_space<hbm>> -> memref<1x256xf32, #tpu.memory_space<hbm>>
      %dma_wait3A_774 = arith.constant 1 : i32
      %dma_wait3A_775 = arith.constant 256 : i32
      %dma_wait3A_776 = tpu.memref_slice %arg5[%dma_wait3A_774, %dma_wait3A_775] : memref<32x512xf32, #tpu.memory_space<vmem>> -> memref<1x256xf32, #tpu.memory_space<vmem>>
      %dma_wait3A_777 = arith.constant 0 : i32
      %dma_wait3A_778 = tpu.memref_slice %arg2[%add3A, %dma_wait3A_777] : memref<32x256xf32, #tpu.memory_space<hbm>> -> memref<1x256xf32, #tpu.memory_space<hbm>>
      tpu.wait_dma2 semaphore(%run_scoped3A : memref<!tpu.dma_semaphore, #tpu.memory_space<semaphore_mem>>) src(%dma_wait3A_778 : memref<1x256xf32, #tpu.memory_space<hbm>>) dst(%dma_wait3A_776 : memref<1x256xf32, #tpu.memory_space<vmem>>)
      tpu.yield
    }) : () -> ()
    "tpu.region"() ({
      %run_scoped3A = tpu.sem_alloc : memref<!tpu.dma_semaphore, #tpu.memory_space<semaphore_mem>>
      %dma_start3A_759 = arith.constant 2 : i32
      %dma_start3A_760 = arith.constant 256 : i32
      %dma_start3A_761 = tpu.memref_slice %arg5[%dma_start3A_759, %dma_start3A_760] : memref<32x512xf32, #tpu.memory_space<vmem>> -> memref<1x256xf32, #tpu.memory_space<vmem>>
      %dma_start3A_762 = arith.constant 0 : i32
      %dma_start3A_763 = tpu.memref_slice %arg2[%add3A, %dma_start3A_762] : memref<32x256xf32, #tpu.memory_space<hbm>> -> memref<1x256xf32, #tpu.memory_space<hbm>>
      %dma_start3A_764 = arith.constant 2 : i32
      %dma_start3A_765 = arith.constant 256 : i32
      %dma_start3A_766 = tpu.memref_slice %arg5[%dma_start3A_764, %dma_start3A_765] : memref<32x512xf32, #tpu.memory_space<vmem>> -> memref<1x256xf32, #tpu.memory_space<vmem>>
      %dma_start3A_767 = arith.constant 0 : i32
      %dma_start3A_768 = tpu.memref_slice %arg2[%add3A, %dma_start3A_767] : memref<32x256xf32, #tpu.memory_space<hbm>> -> memref<1x256xf32, #tpu.memory_space<hbm>>
      tpu.enqueue_dma source(%dma_start3A_768 : memref<1x256xf32, #tpu.memory_space<hbm>>) target(%dma_start3A_766 : memref<1x256xf32, #tpu.memory_space<vmem>>) target_semaphore(%run_scoped3A : memref<!tpu.dma_semaphore, #tpu.memory_space<semaphore_mem>>)
      %dma_wait3A_769 = arith.constant 2 : i32
      %dma_wait3A_770 = arith.constant 256 : i32
      %dma_wait3A_771 = tpu.memref_slice %arg5[%dma_wait3A_769, %dma_wait3A_770] : memref<32x512xf32, #tpu.memory_space<vmem>> -> memref<1x256xf32, #tpu.memory_space<vmem>>
      %dma_wait3A_772 = arith.constant 0 : i32
      %dma_wait3A_773 = tpu.memref_slice %arg2[%add3A, %dma_wait3A_772] : memref<32x256xf32, #tpu.memory_space<hbm>> -> memref<1x256xf32, #tpu.memory_space<hbm>>
      %dma_wait3A_774 = arith.constant 2 : i32
      %dma_wait3A_775 = arith.constant 256 : i32
      %dma_wait3A_776 = tpu.memref_slice %arg5[%dma_wait3A_774, %dma_wait3A_775] : memref<32x512xf32, #tpu.memory_space<vmem>> -> memref<1x256xf32, #tpu.memory_space<vmem>>
      %dma_wait3A_777 = arith.constant 0 : i32
      %dma_wait3A_778 = tpu.memref_slice %arg2[%add3A, %dma_wait3A_777] : memref<32x256xf32, #tpu.memory_space<hbm>> -> memref<1x256xf32, #tpu.memory_space<hbm>>
      tpu.wait_dma2 semaphore(%run_scoped3A : memref<!tpu.dma_semaphore, #tpu.memory_space<semaphore_mem>>) src(%dma_wait3A_778 : memref<1x256xf32, #tpu.memory_space<hbm>>) dst(%dma_wait3A_776 : memref<1x256xf32, #tpu.memory_space<vmem>>)
      tpu.yield
    }) : () -> ()
    "tpu.region"() ({
      %run_scoped3A = tpu.sem_alloc : memref<!tpu.dma_semaphore, #tpu.memory_space<semaphore_mem>>
      %dma_start3A_759 = arith.constant 3 : i32
      %dma_start3A_760 = arith.constant 256 : i32
      %dma_start3A_761 = tpu.memref_slice %arg5[%dma_start3A_759, %dma_start3A_760] : memref<32x512xf32, #tpu.memory_space<vmem>> -> memref<1x256xf32, #tpu.memory_space<vmem>>
      %dma_start3A_762 = arith.constant 0 : i32
      %dma_start3A_763 = tpu.memref_slice %arg2[%add3A, %dma_start3A_762] : memref<32x256xf32, #tpu.memory_space<hbm>> -> memref<1x256xf32, #tpu.memory_space<hbm>>
      %dma_start3A_764 = arith.constant 3 : i32
      %dma_start3A_765 = arith.constant 256 : i32
      %dma_start3A_766 = tpu.memref_slice %arg5[%dma_start3A_764, %dma_start3A_765] : memref<32x512xf32, #tpu.memory_space<vmem>> -> memref<1x256xf32, #tpu.memory_space<vmem>>
      %dma_start3A_767 = arith.constant 0 : i32
      %dma_start3A_768 = tpu.memref_slice %arg2[%add3A, %dma_start3A_767] : memref<32x256xf32, #tpu.memory_space<hbm>> -> memref<1x256xf32, #tpu.memory_space<hbm>>
      tpu.enqueue_dma source(%dma_start3A_768 : memref<1x256xf32, #tpu.memory_space<hbm>>) target(%dma_start3A_766 : memref<1x256xf32, #tpu.memory_space<vmem>>) target_semaphore(%run_scoped3A : memref<!tpu.dma_semaphore, #tpu.memory_space<semaphore_mem>>)
      %dma_wait3A_769 = arith.constant 3 : i32
      %dma_wait3A_770 = arith.constant 256 : i32
      %dma_wait3A_771 = tpu.memref_slice %arg5[%dma_wait3A_769, %dma_wait3A_770] : memref<32x512xf32, #tpu.memory_space<vmem>> -> memref<1x256xf32, #tpu.memory_space<vmem>>
      %dma_wait3A_772 = arith.constant 0 : i32
      %dma_wait3A_773 = tpu.memref_slice %arg2[%add3A, %dma_wait3A_772] : memref<32x256xf32, #tpu.memory_space<hbm>> -> memref<1x256xf32, #tpu.memory_space<hbm>>
      %dma_wait3A_774 = arith.constant 3 : i32
      %dma_wait3A_775 = arith.constant 256 : i32
      %dma_wait3A_776 = tpu.memref_slice %arg5[%dma_wait3A_774, %dma_wait3A_775] : memref<32x512xf32, #tpu.memory_space<vmem>> -> memref<1x256xf32, #tpu.memory_space<vmem>>
      %dma_wait3A_777 = arith.constant 0 : i32
      %dma_wait3A_778 = tpu.memref_slice %arg2[%add3A, %dma_wait3A_777] : memref<32x256xf32, #tpu.memory_space<hbm>> -> memref<1x256xf32, #tpu.memory_space<hbm>>
      tpu.wait_dma2 semaphore(%run_scoped3A : memref<!tpu.dma_semaphore, #tpu.memory_space<semaphore_mem>>) src(%dma_wait3A_778 : memref<1x256xf32, #tpu.memory_space<hbm>>) dst(%dma_wait3A_776 : memref<1x256xf32, #tpu.memory_space<vmem>>)
      tpu.yield
    }) : () -> ()
    "tpu.region"() ({
      %run_scoped3A = tpu.sem_alloc : memref<!tpu.dma_semaphore, #tpu.memory_space<semaphore_mem>>
      %dma_start3A_759 = arith.constant 4 : i32
      %dma_start3A_760 = arith.constant 256 : i32
      %dma_start3A_761 = tpu.memref_slice %arg5[%dma_start3A_759, %dma_start3A_760] : memref<32x512xf32, #tpu.memory_space<vmem>> -> memref<1x256xf32, #tpu.memory_space<vmem>>
      %dma_start3A_762 = arith.constant 0 : i32
      %dma_start3A_763 = tpu.memref_slice %arg2[%add3A, %dma_start3A_762] : memref<32x256xf32, #tpu.memory_space<hbm>> -> memref<1x256xf32, #tpu.memory_space<hbm>>
      %dma_start3A_764 = arith.constant 4 : i32
      %dma_start3A_765 = arith.constant 256 : i32
      %dma_start3A_766 = tpu.memref_slice %arg5[%dma_start3A_764, %dma_start3A_765] : memref<32x512xf32, #tpu.memory_space<vmem>> -> memref<1x256xf32, #tpu.memory_space<vmem>>
      %dma_start3A_767 = arith.constant 0 : i32
      %dma_start3A_768 = tpu.memref_slice %arg2[%add3A, %dma_start3A_767] : memref<32x256xf32, #tpu.memory_space<hbm>> -> memref<1x256xf32, #tpu.memory_space<hbm>>
      tpu.enqueue_dma source(%dma_start3A_768 : memref<1x256xf32, #tpu.memory_space<hbm>>) target(%dma_start3A_766 : memref<1x256xf32, #tpu.memory_space<vmem>>) target_semaphore(%run_scoped3A : memref<!tpu.dma_semaphore, #tpu.memory_space<semaphore_mem>>)
      %dma_wait3A_769 = arith.constant 4 : i32
      %dma_wait3A_770 = arith.constant 256 : i32
      %dma_wait3A_771 = tpu.memref_slice %arg5[%dma_wait3A_769, %dma_wait3A_770] : memref<32x512xf32, #tpu.memory_space<vmem>> -> memref<1x256xf32, #tpu.memory_space<vmem>>
      %dma_wait3A_772 = arith.constant 0 : i32
      %dma_wait3A_773 = tpu.memref_slice %arg2[%add3A, %dma_wait3A_772] : memref<32x256xf32, #tpu.memory_space<hbm>> -> memref<1x256xf32, #tpu.memory_space<hbm>>
      %dma_wait3A_774 = arith.constant 4 : i32
      %dma_wait3A_775 = arith.constant 256 : i32
      %dma_wait3A_776 = tpu.memref_slice %arg5[%dma_wait3A_774, %dma_wait3A_775] : memref<32x512xf32, #tpu.memory_space<vmem>> -> memref<1x256xf32, #tpu.memory_space<vmem>>
      %dma_wait3A_777 = arith.constant 0 : i32
      %dma_wait3A_778 = tpu.memref_slice %arg2[%add3A, %dma_wait3A_777] : memref<32x256xf32, #tpu.memory_space<hbm>> -> memref<1x256xf32, #tpu.memory_space<hbm>>
      tpu.wait_dma2 semaphore(%run_scoped3A : memref<!tpu.dma_semaphore, #tpu.memory_space<semaphore_mem>>) src(%dma_wait3A_778 : memref<1x256xf32, #tpu.memory_space<hbm>>) dst(%dma_wait3A_776 : memref<1x256xf32, #tpu.memory_space<vmem>>)
      tpu.yield
    }) : () -> ()
    "tpu.region"() ({
      %run_scoped3A = tpu.sem_alloc : memref<!tpu.dma_semaphore, #tpu.memory_space<semaphore_mem>>
      %dma_start3A_759 = arith.constant 5 : i32
      %dma_start3A_760 = arith.constant 256 : i32
      %dma_start3A_761 = tpu.memref_slice %arg5[%dma_start3A_759, %dma_start3A_760] : memref<32x512xf32, #tpu.memory_space<vmem>> -> memref<1x256xf32, #tpu.memory_space<vmem>>
      %dma_start3A_762 = arith.constant 0 : i32
      %dma_start3A_763 = tpu.memref_slice %arg2[%add3A, %dma_start3A_762] : memref<32x256xf32, #tpu.memory_space<hbm>> -> memref<1x256xf32, #tpu.memory_space<hbm>>
      %dma_start3A_764 = arith.constant 5 : i32
      %dma_start3A_765 = arith.constant 256 : i32
      %dma_start3A_766 = tpu.memref_slice %arg5[%dma_start3A_764, %dma_start3A_765] : memref<32x512xf32, #tpu.memory_space<vmem>> -> memref<1x256xf32, #tpu.memory_space<vmem>>
      %dma_start3A_767 = arith.constant 0 : i32
      %dma_start3A_768 = tpu.memref_slice %arg2[%add3A, %dma_start3A_767] : memref<32x256xf32, #tpu.memory_space<hbm>> -> memref<1x256xf32, #tpu.memory_space<hbm>>
      tpu.enqueue_dma source(%dma_start3A_768 : memref<1x256xf32, #tpu.memory_space<hbm>>) target(%dma_start3A_766 : memref<1x256xf32, #tpu.memory_space<vmem>>) target_semaphore(%run_scoped3A : memref<!tpu.dma_semaphore, #tpu.memory_space<semaphore_mem>>)
      %dma_wait3A_769 = arith.constant 5 : i32
      %dma_wait3A_770 = arith.constant 256 : i32
      %dma_wait3A_771 = tpu.memref_slice %arg5[%dma_wait3A_769, %dma_wait3A_770] : memref<32x512xf32, #tpu.memory_space<vmem>> -> memref<1x256xf32, #tpu.memory_space<vmem>>
      %dma_wait3A_772 = arith.constant 0 : i32
      %dma_wait3A_773 = tpu.memref_slice %arg2[%add3A, %dma_wait3A_772] : memref<32x256xf32, #tpu.memory_space<hbm>> -> memref<1x256xf32, #tpu.memory_space<hbm>>
      %dma_wait3A_774 = arith.constant 5 : i32
      %dma_wait3A_775 = arith.constant 256 : i32
      %dma_wait3A_776 = tpu.memref_slice %arg5[%dma_wait3A_774, %dma_wait3A_775] : memref<32x512xf32, #tpu.memory_space<vmem>> -> memref<1x256xf32, #tpu.memory_space<vmem>>
      %dma_wait3A_777 = arith.constant 0 : i32
      %dma_wait3A_778 = tpu.memref_slice %arg2[%add3A, %dma_wait3A_777] : memref<32x256xf32, #tpu.memory_space<hbm>> -> memref<1x256xf32, #tpu.memory_space<hbm>>
      tpu.wait_dma2 semaphore(%run_scoped3A : memref<!tpu.dma_semaphore, #tpu.memory_space<semaphore_mem>>) src(%dma_wait3A_778 : memref<1x256xf32, #tpu.memory_space<hbm>>) dst(%dma_wait3A_776 : memref<1x256xf32, #tpu.memory_space<vmem>>)
      tpu.yield
    }) : () -> ()
    "tpu.region"() ({
      %run_scoped3A = tpu.sem_alloc : memref<!tpu.dma_semaphore, #tpu.memory_space<semaphore_mem>>
      %dma_start3A_759 = arith.constant 6 : i32
      %dma_start3A_760 = arith.constant 256 : i32
      %dma_start3A_761 = tpu.memref_slice %arg5[%dma_start3A_759, %dma_start3A_760] : memref<32x512xf32, #tpu.memory_space<vmem>> -> memref<1x256xf32, #tpu.memory_space<vmem>>
      %dma_start3A_762 = arith.constant 0 : i32
      %dma_start3A_763 = tpu.memref_slice %arg2[%add3A, %dma_start3A_762] : memref<32x256xf32, #tpu.memory_space<hbm>> -> memref<1x256xf32, #tpu.memory_space<hbm>>
      %dma_start3A_764 = arith.constant 6 : i32
      %dma_start3A_765 = arith.constant 256 : i32
      %dma_start3A_766 = tpu.memref_slice %arg5[%dma_start3A_764, %dma_start3A_765] : memref<32x512xf32, #tpu.memory_space<vmem>> -> memref<1x256xf32, #tpu.memory_space<vmem>>
      %dma_start3A_767 = arith.constant 0 : i32
      %dma_start3A_768 = tpu.memref_slice %arg2[%add3A, %dma_start3A_767] : memref<32x256xf32, #tpu.memory_space<hbm>> -> memref<1x256xf32, #tpu.memory_space<hbm>>
      tpu.enqueue_dma source(%dma_start3A_768 : memref<1x256xf32, #tpu.memory_space<hbm>>) target(%dma_start3A_766 : memref<1x256xf32, #tpu.memory_space<vmem>>) target_semaphore(%run_scoped3A : memref<!tpu.dma_semaphore, #tpu.memory_space<semaphore_mem>>)
      %dma_wait3A_769 = arith.constant 6 : i32
      %dma_wait3A_770 = arith.constant 256 : i32
      %dma_wait3A_771 = tpu.memref_slice %arg5[%dma_wait3A_769, %dma_wait3A_770] : memref<32x512xf32, #tpu.memory_space<vmem>> -> memref<1x256xf32, #tpu.memory_space<vmem>>
      %dma_wait3A_772 = arith.constant 0 : i32
      %dma_wait3A_773 = tpu.memref_slice %arg2[%add3A, %dma_wait3A_772] : memref<32x256xf32, #tpu.memory_space<hbm>> -> memref<1x256xf32, #tpu.memory_space<hbm>>
      %dma_wait3A_774 = arith.constant 6 : i32
      %dma_wait3A_775 = arith.constant 256 : i32
      %dma_wait3A_776 = tpu.memref_slice %arg5[%dma_wait3A_774, %dma_wait3A_775] : memref<32x512xf32, #tpu.memory_space<vmem>> -> memref<1x256xf32, #tpu.memory_space<vmem>>
      %dma_wait3A_777 = arith.constant 0 : i32
      %dma_wait3A_778 = tpu.memref_slice %arg2[%add3A, %dma_wait3A_777] : memref<32x256xf32, #tpu.memory_space<hbm>> -> memref<1x256xf32, #tpu.memory_space<hbm>>
      tpu.wait_dma2 semaphore(%run_scoped3A : memref<!tpu.dma_semaphore, #tpu.memory_space<semaphore_mem>>) src(%dma_wait3A_778 : memref<1x256xf32, #tpu.memory_space<hbm>>) dst(%dma_wait3A_776 : memref<1x256xf32, #tpu.memory_space<vmem>>)
      tpu.yield
    }) : () -> ()
    "tpu.region"() ({
      %run_scoped3A = tpu.sem_alloc : memref<!tpu.dma_semaphore, #tpu.memory_space<semaphore_mem>>
      %dma_start3A_759 = arith.constant 7 : i32
      %dma_start3A_760 = arith.constant 256 : i32
      %dma_start3A_761 = tpu.memref_slice %arg5[%dma_start3A_759, %dma_start3A_760] : memref<32x512xf32, #tpu.memory_space<vmem>> -> memref<1x256xf32, #tpu.memory_space<vmem>>
      %dma_start3A_762 = arith.constant 0 : i32
      %dma_start3A_763 = tpu.memref_slice %arg2[%add3A, %dma_start3A_762] : memref<32x256xf32, #tpu.memory_space<hbm>> -> memref<1x256xf32, #tpu.memory_space<hbm>>
      %dma_start3A_764 = arith.constant 7 : i32
      %dma_start3A_765 = arith.constant 256 : i32
      %dma_start3A_766 = tpu.memref_slice %arg5[%dma_start3A_764, %dma_start3A_765] : memref<32x512xf32, #tpu.memory_space<vmem>> -> memref<1x256xf32, #tpu.memory_space<vmem>>
      %dma_start3A_767 = arith.constant 0 : i32
      %dma_start3A_768 = tpu.memref_slice %arg2[%add3A, %dma_start3A_767] : memref<32x256xf32, #tpu.memory_space<hbm>> -> memref<1x256xf32, #tpu.memory_space<hbm>>
      tpu.enqueue_dma source(%dma_start3A_768 : memref<1x256xf32, #tpu.memory_space<hbm>>) target(%dma_start3A_766 : memref<1x256xf32, #tpu.memory_space<vmem>>) target_semaphore(%run_scoped3A : memref<!tpu.dma_semaphore, #tpu.memory_space<semaphore_mem>>)
      %dma_wait3A_769 = arith.constant 7 : i32
      %dma_wait3A_770 = arith.constant 256 : i32
      %dma_wait3A_771 = tpu.memref_slice %arg5[%dma_wait3A_769, %dma_wait3A_770] : memref<32x512xf32, #tpu.memory_space<vmem>> -> memref<1x256xf32, #tpu.memory_space<vmem>>
      %dma_wait3A_772 = arith.constant 0 : i32
      %dma_wait3A_773 = tpu.memref_slice %arg2[%add3A, %dma_wait3A_772] : memref<32x256xf32, #tpu.memory_space<hbm>> -> memref<1x256xf32, #tpu.memory_space<hbm>>
      %dma_wait3A_774 = arith.constant 7 : i32
      %dma_wait3A_775 = arith.constant 256 : i32
      %dma_wait3A_776 = tpu.memref_slice %arg5[%dma_wait3A_774, %dma_wait3A_775] : memref<32x512xf32, #tpu.memory_space<vmem>> -> memref<1x256xf32, #tpu.memory_space<vmem>>
      %dma_wait3A_777 = arith.constant 0 : i32
      %dma_wait3A_778 = tpu.memref_slice %arg2[%add3A, %dma_wait3A_777] : memref<32x256xf32, #tpu.memory_space<hbm>> -> memref<1x256xf32, #tpu.memory_space<hbm>>
      tpu.wait_dma2 semaphore(%run_scoped3A : memref<!tpu.dma_semaphore, #tpu.memory_space<semaphore_mem>>) src(%dma_wait3A_778 : memref<1x256xf32, #tpu.memory_space<hbm>>) dst(%dma_wait3A_776 : memref<1x256xf32, #tpu.memory_space<vmem>>)
      tpu.yield
    }) : () -> ()
    "tpu.region"() ({
      %run_scoped3A = tpu.sem_alloc : memref<!tpu.dma_semaphore, #tpu.memory_space<semaphore_mem>>
      %dma_start3A_759 = arith.constant 8 : i32
      %dma_start3A_760 = arith.constant 256 : i32
      %dma_start3A_761 = tpu.memref_slice %arg5[%dma_start3A_759, %dma_start3A_760] : memref<32x512xf32, #tpu.memory_space<vmem>> -> memref<1x256xf32, #tpu.memory_space<vmem>>
      %dma_start3A_762 = arith.constant 0 : i32
      %dma_start3A_763 = tpu.memref_slice %arg2[%add3A, %dma_start3A_762] : memref<32x256xf32, #tpu.memory_space<hbm>> -> memref<1x256xf32, #tpu.memory_space<hbm>>
      %dma_start3A_764 = arith.constant 8 : i32
      %dma_start3A_765 = arith.constant 256 : i32
      %dma_start3A_766 = tpu.memref_slice %arg5[%dma_start3A_764, %dma_start3A_765] : memref<32x512xf32, #tpu.memory_space<vmem>> -> memref<1x256xf32, #tpu.memory_space<vmem>>
      %dma_start3A_767 = arith.constant 0 : i32
      %dma_start3A_768 = tpu.memref_slice %arg2[%add3A, %dma_start3A_767] : memref<32x256xf32, #tpu.memory_space<hbm>> -> memref<1x256xf32, #tpu.memory_space<hbm>>
      tpu.enqueue_dma source(%dma_start3A_768 : memref<1x256xf32, #tpu.memory_space<hbm>>) target(%dma_start3A_766 : memref<1x256xf32, #tpu.memory_space<vmem>>) target_semaphore(%run_scoped3A : memref<!tpu.dma_semaphore, #tpu.memory_space<semaphore_mem>>)
      %dma_wait3A_769 = arith.constant 8 : i32
      %dma_wait3A_770 = arith.constant 256 : i32
      %dma_wait3A_771 = tpu.memref_slice %arg5[%dma_wait3A_769, %dma_wait3A_770] : memref<32x512xf32, #tpu.memory_space<vmem>> -> memref<1x256xf32, #tpu.memory_space<vmem>>
      %dma_wait3A_772 = arith.constant 0 : i32
      %dma_wait3A_773 = tpu.memref_slice %arg2[%add3A, %dma_wait3A_772] : memref<32x256xf32, #tpu.memory_space<hbm>> -> memref<1x256xf32, #tpu.memory_space<hbm>>
      %dma_wait3A_774 = arith.constant 8 : i32
      %dma_wait3A_775 = arith.constant 256 : i32
      %dma_wait3A_776 = tpu.memref_slice %arg5[%dma_wait3A_774, %dma_wait3A_775] : memref<32x512xf32, #tpu.memory_space<vmem>> -> memref<1x256xf32, #tpu.memory_space<vmem>>
      %dma_wait3A_777 = arith.constant 0 : i32
      %dma_wait3A_778 = tpu.memref_slice %arg2[%add3A, %dma_wait3A_777] : memref<32x256xf32, #tpu.memory_space<hbm>> -> memref<1x256xf32, #tpu.memory_space<hbm>>
      tpu.wait_dma2 semaphore(%run_scoped3A : memref<!tpu.dma_semaphore, #tpu.memory_space<semaphore_mem>>) src(%dma_wait3A_778 : memref<1x256xf32, #tpu.memory_space<hbm>>) dst(%dma_wait3A_776 : memref<1x256xf32, #tpu.memory_space<vmem>>)
      tpu.yield
    }) : () -> ()
    "tpu.region"() ({
      %run_scoped3A = tpu.sem_alloc : memref<!tpu.dma_semaphore, #tpu.memory_space<semaphore_mem>>
      %dma_start3A_759 = arith.constant 9 : i32
      %dma_start3A_760 = arith.constant 256 : i32
      %dma_start3A_761 = tpu.memref_slice %arg5[%dma_start3A_759, %dma_start3A_760] : memref<32x512xf32, #tpu.memory_space<vmem>> -> memref<1x256xf32, #tpu.memory_space<vmem>>
      %dma_start3A_762 = arith.constant 0 : i32
      %dma_start3A_763 = tpu.memref_slice %arg2[%add3A, %dma_start3A_762] : memref<32x256xf32, #tpu.memory_space<hbm>> -> memref<1x256xf32, #tpu.memory_space<hbm>>
      %dma_start3A_764 = arith.constant 9 : i32
      %dma_start3A_765 = arith.constant 256 : i32
      %dma_start3A_766 = tpu.memref_slice %arg5[%dma_start3A_764, %dma_start3A_765] : memref<32x512xf32, #tpu.memory_space<vmem>> -> memref<1x256xf32, #tpu.memory_space<vmem>>
      %dma_start3A_767 = arith.constant 0 : i32
      %dma_start3A_768 = tpu.memref_slice %arg2[%add3A, %dma_start3A_767] : memref<32x256xf32, #tpu.memory_space<hbm>> -> memref<1x256xf32, #tpu.memory_space<hbm>>
      tpu.enqueue_dma source(%dma_start3A_768 : memref<1x256xf32, #tpu.memory_space<hbm>>) target(%dma_start3A_766 : memref<1x256xf32, #tpu.memory_space<vmem>>) target_semaphore(%run_scoped3A : memref<!tpu.dma_semaphore, #tpu.memory_space<semaphore_mem>>)
      %dma_wait3A_769 = arith.constant 9 : i32
      %dma_wait3A_770 = arith.constant 256 : i32
      %dma_wait3A_771 = tpu.memref_slice %arg5[%dma_wait3A_769, %dma_wait3A_770] : memref<32x512xf32, #tpu.memory_space<vmem>> -> memref<1x256xf32, #tpu.memory_space<vmem>>
      %dma_wait3A_772 = arith.constant 0 : i32
      %dma_wait3A_773 = tpu.memref_slice %arg2[%add3A, %dma_wait3A_772] : memref<32x256xf32, #tpu.memory_space<hbm>> -> memref<1x256xf32, #tpu.memory_space<hbm>>
      %dma_wait3A_774 = arith.constant 9 : i32
      %dma_wait3A_775 = arith.constant 256 : i32
      %dma_wait3A_776 = tpu.memref_slice %arg5[%dma_wait3A_774, %dma_wait3A_775] : memref<32x512xf32, #tpu.memory_space<vmem>> -> memref<1x256xf32, #tpu.memory_space<vmem>>
      %dma_wait3A_777 = arith.constant 0 : i32
      %dma_wait3A_778 = tpu.memref_slice %arg2[%add3A, %dma_wait3A_777] : memref<32x256xf32, #tpu.memory_space<hbm>> -> memref<1x256xf32, #tpu.memory_space<hbm>>
      tpu.wait_dma2 semaphore(%run_scoped3A : memref<!tpu.dma_semaphore, #tpu.memory_space<semaphore_mem>>) src(%dma_wait3A_778 : memref<1x256xf32, #tpu.memory_space<hbm>>) dst(%dma_wait3A_776 : memref<1x256xf32, #tpu.memory_space<vmem>>)
      tpu.yield
    }) : () -> ()
    "tpu.region"() ({
      %run_scoped3A = tpu.sem_alloc : memref<!tpu.dma_semaphore, #tpu.memory_space<semaphore_mem>>
      %dma_start3A_759 = arith.constant 10 : i32
      %dma_start3A_760 = arith.constant 256 : i32
      %dma_start3A_761 = tpu.memref_slice %arg5[%dma_start3A_759, %dma_start3A_760] : memref<32x512xf32, #tpu.memory_space<vmem>> -> memref<1x256xf32, #tpu.memory_space<vmem>>
      %dma_start3A_762 = arith.constant 0 : i32
      %dma_start3A_763 = tpu.memref_slice %arg2[%add3A, %dma_start3A_762] : memref<32x256xf32, #tpu.memory_space<hbm>> -> memref<1x256xf32, #tpu.memory_space<hbm>>
      %dma_start3A_764 = arith.constant 10 : i32
      %dma_start3A_765 = arith.constant 256 : i32
      %dma_start3A_766 = tpu.memref_slice %arg5[%dma_start3A_764, %dma_start3A_765] : memref<32x512xf32, #tpu.memory_space<vmem>> -> memref<1x256xf32, #tpu.memory_space<vmem>>
      %dma_start3A_767 = arith.constant 0 : i32
      %dma_start3A_768 = tpu.memref_slice %arg2[%add3A, %dma_start3A_767] : memref<32x256xf32, #tpu.memory_space<hbm>> -> memref<1x256xf32, #tpu.memory_space<hbm>>
      tpu.enqueue_dma source(%dma_start3A_768 : memref<1x256xf32, #tpu.memory_space<hbm>>) target(%dma_start3A_766 : memref<1x256xf32, #tpu.memory_space<vmem>>) target_semaphore(%run_scoped3A : memref<!tpu.dma_semaphore, #tpu.memory_space<semaphore_mem>>)
      %dma_wait3A_769 = arith.constant 10 : i32
      %dma_wait3A_770 = arith.constant 256 : i32
      %dma_wait3A_771 = tpu.memref_slice %arg5[%dma_wait3A_769, %dma_wait3A_770] : memref<32x512xf32, #tpu.memory_space<vmem>> -> memref<1x256xf32, #tpu.memory_space<vmem>>
      %dma_wait3A_772 = arith.constant 0 : i32
      %dma_wait3A_773 = tpu.memref_slice %arg2[%add3A, %dma_wait3A_772] : memref<32x256xf32, #tpu.memory_space<hbm>> -> memref<1x256xf32, #tpu.memory_space<hbm>>
      %dma_wait3A_774 = arith.constant 10 : i32
      %dma_wait3A_775 = arith.constant 256 : i32
      %dma_wait3A_776 = tpu.memref_slice %arg5[%dma_wait3A_774, %dma_wait3A_775] : memref<32x512xf32, #tpu.memory_space<vmem>> -> memref<1x256xf32, #tpu.memory_space<vmem>>
      %dma_wait3A_777 = arith.constant 0 : i32
      %dma_wait3A_778 = tpu.memref_slice %arg2[%add3A, %dma_wait3A_777] : memref<32x256xf32, #tpu.memory_space<hbm>> -> memref<1x256xf32, #tpu.memory_space<hbm>>
      tpu.wait_dma2 semaphore(%run_scoped3A : memref<!tpu.dma_semaphore, #tpu.memory_space<semaphore_mem>>) src(%dma_wait3A_778 : memref<1x256xf32, #tpu.memory_space<hbm>>) dst(%dma_wait3A_776 : memref<1x256xf32, #tpu.memory_space<vmem>>)
      tpu.yield
    }) : () -> ()
    "tpu.region"() ({
      %run_scoped3A = tpu.sem_alloc : memref<!tpu.dma_semaphore, #tpu.memory_space<semaphore_mem>>
      %dma_start3A_759 = arith.constant 11 : i32
      %dma_start3A_760 = arith.constant 256 : i32
      %dma_start3A_761 = tpu.memref_slice %arg5[%dma_start3A_759, %dma_start3A_760] : memref<32x512xf32, #tpu.memory_space<vmem>> -> memref<1x256xf32, #tpu.memory_space<vmem>>
      %dma_start3A_762 = arith.constant 0 : i32
      %dma_start3A_763 = tpu.memref_slice %arg2[%add3A, %dma_start3A_762] : memref<32x256xf32, #tpu.memory_space<hbm>> -> memref<1x256xf32, #tpu.memory_space<hbm>>
      %dma_start3A_764 = arith.constant 11 : i32
      %dma_start3A_765 = arith.constant 256 : i32
      %dma_start3A_766 = tpu.memref_slice %arg5[%dma_start3A_764, %dma_start3A_765] : memref<32x512xf32, #tpu.memory_space<vmem>> -> memref<1x256xf32, #tpu.memory_space<vmem>>
      %dma_start3A_767 = arith.constant 0 : i32
      %dma_start3A_768 = tpu.memref_slice %arg2[%add3A, %dma_start3A_767] : memref<32x256xf32, #tpu.memory_space<hbm>> -> memref<1x256xf32, #tpu.memory_space<hbm>>
      tpu.enqueue_dma source(%dma_start3A_768 : memref<1x256xf32, #tpu.memory_space<hbm>>) target(%dma_start3A_766 : memref<1x256xf32, #tpu.memory_space<vmem>>) target_semaphore(%run_scoped3A : memref<!tpu.dma_semaphore, #tpu.memory_space<semaphore_mem>>)
      %dma_wait3A_769 = arith.constant 11 : i32
      %dma_wait3A_770 = arith.constant 256 : i32
      %dma_wait3A_771 = tpu.memref_slice %arg5[%dma_wait3A_769, %dma_wait3A_770] : memref<32x512xf32, #tpu.memory_space<vmem>> -> memref<1x256xf32, #tpu.memory_space<vmem>>
      %dma_wait3A_772 = arith.constant 0 : i32
      %dma_wait3A_773 = tpu.memref_slice %arg2[%add3A, %dma_wait3A_772] : memref<32x256xf32, #tpu.memory_space<hbm>> -> memref<1x256xf32, #tpu.memory_space<hbm>>
      %dma_wait3A_774 = arith.constant 11 : i32
      %dma_wait3A_775 = arith.constant 256 : i32
      %dma_wait3A_776 = tpu.memref_slice %arg5[%dma_wait3A_774, %dma_wait3A_775] : memref<32x512xf32, #tpu.memory_space<vmem>> -> memref<1x256xf32, #tpu.memory_space<vmem>>
      %dma_wait3A_777 = arith.constant 0 : i32
      %dma_wait3A_778 = tpu.memref_slice %arg2[%add3A, %dma_wait3A_777] : memref<32x256xf32, #tpu.memory_space<hbm>> -> memref<1x256xf32, #tpu.memory_space<hbm>>
      tpu.wait_dma2 semaphore(%run_scoped3A : memref<!tpu.dma_semaphore, #tpu.memory_space<semaphore_mem>>) src(%dma_wait3A_778 : memref<1x256xf32, #tpu.memory_space<hbm>>) dst(%dma_wait3A_776 : memref<1x256xf32, #tpu.memory_space<vmem>>)
      tpu.yield
    }) : () -> ()
    "tpu.region"() ({
      %run_scoped3A = tpu.sem_alloc : memref<!tpu.dma_semaphore, #tpu.memory_space<semaphore_mem>>
      %dma_start3A_759 = arith.constant 12 : i32
      %dma_start3A_760 = arith.constant 256 : i32
      %dma_start3A_761 = tpu.memref_slice %arg5[%dma_start3A_759, %dma_start3A_760] : memref<32x512xf32, #tpu.memory_space<vmem>> -> memref<1x256xf32, #tpu.memory_space<vmem>>
      %dma_start3A_762 = arith.constant 0 : i32
      %dma_start3A_763 = tpu.memref_slice %arg2[%add3A, %dma_start3A_762] : memref<32x256xf32, #tpu.memory_space<hbm>> -> memref<1x256xf32, #tpu.memory_space<hbm>>
      %dma_start3A_764 = arith.constant 12 : i32
      %dma_start3A_765 = arith.constant 256 : i32
      %dma_start3A_766 = tpu.memref_slice %arg5[%dma_start3A_764, %dma_start3A_765] : memref<32x512xf32, #tpu.memory_space<vmem>> -> memref<1x256xf32, #tpu.memory_space<vmem>>
      %dma_start3A_767 = arith.constant 0 : i32
      %dma_start3A_768 = tpu.memref_slice %arg2[%add3A, %dma_start3A_767] : memref<32x256xf32, #tpu.memory_space<hbm>> -> memref<1x256xf32, #tpu.memory_space<hbm>>
      tpu.enqueue_dma source(%dma_start3A_768 : memref<1x256xf32, #tpu.memory_space<hbm>>) target(%dma_start3A_766 : memref<1x256xf32, #tpu.memory_space<vmem>>) target_semaphore(%run_scoped3A : memref<!tpu.dma_semaphore, #tpu.memory_space<semaphore_mem>>)
      %dma_wait3A_769 = arith.constant 12 : i32
      %dma_wait3A_770 = arith.constant 256 : i32
      %dma_wait3A_771 = tpu.memref_slice %arg5[%dma_wait3A_769, %dma_wait3A_770] : memref<32x512xf32, #tpu.memory_space<vmem>> -> memref<1x256xf32, #tpu.memory_space<vmem>>
      %dma_wait3A_772 = arith.constant 0 : i32
      %dma_wait3A_773 = tpu.memref_slice %arg2[%add3A, %dma_wait3A_772] : memref<32x256xf32, #tpu.memory_space<hbm>> -> memref<1x256xf32, #tpu.memory_space<hbm>>
      %dma_wait3A_774 = arith.constant 12 : i32
      %dma_wait3A_775 = arith.constant 256 : i32
      %dma_wait3A_776 = tpu.memref_slice %arg5[%dma_wait3A_774, %dma_wait3A_775] : memref<32x512xf32, #tpu.memory_space<vmem>> -> memref<1x256xf32, #tpu.memory_space<vmem>>
      %dma_wait3A_777 = arith.constant 0 : i32
      %dma_wait3A_778 = tpu.memref_slice %arg2[%add3A, %dma_wait3A_777] : memref<32x256xf32, #tpu.memory_space<hbm>> -> memref<1x256xf32, #tpu.memory_space<hbm>>
      tpu.wait_dma2 semaphore(%run_scoped3A : memref<!tpu.dma_semaphore, #tpu.memory_space<semaphore_mem>>) src(%dma_wait3A_778 : memref<1x256xf32, #tpu.memory_space<hbm>>) dst(%dma_wait3A_776 : memref<1x256xf32, #tpu.memory_space<vmem>>)
      tpu.yield
    }) : () -> ()
    "tpu.region"() ({
      %run_scoped3A = tpu.sem_alloc : memref<!tpu.dma_semaphore, #tpu.memory_space<semaphore_mem>>
      %dma_start3A_759 = arith.constant 13 : i32
      %dma_start3A_760 = arith.constant 256 : i32
      %dma_start3A_761 = tpu.memref_slice %arg5[%dma_start3A_759, %dma_start3A_760] : memref<32x512xf32, #tpu.memory_space<vmem>> -> memref<1x256xf32, #tpu.memory_space<vmem>>
      %dma_start3A_762 = arith.constant 0 : i32
      %dma_start3A_763 = tpu.memref_slice %arg2[%add3A, %dma_start3A_762] : memref<32x256xf32, #tpu.memory_space<hbm>> -> memref<1x256xf32, #tpu.memory_space<hbm>>
      %dma_start3A_764 = arith.constant 13 : i32
      %dma_start3A_765 = arith.constant 256 : i32
      %dma_start3A_766 = tpu.memref_slice %arg5[%dma_start3A_764, %dma_start3A_765] : memref<32x512xf32, #tpu.memory_space<vmem>> -> memref<1x256xf32, #tpu.memory_space<vmem>>
      %dma_start3A_767 = arith.constant 0 : i32
      %dma_start3A_768 = tpu.memref_slice %arg2[%add3A, %dma_start3A_767] : memref<32x256xf32, #tpu.memory_space<hbm>> -> memref<1x256xf32, #tpu.memory_space<hbm>>
      tpu.enqueue_dma source(%dma_start3A_768 : memref<1x256xf32, #tpu.memory_space<hbm>>) target(%dma_start3A_766 : memref<1x256xf32, #tpu.memory_space<vmem>>) target_semaphore(%run_scoped3A : memref<!tpu.dma_semaphore, #tpu.memory_space<semaphore_mem>>)
      %dma_wait3A_769 = arith.constant 13 : i32
      %dma_wait3A_770 = arith.constant 256 : i32
      %dma_wait3A_771 = tpu.memref_slice %arg5[%dma_wait3A_769, %dma_wait3A_770] : memref<32x512xf32, #tpu.memory_space<vmem>> -> memref<1x256xf32, #tpu.memory_space<vmem>>
      %dma_wait3A_772 = arith.constant 0 : i32
      %dma_wait3A_773 = tpu.memref_slice %arg2[%add3A, %dma_wait3A_772] : memref<32x256xf32, #tpu.memory_space<hbm>> -> memref<1x256xf32, #tpu.memory_space<hbm>>
      %dma_wait3A_774 = arith.constant 13 : i32
      %dma_wait3A_775 = arith.constant 256 : i32
      %dma_wait3A_776 = tpu.memref_slice %arg5[%dma_wait3A_774, %dma_wait3A_775] : memref<32x512xf32, #tpu.memory_space<vmem>> -> memref<1x256xf32, #tpu.memory_space<vmem>>
      %dma_wait3A_777 = arith.constant 0 : i32
      %dma_wait3A_778 = tpu.memref_slice %arg2[%add3A, %dma_wait3A_777] : memref<32x256xf32, #tpu.memory_space<hbm>> -> memref<1x256xf32, #tpu.memory_space<hbm>>
      tpu.wait_dma2 semaphore(%run_scoped3A : memref<!tpu.dma_semaphore, #tpu.memory_space<semaphore_mem>>) src(%dma_wait3A_778 : memref<1x256xf32, #tpu.memory_space<hbm>>) dst(%dma_wait3A_776 : memref<1x256xf32, #tpu.memory_space<vmem>>)
      tpu.yield
    }) : () -> ()
    "tpu.region"() ({
      %run_scoped3A = tpu.sem_alloc : memref<!tpu.dma_semaphore, #tpu.memory_space<semaphore_mem>>
      %dma_start3A_759 = arith.constant 14 : i32
      %dma_start3A_760 = arith.constant 256 : i32
      %dma_start3A_761 = tpu.memref_slice %arg5[%dma_start3A_759, %dma_start3A_760] : memref<32x512xf32, #tpu.memory_space<vmem>> -> memref<1x256xf32, #tpu.memory_space<vmem>>
      %dma_start3A_762 = arith.constant 0 : i32
      %dma_start3A_763 = tpu.memref_slice %arg2[%add3A, %dma_start3A_762] : memref<32x256xf32, #tpu.memory_space<hbm>> -> memref<1x256xf32, #tpu.memory_space<hbm>>
      %dma_start3A_764 = arith.constant 14 : i32
      %dma_start3A_765 = arith.constant 256 : i32
      %dma_start3A_766 = tpu.memref_slice %arg5[%dma_start3A_764, %dma_start3A_765] : memref<32x512xf32, #tpu.memory_space<vmem>> -> memref<1x256xf32, #tpu.memory_space<vmem>>
      %dma_start3A_767 = arith.constant 0 : i32
      %dma_start3A_768 = tpu.memref_slice %arg2[%add3A, %dma_start3A_767] : memref<32x256xf32, #tpu.memory_space<hbm>> -> memref<1x256xf32, #tpu.memory_space<hbm>>
      tpu.enqueue_dma source(%dma_start3A_768 : memref<1x256xf32, #tpu.memory_space<hbm>>) target(%dma_start3A_766 : memref<1x256xf32, #tpu.memory_space<vmem>>) target_semaphore(%run_scoped3A : memref<!tpu.dma_semaphore, #tpu.memory_space<semaphore_mem>>)
      %dma_wait3A_769 = arith.constant 14 : i32
      %dma_wait3A_770 = arith.constant 256 : i32
      %dma_wait3A_771 = tpu.memref_slice %arg5[%dma_wait3A_769, %dma_wait3A_770] : memref<32x512xf32, #tpu.memory_space<vmem>> -> memref<1x256xf32, #tpu.memory_space<vmem>>
      %dma_wait3A_772 = arith.constant 0 : i32
      %dma_wait3A_773 = tpu.memref_slice %arg2[%add3A, %dma_wait3A_772] : memref<32x256xf32, #tpu.memory_space<hbm>> -> memref<1x256xf32, #tpu.memory_space<hbm>>
      %dma_wait3A_774 = arith.constant 14 : i32
      %dma_wait3A_775 = arith.constant 256 : i32
      %dma_wait3A_776 = tpu.memref_slice %arg5[%dma_wait3A_774, %dma_wait3A_775] : memref<32x512xf32, #tpu.memory_space<vmem>> -> memref<1x256xf32, #tpu.memory_space<vmem>>
      %dma_wait3A_777 = arith.constant 0 : i32
      %dma_wait3A_778 = tpu.memref_slice %arg2[%add3A, %dma_wait3A_777] : memref<32x256xf32, #tpu.memory_space<hbm>> -> memref<1x256xf32, #tpu.memory_space<hbm>>
      tpu.wait_dma2 semaphore(%run_scoped3A : memref<!tpu.dma_semaphore, #tpu.memory_space<semaphore_mem>>) src(%dma_wait3A_778 : memref<1x256xf32, #tpu.memory_space<hbm>>) dst(%dma_wait3A_776 : memref<1x256xf32, #tpu.memory_space<vmem>>)
      tpu.yield
    }) : () -> ()
    "tpu.region"() ({
      %run_scoped3A = tpu.sem_alloc : memref<!tpu.dma_semaphore, #tpu.memory_space<semaphore_mem>>
      %dma_start3A_759 = arith.constant 15 : i32
      %dma_start3A_760 = arith.constant 256 : i32
      %dma_start3A_761 = tpu.memref_slice %arg5[%dma_start3A_759, %dma_start3A_760] : memref<32x512xf32, #tpu.memory_space<vmem>> -> memref<1x256xf32, #tpu.memory_space<vmem>>
      %dma_start3A_762 = arith.constant 0 : i32
      %dma_start3A_763 = tpu.memref_slice %arg2[%add3A, %dma_start3A_762] : memref<32x256xf32, #tpu.memory_space<hbm>> -> memref<1x256xf32, #tpu.memory_space<hbm>>
      %dma_start3A_764 = arith.constant 15 : i32
      %dma_start3A_765 = arith.constant 256 : i32
      %dma_start3A_766 = tpu.memref_slice %arg5[%dma_start3A_764, %dma_start3A_765] : memref<32x512xf32, #tpu.memory_space<vmem>> -> memref<1x256xf32, #tpu.memory_space<vmem>>
      %dma_start3A_767 = arith.constant 0 : i32
      %dma_start3A_768 = tpu.memref_slice %arg2[%add3A, %dma_start3A_767] : memref<32x256xf32, #tpu.memory_space<hbm>> -> memref<1x256xf32, #tpu.memory_space<hbm>>
      tpu.enqueue_dma source(%dma_start3A_768 : memref<1x256xf32, #tpu.memory_space<hbm>>) target(%dma_start3A_766 : memref<1x256xf32, #tpu.memory_space<vmem>>) target_semaphore(%run_scoped3A : memref<!tpu.dma_semaphore, #tpu.memory_space<semaphore_mem>>)
      %dma_wait3A_769 = arith.constant 15 : i32
      %dma_wait3A_770 = arith.constant 256 : i32
      %dma_wait3A_771 = tpu.memref_slice %arg5[%dma_wait3A_769, %dma_wait3A_770] : memref<32x512xf32, #tpu.memory_space<vmem>> -> memref<1x256xf32, #tpu.memory_space<vmem>>
      %dma_wait3A_772 = arith.constant 0 : i32
      %dma_wait3A_773 = tpu.memref_slice %arg2[%add3A, %dma_wait3A_772] : memref<32x256xf32, #tpu.memory_space<hbm>> -> memref<1x256xf32, #tpu.memory_space<hbm>>
      %dma_wait3A_774 = arith.constant 15 : i32
      %dma_wait3A_775 = arith.constant 256 : i32
      %dma_wait3A_776 = tpu.memref_slice %arg5[%dma_wait3A_774, %dma_wait3A_775] : memref<32x512xf32, #tpu.memory_space<vmem>> -> memref<1x256xf32, #tpu.memory_space<vmem>>
      %dma_wait3A_777 = arith.constant 0 : i32
      %dma_wait3A_778 = tpu.memref_slice %arg2[%add3A, %dma_wait3A_777] : memref<32x256xf32, #tpu.memory_space<hbm>> -> memref<1x256xf32, #tpu.memory_space<hbm>>
      tpu.wait_dma2 semaphore(%run_scoped3A : memref<!tpu.dma_semaphore, #tpu.memory_space<semaphore_mem>>) src(%dma_wait3A_778 : memref<1x256xf32, #tpu.memory_space<hbm>>) dst(%dma_wait3A_776 : memref<1x256xf32, #tpu.memory_space<vmem>>)
      tpu.yield
    }) : () -> ()
    "tpu.region"() ({
      %run_scoped3A = tpu.sem_alloc : memref<!tpu.dma_semaphore, #tpu.memory_space<semaphore_mem>>
      %dma_start3A_759 = arith.constant 16 : i32
      %dma_start3A_760 = arith.constant 256 : i32
      %dma_start3A_761 = tpu.memref_slice %arg5[%dma_start3A_759, %dma_start3A_760] : memref<32x512xf32, #tpu.memory_space<vmem>> -> memref<1x256xf32, #tpu.memory_space<vmem>>
      %dma_start3A_762 = arith.constant 0 : i32
      %dma_start3A_763 = tpu.memref_slice %arg2[%add3A, %dma_start3A_762] : memref<32x256xf32, #tpu.memory_space<hbm>> -> memref<1x256xf32, #tpu.memory_space<hbm>>
      %dma_start3A_764 = arith.constant 16 : i32
      %dma_start3A_765 = arith.constant 256 : i32
      %dma_start3A_766 = tpu.memref_slice %arg5[%dma_start3A_764, %dma_start3A_765] : memref<32x512xf32, #tpu.memory_space<vmem>> -> memref<1x256xf32, #tpu.memory_space<vmem>>
      %dma_start3A_767 = arith.constant 0 : i32
      %dma_start3A_768 = tpu.memref_slice %arg2[%add3A, %dma_start3A_767] : memref<32x256xf32, #tpu.memory_space<hbm>> -> memref<1x256xf32, #tpu.memory_space<hbm>>
      tpu.enqueue_dma source(%dma_start3A_768 : memref<1x256xf32, #tpu.memory_space<hbm>>) target(%dma_start3A_766 : memref<1x256xf32, #tpu.memory_space<vmem>>) target_semaphore(%run_scoped3A : memref<!tpu.dma_semaphore, #tpu.memory_space<semaphore_mem>>)
      %dma_wait3A_769 = arith.constant 16 : i32
      %dma_wait3A_770 = arith.constant 256 : i32
      %dma_wait3A_771 = tpu.memref_slice %arg5[%dma_wait3A_769, %dma_wait3A_770] : memref<32x512xf32, #tpu.memory_space<vmem>> -> memref<1x256xf32, #tpu.memory_space<vmem>>
      %dma_wait3A_772 = arith.constant 0 : i32
      %dma_wait3A_773 = tpu.memref_slice %arg2[%add3A, %dma_wait3A_772] : memref<32x256xf32, #tpu.memory_space<hbm>> -> memref<1x256xf32, #tpu.memory_space<hbm>>
      %dma_wait3A_774 = arith.constant 16 : i32
      %dma_wait3A_775 = arith.constant 256 : i32
      %dma_wait3A_776 = tpu.memref_slice %arg5[%dma_wait3A_774, %dma_wait3A_775] : memref<32x512xf32, #tpu.memory_space<vmem>> -> memref<1x256xf32, #tpu.memory_space<vmem>>
      %dma_wait3A_777 = arith.constant 0 : i32
      %dma_wait3A_778 = tpu.memref_slice %arg2[%add3A, %dma_wait3A_777] : memref<32x256xf32, #tpu.memory_space<hbm>> -> memref<1x256xf32, #tpu.memory_space<hbm>>
      tpu.wait_dma2 semaphore(%run_scoped3A : memref<!tpu.dma_semaphore, #tpu.memory_space<semaphore_mem>>) src(%dma_wait3A_778 : memref<1x256xf32, #tpu.memory_space<hbm>>) dst(%dma_wait3A_776 : memref<1x256xf32, #tpu.memory_space<vmem>>)
      tpu.yield
    }) : () -> ()
    "tpu.region"() ({
      %run_scoped3A = tpu.sem_alloc : memref<!tpu.dma_semaphore, #tpu.memory_space<semaphore_mem>>
      %dma_start3A_759 = arith.constant 17 : i32
      %dma_start3A_760 = arith.constant 256 : i32
      %dma_start3A_761 = tpu.memref_slice %arg5[%dma_start3A_759, %dma_start3A_760] : memref<32x512xf32, #tpu.memory_space<vmem>> -> memref<1x256xf32, #tpu.memory_space<vmem>>
      %dma_start3A_762 = arith.constant 0 : i32
      %dma_start3A_763 = tpu.memref_slice %arg2[%add3A, %dma_start3A_762] : memref<32x256xf32, #tpu.memory_space<hbm>> -> memref<1x256xf32, #tpu.memory_space<hbm>>
      %dma_start3A_764 = arith.constant 17 : i32
      %dma_start3A_765 = arith.constant 256 : i32
      %dma_start3A_766 = tpu.memref_slice %arg5[%dma_start3A_764, %dma_start3A_765] : memref<32x512xf32, #tpu.memory_space<vmem>> -> memref<1x256xf32, #tpu.memory_space<vmem>>
      %dma_start3A_767 = arith.constant 0 : i32
      %dma_start3A_768 = tpu.memref_slice %arg2[%add3A, %dma_start3A_767] : memref<32x256xf32, #tpu.memory_space<hbm>> -> memref<1x256xf32, #tpu.memory_space<hbm>>
      tpu.enqueue_dma source(%dma_start3A_768 : memref<1x256xf32, #tpu.memory_space<hbm>>) target(%dma_start3A_766 : memref<1x256xf32, #tpu.memory_space<vmem>>) target_semaphore(%run_scoped3A : memref<!tpu.dma_semaphore, #tpu.memory_space<semaphore_mem>>)
      %dma_wait3A_769 = arith.constant 17 : i32
      %dma_wait3A_770 = arith.constant 256 : i32
      %dma_wait3A_771 = tpu.memref_slice %arg5[%dma_wait3A_769, %dma_wait3A_770] : memref<32x512xf32, #tpu.memory_space<vmem>> -> memref<1x256xf32, #tpu.memory_space<vmem>>
      %dma_wait3A_772 = arith.constant 0 : i32
      %dma_wait3A_773 = tpu.memref_slice %arg2[%add3A, %dma_wait3A_772] : memref<32x256xf32, #tpu.memory_space<hbm>> -> memref<1x256xf32, #tpu.memory_space<hbm>>
      %dma_wait3A_774 = arith.constant 17 : i32
      %dma_wait3A_775 = arith.constant 256 : i32
      %dma_wait3A_776 = tpu.memref_slice %arg5[%dma_wait3A_774, %dma_wait3A_775] : memref<32x512xf32, #tpu.memory_space<vmem>> -> memref<1x256xf32, #tpu.memory_space<vmem>>
      %dma_wait3A_777 = arith.constant 0 : i32
      %dma_wait3A_778 = tpu.memref_slice %arg2[%add3A, %dma_wait3A_777] : memref<32x256xf32, #tpu.memory_space<hbm>> -> memref<1x256xf32, #tpu.memory_space<hbm>>
      tpu.wait_dma2 semaphore(%run_scoped3A : memref<!tpu.dma_semaphore, #tpu.memory_space<semaphore_mem>>) src(%dma_wait3A_778 : memref<1x256xf32, #tpu.memory_space<hbm>>) dst(%dma_wait3A_776 : memref<1x256xf32, #tpu.memory_space<vmem>>)
      tpu.yield
    }) : () -> ()
    "tpu.region"() ({
      %run_scoped3A = tpu.sem_alloc : memref<!tpu.dma_semaphore, #tpu.memory_space<semaphore_mem>>
      %dma_start3A_759 = arith.constant 18 : i32
      %dma_start3A_760 = arith.constant 256 : i32
      %dma_start3A_761 = tpu.memref_slice %arg5[%dma_start3A_759, %dma_start3A_760] : memref<32x512xf32, #tpu.memory_space<vmem>> -> memref<1x256xf32, #tpu.memory_space<vmem>>
      %dma_start3A_762 = arith.constant 0 : i32
      %dma_start3A_763 = tpu.memref_slice %arg2[%add3A, %dma_start3A_762] : memref<32x256xf32, #tpu.memory_space<hbm>> -> memref<1x256xf32, #tpu.memory_space<hbm>>
      %dma_start3A_764 = arith.constant 18 : i32
      %dma_start3A_765 = arith.constant 256 : i32
      %dma_start3A_766 = tpu.memref_slice %arg5[%dma_start3A_764, %dma_start3A_765] : memref<32x512xf32, #tpu.memory_space<vmem>> -> memref<1x256xf32, #tpu.memory_space<vmem>>
      %dma_start3A_767 = arith.constant 0 : i32
      %dma_start3A_768 = tpu.memref_slice %arg2[%add3A, %dma_start3A_767] : memref<32x256xf32, #tpu.memory_space<hbm>> -> memref<1x256xf32, #tpu.memory_space<hbm>>
      tpu.enqueue_dma source(%dma_start3A_768 : memref<1x256xf32, #tpu.memory_space<hbm>>) target(%dma_start3A_766 : memref<1x256xf32, #tpu.memory_space<vmem>>) target_semaphore(%run_scoped3A : memref<!tpu.dma_semaphore, #tpu.memory_space<semaphore_mem>>)
      %dma_wait3A_769 = arith.constant 18 : i32
      %dma_wait3A_770 = arith.constant 256 : i32
      %dma_wait3A_771 = tpu.memref_slice %arg5[%dma_wait3A_769, %dma_wait3A_770] : memref<32x512xf32, #tpu.memory_space<vmem>> -> memref<1x256xf32, #tpu.memory_space<vmem>>
      %dma_wait3A_772 = arith.constant 0 : i32
      %dma_wait3A_773 = tpu.memref_slice %arg2[%add3A, %dma_wait3A_772] : memref<32x256xf32, #tpu.memory_space<hbm>> -> memref<1x256xf32, #tpu.memory_space<hbm>>
      %dma_wait3A_774 = arith.constant 18 : i32
      %dma_wait3A_775 = arith.constant 256 : i32
      %dma_wait3A_776 = tpu.memref_slice %arg5[%dma_wait3A_774, %dma_wait3A_775] : memref<32x512xf32, #tpu.memory_space<vmem>> -> memref<1x256xf32, #tpu.memory_space<vmem>>
      %dma_wait3A_777 = arith.constant 0 : i32
      %dma_wait3A_778 = tpu.memref_slice %arg2[%add3A, %dma_wait3A_777] : memref<32x256xf32, #tpu.memory_space<hbm>> -> memref<1x256xf32, #tpu.memory_space<hbm>>
      tpu.wait_dma2 semaphore(%run_scoped3A : memref<!tpu.dma_semaphore, #tpu.memory_space<semaphore_mem>>) src(%dma_wait3A_778 : memref<1x256xf32, #tpu.memory_space<hbm>>) dst(%dma_wait3A_776 : memref<1x256xf32, #tpu.memory_space<vmem>>)
      tpu.yield
    }) : () -> ()
    "tpu.region"() ({
      %run_scoped3A = tpu.sem_alloc : memref<!tpu.dma_semaphore, #tpu.memory_space<semaphore_mem>>
      %dma_start3A_759 = arith.constant 19 : i32
      %dma_start3A_760 = arith.constant 256 : i32
      %dma_start3A_761 = tpu.memref_slice %arg5[%dma_start3A_759, %dma_start3A_760] : memref<32x512xf32, #tpu.memory_space<vmem>> -> memref<1x256xf32, #tpu.memory_space<vmem>>
      %dma_start3A_762 = arith.constant 0 : i32
      %dma_start3A_763 = tpu.memref_slice %arg2[%add3A, %dma_start3A_762] : memref<32x256xf32, #tpu.memory_space<hbm>> -> memref<1x256xf32, #tpu.memory_space<hbm>>
      %dma_start3A_764 = arith.constant 19 : i32
      %dma_start3A_765 = arith.constant 256 : i32
      %dma_start3A_766 = tpu.memref_slice %arg5[%dma_start3A_764, %dma_start3A_765] : memref<32x512xf32, #tpu.memory_space<vmem>> -> memref<1x256xf32, #tpu.memory_space<vmem>>
      %dma_start3A_767 = arith.constant 0 : i32
      %dma_start3A_768 = tpu.memref_slice %arg2[%add3A, %dma_start3A_767] : memref<32x256xf32, #tpu.memory_space<hbm>> -> memref<1x256xf32, #tpu.memory_space<hbm>>
      tpu.enqueue_dma source(%dma_start3A_768 : memref<1x256xf32, #tpu.memory_space<hbm>>) target(%dma_start3A_766 : memref<1x256xf32, #tpu.memory_space<vmem>>) target_semaphore(%run_scoped3A : memref<!tpu.dma_semaphore, #tpu.memory_space<semaphore_mem>>)
      %dma_wait3A_769 = arith.constant 19 : i32
      %dma_wait3A_770 = arith.constant 256 : i32
      %dma_wait3A_771 = tpu.memref_slice %arg5[%dma_wait3A_769, %dma_wait3A_770] : memref<32x512xf32, #tpu.memory_space<vmem>> -> memref<1x256xf32, #tpu.memory_space<vmem>>
      %dma_wait3A_772 = arith.constant 0 : i32
      %dma_wait3A_773 = tpu.memref_slice %arg2[%add3A, %dma_wait3A_772] : memref<32x256xf32, #tpu.memory_space<hbm>> -> memref<1x256xf32, #tpu.memory_space<hbm>>
      %dma_wait3A_774 = arith.constant 19 : i32
      %dma_wait3A_775 = arith.constant 256 : i32
      %dma_wait3A_776 = tpu.memref_slice %arg5[%dma_wait3A_774, %dma_wait3A_775] : memref<32x512xf32, #tpu.memory_space<vmem>> -> memref<1x256xf32, #tpu.memory_space<vmem>>
      %dma_wait3A_777 = arith.constant 0 : i32
      %dma_wait3A_778 = tpu.memref_slice %arg2[%add3A, %dma_wait3A_777] : memref<32x256xf32, #tpu.memory_space<hbm>> -> memref<1x256xf32, #tpu.memory_space<hbm>>
      tpu.wait_dma2 semaphore(%run_scoped3A : memref<!tpu.dma_semaphore, #tpu.memory_space<semaphore_mem>>) src(%dma_wait3A_778 : memref<1x256xf32, #tpu.memory_space<hbm>>) dst(%dma_wait3A_776 : memref<1x256xf32, #tpu.memory_space<vmem>>)
      tpu.yield
    }) : () -> ()
    "tpu.region"() ({
      %run_scoped3A = tpu.sem_alloc : memref<!tpu.dma_semaphore, #tpu.memory_space<semaphore_mem>>
      %dma_start3A_759 = arith.constant 20 : i32
      %dma_start3A_760 = arith.constant 256 : i32
      %dma_start3A_761 = tpu.memref_slice %arg5[%dma_start3A_759, %dma_start3A_760] : memref<32x512xf32, #tpu.memory_space<vmem>> -> memref<1x256xf32, #tpu.memory_space<vmem>>
      %dma_start3A_762 = arith.constant 0 : i32
      %dma_start3A_763 = tpu.memref_slice %arg2[%add3A, %dma_start3A_762] : memref<32x256xf32, #tpu.memory_space<hbm>> -> memref<1x256xf32, #tpu.memory_space<hbm>>
      %dma_start3A_764 = arith.constant 20 : i32
      %dma_start3A_765 = arith.constant 256 : i32
      %dma_start3A_766 = tpu.memref_slice %arg5[%dma_start3A_764, %dma_start3A_765] : memref<32x512xf32, #tpu.memory_space<vmem>> -> memref<1x256xf32, #tpu.memory_space<vmem>>
      %dma_start3A_767 = arith.constant 0 : i32
      %dma_start3A_768 = tpu.memref_slice %arg2[%add3A, %dma_start3A_767] : memref<32x256xf32, #tpu.memory_space<hbm>> -> memref<1x256xf32, #tpu.memory_space<hbm>>
      tpu.enqueue_dma source(%dma_start3A_768 : memref<1x256xf32, #tpu.memory_space<hbm>>) target(%dma_start3A_766 : memref<1x256xf32, #tpu.memory_space<vmem>>) target_semaphore(%run_scoped3A : memref<!tpu.dma_semaphore, #tpu.memory_space<semaphore_mem>>)
      %dma_wait3A_769 = arith.constant 20 : i32
      %dma_wait3A_770 = arith.constant 256 : i32
      %dma_wait3A_771 = tpu.memref_slice %arg5[%dma_wait3A_769, %dma_wait3A_770] : memref<32x512xf32, #tpu.memory_space<vmem>> -> memref<1x256xf32, #tpu.memory_space<vmem>>
      %dma_wait3A_772 = arith.constant 0 : i32
      %dma_wait3A_773 = tpu.memref_slice %arg2[%add3A, %dma_wait3A_772] : memref<32x256xf32, #tpu.memory_space<hbm>> -> memref<1x256xf32, #tpu.memory_space<hbm>>
      %dma_wait3A_774 = arith.constant 20 : i32
      %dma_wait3A_775 = arith.constant 256 : i32
      %dma_wait3A_776 = tpu.memref_slice %arg5[%dma_wait3A_774, %dma_wait3A_775] : memref<32x512xf32, #tpu.memory_space<vmem>> -> memref<1x256xf32, #tpu.memory_space<vmem>>
      %dma_wait3A_777 = arith.constant 0 : i32
      %dma_wait3A_778 = tpu.memref_slice %arg2[%add3A, %dma_wait3A_777] : memref<32x256xf32, #tpu.memory_space<hbm>> -> memref<1x256xf32, #tpu.memory_space<hbm>>
      tpu.wait_dma2 semaphore(%run_scoped3A : memref<!tpu.dma_semaphore, #tpu.memory_space<semaphore_mem>>) src(%dma_wait3A_778 : memref<1x256xf32, #tpu.memory_space<hbm>>) dst(%dma_wait3A_776 : memref<1x256xf32, #tpu.memory_space<vmem>>)
      tpu.yield
    }) : () -> ()
    "tpu.region"() ({
      %run_scoped3A = tpu.sem_alloc : memref<!tpu.dma_semaphore, #tpu.memory_space<semaphore_mem>>
      %dma_start3A_759 = arith.constant 21 : i32
      %dma_start3A_760 = arith.constant 256 : i32
      %dma_start3A_761 = tpu.memref_slice %arg5[%dma_start3A_759, %dma_start3A_760] : memref<32x512xf32, #tpu.memory_space<vmem>> -> memref<1x256xf32, #tpu.memory_space<vmem>>
      %dma_start3A_762 = arith.constant 0 : i32
      %dma_start3A_763 = tpu.memref_slice %arg2[%add3A, %dma_start3A_762] : memref<32x256xf32, #tpu.memory_space<hbm>> -> memref<1x256xf32, #tpu.memory_space<hbm>>
      %dma_start3A_764 = arith.constant 21 : i32
      %dma_start3A_765 = arith.constant 256 : i32
      %dma_start3A_766 = tpu.memref_slice %arg5[%dma_start3A_764, %dma_start3A_765] : memref<32x512xf32, #tpu.memory_space<vmem>> -> memref<1x256xf32, #tpu.memory_space<vmem>>
      %dma_start3A_767 = arith.constant 0 : i32
      %dma_start3A_768 = tpu.memref_slice %arg2[%add3A, %dma_start3A_767] : memref<32x256xf32, #tpu.memory_space<hbm>> -> memref<1x256xf32, #tpu.memory_space<hbm>>
      tpu.enqueue_dma source(%dma_start3A_768 : memref<1x256xf32, #tpu.memory_space<hbm>>) target(%dma_start3A_766 : memref<1x256xf32, #tpu.memory_space<vmem>>) target_semaphore(%run_scoped3A : memref<!tpu.dma_semaphore, #tpu.memory_space<semaphore_mem>>)
      %dma_wait3A_769 = arith.constant 21 : i32
      %dma_wait3A_770 = arith.constant 256 : i32
      %dma_wait3A_771 = tpu.memref_slice %arg5[%dma_wait3A_769, %dma_wait3A_770] : memref<32x512xf32, #tpu.memory_space<vmem>> -> memref<1x256xf32, #tpu.memory_space<vmem>>
      %dma_wait3A_772 = arith.constant 0 : i32
      %dma_wait3A_773 = tpu.memref_slice %arg2[%add3A, %dma_wait3A_772] : memref<32x256xf32, #tpu.memory_space<hbm>> -> memref<1x256xf32, #tpu.memory_space<hbm>>
      %dma_wait3A_774 = arith.constant 21 : i32
      %dma_wait3A_775 = arith.constant 256 : i32
      %dma_wait3A_776 = tpu.memref_slice %arg5[%dma_wait3A_774, %dma_wait3A_775] : memref<32x512xf32, #tpu.memory_space<vmem>> -> memref<1x256xf32, #tpu.memory_space<vmem>>
      %dma_wait3A_777 = arith.constant 0 : i32
      %dma_wait3A_778 = tpu.memref_slice %arg2[%add3A, %dma_wait3A_777] : memref<32x256xf32, #tpu.memory_space<hbm>> -> memref<1x256xf32, #tpu.memory_space<hbm>>
      tpu.wait_dma2 semaphore(%run_scoped3A : memref<!tpu.dma_semaphore, #tpu.memory_space<semaphore_mem>>) src(%dma_wait3A_778 : memref<1x256xf32, #tpu.memory_space<hbm>>) dst(%dma_wait3A_776 : memref<1x256xf32, #tpu.memory_space<vmem>>)
      tpu.yield
    }) : () -> ()
    "tpu.region"() ({
      %run_scoped3A = tpu.sem_alloc : memref<!tpu.dma_semaphore, #tpu.memory_space<semaphore_mem>>
      %dma_start3A_759 = arith.constant 22 : i32
      %dma_start3A_760 = arith.constant 256 : i32
      %dma_start3A_761 = tpu.memref_slice %arg5[%dma_start3A_759, %dma_start3A_760] : memref<32x512xf32, #tpu.memory_space<vmem>> -> memref<1x256xf32, #tpu.memory_space<vmem>>
      %dma_start3A_762 = arith.constant 0 : i32
      %dma_start3A_763 = tpu.memref_slice %arg2[%add3A, %dma_start3A_762] : memref<32x256xf32, #tpu.memory_space<hbm>> -> memref<1x256xf32, #tpu.memory_space<hbm>>
      %dma_start3A_764 = arith.constant 22 : i32
      %dma_start3A_765 = arith.constant 256 : i32
      %dma_start3A_766 = tpu.memref_slice %arg5[%dma_start3A_764, %dma_start3A_765] : memref<32x512xf32, #tpu.memory_space<vmem>> -> memref<1x256xf32, #tpu.memory_space<vmem>>
      %dma_start3A_767 = arith.constant 0 : i32
      %dma_start3A_768 = tpu.memref_slice %arg2[%add3A, %dma_start3A_767] : memref<32x256xf32, #tpu.memory_space<hbm>> -> memref<1x256xf32, #tpu.memory_space<hbm>>
      tpu.enqueue_dma source(%dma_start3A_768 : memref<1x256xf32, #tpu.memory_space<hbm>>) target(%dma_start3A_766 : memref<1x256xf32, #tpu.memory_space<vmem>>) target_semaphore(%run_scoped3A : memref<!tpu.dma_semaphore, #tpu.memory_space<semaphore_mem>>)
      %dma_wait3A_769 = arith.constant 22 : i32
      %dma_wait3A_770 = arith.constant 256 : i32
      %dma_wait3A_771 = tpu.memref_slice %arg5[%dma_wait3A_769, %dma_wait3A_770] : memref<32x512xf32, #tpu.memory_space<vmem>> -> memref<1x256xf32, #tpu.memory_space<vmem>>
      %dma_wait3A_772 = arith.constant 0 : i32
      %dma_wait3A_773 = tpu.memref_slice %arg2[%add3A, %dma_wait3A_772] : memref<32x256xf32, #tpu.memory_space<hbm>> -> memref<1x256xf32, #tpu.memory_space<hbm>>
      %dma_wait3A_774 = arith.constant 22 : i32
      %dma_wait3A_775 = arith.constant 256 : i32
      %dma_wait3A_776 = tpu.memref_slice %arg5[%dma_wait3A_774, %dma_wait3A_775] : memref<32x512xf32, #tpu.memory_space<vmem>> -> memref<1x256xf32, #tpu.memory_space<vmem>>
      %dma_wait3A_777 = arith.constant 0 : i32
      %dma_wait3A_778 = tpu.memref_slice %arg2[%add3A, %dma_wait3A_777] : memref<32x256xf32, #tpu.memory_space<hbm>> -> memref<1x256xf32, #tpu.memory_space<hbm>>
      tpu.wait_dma2 semaphore(%run_scoped3A : memref<!tpu.dma_semaphore, #tpu.memory_space<semaphore_mem>>) src(%dma_wait3A_778 : memref<1x256xf32, #tpu.memory_space<hbm>>) dst(%dma_wait3A_776 : memref<1x256xf32, #tpu.memory_space<vmem>>)
      tpu.yield
    }) : () -> ()
    "tpu.region"() ({
      %run_scoped3A = tpu.sem_alloc : memref<!tpu.dma_semaphore, #tpu.memory_space<semaphore_mem>>
      %dma_start3A_759 = arith.constant 23 : i32
      %dma_start3A_760 = arith.constant 256 : i32
      %dma_start3A_761 = tpu.memref_slice %arg5[%dma_start3A_759, %dma_start3A_760] : memref<32x512xf32, #tpu.memory_space<vmem>> -> memref<1x256xf32, #tpu.memory_space<vmem>>
      %dma_start3A_762 = arith.constant 0 : i32
      %dma_start3A_763 = tpu.memref_slice %arg2[%add3A, %dma_start3A_762] : memref<32x256xf32, #tpu.memory_space<hbm>> -> memref<1x256xf32, #tpu.memory_space<hbm>>
      %dma_start3A_764 = arith.constant 23 : i32
      %dma_start3A_765 = arith.constant 256 : i32
      %dma_start3A_766 = tpu.memref_slice %arg5[%dma_start3A_764, %dma_start3A_765] : memref<32x512xf32, #tpu.memory_space<vmem>> -> memref<1x256xf32, #tpu.memory_space<vmem>>
      %dma_start3A_767 = arith.constant 0 : i32
      %dma_start3A_768 = tpu.memref_slice %arg2[%add3A, %dma_start3A_767] : memref<32x256xf32, #tpu.memory_space<hbm>> -> memref<1x256xf32, #tpu.memory_space<hbm>>
      tpu.enqueue_dma source(%dma_start3A_768 : memref<1x256xf32, #tpu.memory_space<hbm>>) target(%dma_start3A_766 : memref<1x256xf32, #tpu.memory_space<vmem>>) target_semaphore(%run_scoped3A : memref<!tpu.dma_semaphore, #tpu.memory_space<semaphore_mem>>)
      %dma_wait3A_769 = arith.constant 23 : i32
      %dma_wait3A_770 = arith.constant 256 : i32
      %dma_wait3A_771 = tpu.memref_slice %arg5[%dma_wait3A_769, %dma_wait3A_770] : memref<32x512xf32, #tpu.memory_space<vmem>> -> memref<1x256xf32, #tpu.memory_space<vmem>>
      %dma_wait3A_772 = arith.constant 0 : i32
      %dma_wait3A_773 = tpu.memref_slice %arg2[%add3A, %dma_wait3A_772] : memref<32x256xf32, #tpu.memory_space<hbm>> -> memref<1x256xf32, #tpu.memory_space<hbm>>
      %dma_wait3A_774 = arith.constant 23 : i32
      %dma_wait3A_775 = arith.constant 256 : i32
      %dma_wait3A_776 = tpu.memref_slice %arg5[%dma_wait3A_774, %dma_wait3A_775] : memref<32x512xf32, #tpu.memory_space<vmem>> -> memref<1x256xf32, #tpu.memory_space<vmem>>
      %dma_wait3A_777 = arith.constant 0 : i32
      %dma_wait3A_778 = tpu.memref_slice %arg2[%add3A, %dma_wait3A_777] : memref<32x256xf32, #tpu.memory_space<hbm>> -> memref<1x256xf32, #tpu.memory_space<hbm>>
      tpu.wait_dma2 semaphore(%run_scoped3A : memref<!tpu.dma_semaphore, #tpu.memory_space<semaphore_mem>>) src(%dma_wait3A_778 : memref<1x256xf32, #tpu.memory_space<hbm>>) dst(%dma_wait3A_776 : memref<1x256xf32, #tpu.memory_space<vmem>>)
      tpu.yield
    }) : () -> ()
    "tpu.region"() ({
      %run_scoped3A = tpu.sem_alloc : memref<!tpu.dma_semaphore, #tpu.memory_space<semaphore_mem>>
      %dma_start3A_759 = arith.constant 24 : i32
      %dma_start3A_760 = arith.constant 256 : i32
      %dma_start3A_761 = tpu.memref_slice %arg5[%dma_start3A_759, %dma_start3A_760] : memref<32x512xf32, #tpu.memory_space<vmem>> -> memref<1x256xf32, #tpu.memory_space<vmem>>
      %dma_start3A_762 = arith.constant 0 : i32
      %dma_start3A_763 = tpu.memref_slice %arg2[%add3A, %dma_start3A_762] : memref<32x256xf32, #tpu.memory_space<hbm>> -> memref<1x256xf32, #tpu.memory_space<hbm>>
      %dma_start3A_764 = arith.constant 24 : i32
      %dma_start3A_765 = arith.constant 256 : i32
      %dma_start3A_766 = tpu.memref_slice %arg5[%dma_start3A_764, %dma_start3A_765] : memref<32x512xf32, #tpu.memory_space<vmem>> -> memref<1x256xf32, #tpu.memory_space<vmem>>
      %dma_start3A_767 = arith.constant 0 : i32
      %dma_start3A_768 = tpu.memref_slice %arg2[%add3A, %dma_start3A_767] : memref<32x256xf32, #tpu.memory_space<hbm>> -> memref<1x256xf32, #tpu.memory_space<hbm>>
      tpu.enqueue_dma source(%dma_start3A_768 : memref<1x256xf32, #tpu.memory_space<hbm>>) target(%dma_start3A_766 : memref<1x256xf32, #tpu.memory_space<vmem>>) target_semaphore(%run_scoped3A : memref<!tpu.dma_semaphore, #tpu.memory_space<semaphore_mem>>)
      %dma_wait3A_769 = arith.constant 24 : i32
      %dma_wait3A_770 = arith.constant 256 : i32
      %dma_wait3A_771 = tpu.memref_slice %arg5[%dma_wait3A_769, %dma_wait3A_770] : memref<32x512xf32, #tpu.memory_space<vmem>> -> memref<1x256xf32, #tpu.memory_space<vmem>>
      %dma_wait3A_772 = arith.constant 0 : i32
      %dma_wait3A_773 = tpu.memref_slice %arg2[%add3A, %dma_wait3A_772] : memref<32x256xf32, #tpu.memory_space<hbm>> -> memref<1x256xf32, #tpu.memory_space<hbm>>
      %dma_wait3A_774 = arith.constant 24 : i32
      %dma_wait3A_775 = arith.constant 256 : i32
      %dma_wait3A_776 = tpu.memref_slice %arg5[%dma_wait3A_774, %dma_wait3A_775] : memref<32x512xf32, #tpu.memory_space<vmem>> -> memref<1x256xf32, #tpu.memory_space<vmem>>
      %dma_wait3A_777 = arith.constant 0 : i32
      %dma_wait3A_778 = tpu.memref_slice %arg2[%add3A, %dma_wait3A_777] : memref<32x256xf32, #tpu.memory_space<hbm>> -> memref<1x256xf32, #tpu.memory_space<hbm>>
      tpu.wait_dma2 semaphore(%run_scoped3A : memref<!tpu.dma_semaphore, #tpu.memory_space<semaphore_mem>>) src(%dma_wait3A_778 : memref<1x256xf32, #tpu.memory_space<hbm>>) dst(%dma_wait3A_776 : memref<1x256xf32, #tpu.memory_space<vmem>>)
      tpu.yield
    }) : () -> ()
    "tpu.region"() ({
      %run_scoped3A = tpu.sem_alloc : memref<!tpu.dma_semaphore, #tpu.memory_space<semaphore_mem>>
      %dma_start3A_759 = arith.constant 25 : i32
      %dma_start3A_760 = arith.constant 256 : i32
      %dma_start3A_761 = tpu.memref_slice %arg5[%dma_start3A_759, %dma_start3A_760] : memref<32x512xf32, #tpu.memory_space<vmem>> -> memref<1x256xf32, #tpu.memory_space<vmem>>
      %dma_start3A_762 = arith.constant 0 : i32
      %dma_start3A_763 = tpu.memref_slice %arg2[%add3A, %dma_start3A_762] : memref<32x256xf32, #tpu.memory_space<hbm>> -> memref<1x256xf32, #tpu.memory_space<hbm>>
      %dma_start3A_764 = arith.constant 25 : i32
      %dma_start3A_765 = arith.constant 256 : i32
      %dma_start3A_766 = tpu.memref_slice %arg5[%dma_start3A_764, %dma_start3A_765] : memref<32x512xf32, #tpu.memory_space<vmem>> -> memref<1x256xf32, #tpu.memory_space<vmem>>
      %dma_start3A_767 = arith.constant 0 : i32
      %dma_start3A_768 = tpu.memref_slice %arg2[%add3A, %dma_start3A_767] : memref<32x256xf32, #tpu.memory_space<hbm>> -> memref<1x256xf32, #tpu.memory_space<hbm>>
      tpu.enqueue_dma source(%dma_start3A_768 : memref<1x256xf32, #tpu.memory_space<hbm>>) target(%dma_start3A_766 : memref<1x256xf32, #tpu.memory_space<vmem>>) target_semaphore(%run_scoped3A : memref<!tpu.dma_semaphore, #tpu.memory_space<semaphore_mem>>)
      %dma_wait3A_769 = arith.constant 25 : i32
      %dma_wait3A_770 = arith.constant 256 : i32
      %dma_wait3A_771 = tpu.memref_slice %arg5[%dma_wait3A_769, %dma_wait3A_770] : memref<32x512xf32, #tpu.memory_space<vmem>> -> memref<1x256xf32, #tpu.memory_space<vmem>>
      %dma_wait3A_772 = arith.constant 0 : i32
      %dma_wait3A_773 = tpu.memref_slice %arg2[%add3A, %dma_wait3A_772] : memref<32x256xf32, #tpu.memory_space<hbm>> -> memref<1x256xf32, #tpu.memory_space<hbm>>
      %dma_wait3A_774 = arith.constant 25 : i32
      %dma_wait3A_775 = arith.constant 256 : i32
      %dma_wait3A_776 = tpu.memref_slice %arg5[%dma_wait3A_774, %dma_wait3A_775] : memref<32x512xf32, #tpu.memory_space<vmem>> -> memref<1x256xf32, #tpu.memory_space<vmem>>
      %dma_wait3A_777 = arith.constant 0 : i32
      %dma_wait3A_778 = tpu.memref_slice %arg2[%add3A, %dma_wait3A_777] : memref<32x256xf32, #tpu.memory_space<hbm>> -> memref<1x256xf32, #tpu.memory_space<hbm>>
      tpu.wait_dma2 semaphore(%run_scoped3A : memref<!tpu.dma_semaphore, #tpu.memory_space<semaphore_mem>>) src(%dma_wait3A_778 : memref<1x256xf32, #tpu.memory_space<hbm>>) dst(%dma_wait3A_776 : memref<1x256xf32, #tpu.memory_space<vmem>>)
      tpu.yield
    }) : () -> ()
    "tpu.region"() ({
      %run_scoped3A = tpu.sem_alloc : memref<!tpu.dma_semaphore, #tpu.memory_space<semaphore_mem>>
      %dma_start3A_759 = arith.constant 26 : i32
      %dma_start3A_760 = arith.constant 256 : i32
      %dma_start3A_761 = tpu.memref_slice %arg5[%dma_start3A_759, %dma_start3A_760] : memref<32x512xf32, #tpu.memory_space<vmem>> -> memref<1x256xf32, #tpu.memory_space<vmem>>
      %dma_start3A_762 = arith.constant 0 : i32
      %dma_start3A_763 = tpu.memref_slice %arg2[%add3A, %dma_start3A_762] : memref<32x256xf32, #tpu.memory_space<hbm>> -> memref<1x256xf32, #tpu.memory_space<hbm>>
      %dma_start3A_764 = arith.constant 26 : i32
      %dma_start3A_765 = arith.constant 256 : i32
      %dma_start3A_766 = tpu.memref_slice %arg5[%dma_start3A_764, %dma_start3A_765] : memref<32x512xf32, #tpu.memory_space<vmem>> -> memref<1x256xf32, #tpu.memory_space<vmem>>
      %dma_start3A_767 = arith.constant 0 : i32
      %dma_start3A_768 = tpu.memref_slice %arg2[%add3A, %dma_start3A_767] : memref<32x256xf32, #tpu.memory_space<hbm>> -> memref<1x256xf32, #tpu.memory_space<hbm>>
      tpu.enqueue_dma source(%dma_start3A_768 : memref<1x256xf32, #tpu.memory_space<hbm>>) target(%dma_start3A_766 : memref<1x256xf32, #tpu.memory_space<vmem>>) target_semaphore(%run_scoped3A : memref<!tpu.dma_semaphore, #tpu.memory_space<semaphore_mem>>)
      %dma_wait3A_769 = arith.constant 26 : i32
      %dma_wait3A_770 = arith.constant 256 : i32
      %dma_wait3A_771 = tpu.memref_slice %arg5[%dma_wait3A_769, %dma_wait3A_770] : memref<32x512xf32, #tpu.memory_space<vmem>> -> memref<1x256xf32, #tpu.memory_space<vmem>>
      %dma_wait3A_772 = arith.constant 0 : i32
      %dma_wait3A_773 = tpu.memref_slice %arg2[%add3A, %dma_wait3A_772] : memref<32x256xf32, #tpu.memory_space<hbm>> -> memref<1x256xf32, #tpu.memory_space<hbm>>
      %dma_wait3A_774 = arith.constant 26 : i32
      %dma_wait3A_775 = arith.constant 256 : i32
      %dma_wait3A_776 = tpu.memref_slice %arg5[%dma_wait3A_774, %dma_wait3A_775] : memref<32x512xf32, #tpu.memory_space<vmem>> -> memref<1x256xf32, #tpu.memory_space<vmem>>
      %dma_wait3A_777 = arith.constant 0 : i32
      %dma_wait3A_778 = tpu.memref_slice %arg2[%add3A, %dma_wait3A_777] : memref<32x256xf32, #tpu.memory_space<hbm>> -> memref<1x256xf32, #tpu.memory_space<hbm>>
      tpu.wait_dma2 semaphore(%run_scoped3A : memref<!tpu.dma_semaphore, #tpu.memory_space<semaphore_mem>>) src(%dma_wait3A_778 : memref<1x256xf32, #tpu.memory_space<hbm>>) dst(%dma_wait3A_776 : memref<1x256xf32, #tpu.memory_space<vmem>>)
      tpu.yield
    }) : () -> ()
    "tpu.region"() ({
      %run_scoped3A = tpu.sem_alloc : memref<!tpu.dma_semaphore, #tpu.memory_space<semaphore_mem>>
      %dma_start3A_759 = arith.constant 27 : i32
      %dma_start3A_760 = arith.constant 256 : i32
      %dma_start3A_761 = tpu.memref_slice %arg5[%dma_start3A_759, %dma_start3A_760] : memref<32x512xf32, #tpu.memory_space<vmem>> -> memref<1x256xf32, #tpu.memory_space<vmem>>
      %dma_start3A_762 = arith.constant 0 : i32
      %dma_start3A_763 = tpu.memref_slice %arg2[%add3A, %dma_start3A_762] : memref<32x256xf32, #tpu.memory_space<hbm>> -> memref<1x256xf32, #tpu.memory_space<hbm>>
      %dma_start3A_764 = arith.constant 27 : i32
      %dma_start3A_765 = arith.constant 256 : i32
      %dma_start3A_766 = tpu.memref_slice %arg5[%dma_start3A_764, %dma_start3A_765] : memref<32x512xf32, #tpu.memory_space<vmem>> -> memref<1x256xf32, #tpu.memory_space<vmem>>
      %dma_start3A_767 = arith.constant 0 : i32
      %dma_start3A_768 = tpu.memref_slice %arg2[%add3A, %dma_start3A_767] : memref<32x256xf32, #tpu.memory_space<hbm>> -> memref<1x256xf32, #tpu.memory_space<hbm>>
      tpu.enqueue_dma source(%dma_start3A_768 : memref<1x256xf32, #tpu.memory_space<hbm>>) target(%dma_start3A_766 : memref<1x256xf32, #tpu.memory_space<vmem>>) target_semaphore(%run_scoped3A : memref<!tpu.dma_semaphore, #tpu.memory_space<semaphore_mem>>)
      %dma_wait3A_769 = arith.constant 27 : i32
      %dma_wait3A_770 = arith.constant 256 : i32
      %dma_wait3A_771 = tpu.memref_slice %arg5[%dma_wait3A_769, %dma_wait3A_770] : memref<32x512xf32, #tpu.memory_space<vmem>> -> memref<1x256xf32, #tpu.memory_space<vmem>>
      %dma_wait3A_772 = arith.constant 0 : i32
      %dma_wait3A_773 = tpu.memref_slice %arg2[%add3A, %dma_wait3A_772] : memref<32x256xf32, #tpu.memory_space<hbm>> -> memref<1x256xf32, #tpu.memory_space<hbm>>
      %dma_wait3A_774 = arith.constant 27 : i32
      %dma_wait3A_775 = arith.constant 256 : i32
      %dma_wait3A_776 = tpu.memref_slice %arg5[%dma_wait3A_774, %dma_wait3A_775] : memref<32x512xf32, #tpu.memory_space<vmem>> -> memref<1x256xf32, #tpu.memory_space<vmem>>
      %dma_wait3A_777 = arith.constant 0 : i32
      %dma_wait3A_778 = tpu.memref_slice %arg2[%add3A, %dma_wait3A_777] : memref<32x256xf32, #tpu.memory_space<hbm>> -> memref<1x256xf32, #tpu.memory_space<hbm>>
      tpu.wait_dma2 semaphore(%run_scoped3A : memref<!tpu.dma_semaphore, #tpu.memory_space<semaphore_mem>>) src(%dma_wait3A_778 : memref<1x256xf32, #tpu.memory_space<hbm>>) dst(%dma_wait3A_776 : memref<1x256xf32, #tpu.memory_space<vmem>>)
      tpu.yield
    }) : () -> ()
    "tpu.region"() ({
      %run_scoped3A = tpu.sem_alloc : memref<!tpu.dma_semaphore, #tpu.memory_space<semaphore_mem>>
      %dma_start3A_759 = arith.constant 28 : i32
      %dma_start3A_760 = arith.constant 256 : i32
      %dma_start3A_761 = tpu.memref_slice %arg5[%dma_start3A_759, %dma_start3A_760] : memref<32x512xf32, #tpu.memory_space<vmem>> -> memref<1x256xf32, #tpu.memory_space<vmem>>
      %dma_start3A_762 = arith.constant 0 : i32
      %dma_start3A_763 = tpu.memref_slice %arg2[%add3A, %dma_start3A_762] : memref<32x256xf32, #tpu.memory_space<hbm>> -> memref<1x256xf32, #tpu.memory_space<hbm>>
      %dma_start3A_764 = arith.constant 28 : i32
      %dma_start3A_765 = arith.constant 256 : i32
      %dma_start3A_766 = tpu.memref_slice %arg5[%dma_start3A_764, %dma_start3A_765] : memref<32x512xf32, #tpu.memory_space<vmem>> -> memref<1x256xf32, #tpu.memory_space<vmem>>
      %dma_start3A_767 = arith.constant 0 : i32
      %dma_start3A_768 = tpu.memref_slice %arg2[%add3A, %dma_start3A_767] : memref<32x256xf32, #tpu.memory_space<hbm>> -> memref<1x256xf32, #tpu.memory_space<hbm>>
      tpu.enqueue_dma source(%dma_start3A_768 : memref<1x256xf32, #tpu.memory_space<hbm>>) target(%dma_start3A_766 : memref<1x256xf32, #tpu.memory_space<vmem>>) target_semaphore(%run_scoped3A : memref<!tpu.dma_semaphore, #tpu.memory_space<semaphore_mem>>)
      %dma_wait3A_769 = arith.constant 28 : i32
      %dma_wait3A_770 = arith.constant 256 : i32
      %dma_wait3A_771 = tpu.memref_slice %arg5[%dma_wait3A_769, %dma_wait3A_770] : memref<32x512xf32, #tpu.memory_space<vmem>> -> memref<1x256xf32, #tpu.memory_space<vmem>>
      %dma_wait3A_772 = arith.constant 0 : i32
      %dma_wait3A_773 = tpu.memref_slice %arg2[%add3A, %dma_wait3A_772] : memref<32x256xf32, #tpu.memory_space<hbm>> -> memref<1x256xf32, #tpu.memory_space<hbm>>
      %dma_wait3A_774 = arith.constant 28 : i32
      %dma_wait3A_775 = arith.constant 256 : i32
      %dma_wait3A_776 = tpu.memref_slice %arg5[%dma_wait3A_774, %dma_wait3A_775] : memref<32x512xf32, #tpu.memory_space<vmem>> -> memref<1x256xf32, #tpu.memory_space<vmem>>
      %dma_wait3A_777 = arith.constant 0 : i32
      %dma_wait3A_778 = tpu.memref_slice %arg2[%add3A, %dma_wait3A_777] : memref<32x256xf32, #tpu.memory_space<hbm>> -> memref<1x256xf32, #tpu.memory_space<hbm>>
      tpu.wait_dma2 semaphore(%run_scoped3A : memref<!tpu.dma_semaphore, #tpu.memory_space<semaphore_mem>>) src(%dma_wait3A_778 : memref<1x256xf32, #tpu.memory_space<hbm>>) dst(%dma_wait3A_776 : memref<1x256xf32, #tpu.memory_space<vmem>>)
      tpu.yield
    }) : () -> ()
    "tpu.region"() ({
      %run_scoped3A = tpu.sem_alloc : memref<!tpu.dma_semaphore, #tpu.memory_space<semaphore_mem>>
      %dma_start3A_759 = arith.constant 29 : i32
      %dma_start3A_760 = arith.constant 256 : i32
      %dma_start3A_761 = tpu.memref_slice %arg5[%dma_start3A_759, %dma_start3A_760] : memref<32x512xf32, #tpu.memory_space<vmem>> -> memref<1x256xf32, #tpu.memory_space<vmem>>
      %dma_start3A_762 = arith.constant 0 : i32
      %dma_start3A_763 = tpu.memref_slice %arg2[%add3A, %dma_start3A_762] : memref<32x256xf32, #tpu.memory_space<hbm>> -> memref<1x256xf32, #tpu.memory_space<hbm>>
      %dma_start3A_764 = arith.constant 29 : i32
      %dma_start3A_765 = arith.constant 256 : i32
      %dma_start3A_766 = tpu.memref_slice %arg5[%dma_start3A_764, %dma_start3A_765] : memref<32x512xf32, #tpu.memory_space<vmem>> -> memref<1x256xf32, #tpu.memory_space<vmem>>
      %dma_start3A_767 = arith.constant 0 : i32
      %dma_start3A_768 = tpu.memref_slice %arg2[%add3A, %dma_start3A_767] : memref<32x256xf32, #tpu.memory_space<hbm>> -> memref<1x256xf32, #tpu.memory_space<hbm>>
      tpu.enqueue_dma source(%dma_start3A_768 : memref<1x256xf32, #tpu.memory_space<hbm>>) target(%dma_start3A_766 : memref<1x256xf32, #tpu.memory_space<vmem>>) target_semaphore(%run_scoped3A : memref<!tpu.dma_semaphore, #tpu.memory_space<semaphore_mem>>)
      %dma_wait3A_769 = arith.constant 29 : i32
      %dma_wait3A_770 = arith.constant 256 : i32
      %dma_wait3A_771 = tpu.memref_slice %arg5[%dma_wait3A_769, %dma_wait3A_770] : memref<32x512xf32, #tpu.memory_space<vmem>> -> memref<1x256xf32, #tpu.memory_space<vmem>>
      %dma_wait3A_772 = arith.constant 0 : i32
      %dma_wait3A_773 = tpu.memref_slice %arg2[%add3A, %dma_wait3A_772] : memref<32x256xf32, #tpu.memory_space<hbm>> -> memref<1x256xf32, #tpu.memory_space<hbm>>
      %dma_wait3A_774 = arith.constant 29 : i32
      %dma_wait3A_775 = arith.constant 256 : i32
      %dma_wait3A_776 = tpu.memref_slice %arg5[%dma_wait3A_774, %dma_wait3A_775] : memref<32x512xf32, #tpu.memory_space<vmem>> -> memref<1x256xf32, #tpu.memory_space<vmem>>
      %dma_wait3A_777 = arith.constant 0 : i32
      %dma_wait3A_778 = tpu.memref_slice %arg2[%add3A, %dma_wait3A_777] : memref<32x256xf32, #tpu.memory_space<hbm>> -> memref<1x256xf32, #tpu.memory_space<hbm>>
      tpu.wait_dma2 semaphore(%run_scoped3A : memref<!tpu.dma_semaphore, #tpu.memory_space<semaphore_mem>>) src(%dma_wait3A_778 : memref<1x256xf32, #tpu.memory_space<hbm>>) dst(%dma_wait3A_776 : memref<1x256xf32, #tpu.memory_space<vmem>>)
      tpu.yield
    }) : () -> ()
    "tpu.region"() ({
      %run_scoped3A = tpu.sem_alloc : memref<!tpu.dma_semaphore, #tpu.memory_space<semaphore_mem>>
      %dma_start3A_759 = arith.constant 30 : i32
      %dma_start3A_760 = arith.constant 256 : i32
      %dma_start3A_761 = tpu.memref_slice %arg5[%dma_start3A_759, %dma_start3A_760] : memref<32x512xf32, #tpu.memory_space<vmem>> -> memref<1x256xf32, #tpu.memory_space<vmem>>
      %dma_start3A_762 = arith.constant 0 : i32
      %dma_start3A_763 = tpu.memref_slice %arg2[%add3A, %dma_start3A_762] : memref<32x256xf32, #tpu.memory_space<hbm>> -> memref<1x256xf32, #tpu.memory_space<hbm>>
      %dma_start3A_764 = arith.constant 30 : i32
      %dma_start3A_765 = arith.constant 256 : i32
      %dma_start3A_766 = tpu.memref_slice %arg5[%dma_start3A_764, %dma_start3A_765] : memref<32x512xf32, #tpu.memory_space<vmem>> -> memref<1x256xf32, #tpu.memory_space<vmem>>
      %dma_start3A_767 = arith.constant 0 : i32
      %dma_start3A_768 = tpu.memref_slice %arg2[%add3A, %dma_start3A_767] : memref<32x256xf32, #tpu.memory_space<hbm>> -> memref<1x256xf32, #tpu.memory_space<hbm>>
      tpu.enqueue_dma source(%dma_start3A_768 : memref<1x256xf32, #tpu.memory_space<hbm>>) target(%dma_start3A_766 : memref<1x256xf32, #tpu.memory_space<vmem>>) target_semaphore(%run_scoped3A : memref<!tpu.dma_semaphore, #tpu.memory_space<semaphore_mem>>)
      %dma_wait3A_769 = arith.constant 30 : i32
      %dma_wait3A_770 = arith.constant 256 : i32
      %dma_wait3A_771 = tpu.memref_slice %arg5[%dma_wait3A_769, %dma_wait3A_770] : memref<32x512xf32, #tpu.memory_space<vmem>> -> memref<1x256xf32, #tpu.memory_space<vmem>>
      %dma_wait3A_772 = arith.constant 0 : i32
      %dma_wait3A_773 = tpu.memref_slice %arg2[%add3A, %dma_wait3A_772] : memref<32x256xf32, #tpu.memory_space<hbm>> -> memref<1x256xf32, #tpu.memory_space<hbm>>
      %dma_wait3A_774 = arith.constant 30 : i32
      %dma_wait3A_775 = arith.constant 256 : i32
      %dma_wait3A_776 = tpu.memref_slice %arg5[%dma_wait3A_774, %dma_wait3A_775] : memref<32x512xf32, #tpu.memory_space<vmem>> -> memref<1x256xf32, #tpu.memory_space<vmem>>
      %dma_wait3A_777 = arith.constant 0 : i32
      %dma_wait3A_778 = tpu.memref_slice %arg2[%add3A, %dma_wait3A_777] : memref<32x256xf32, #tpu.memory_space<hbm>> -> memref<1x256xf32, #tpu.memory_space<hbm>>
      tpu.wait_dma2 semaphore(%run_scoped3A : memref<!tpu.dma_semaphore, #tpu.memory_space<semaphore_mem>>) src(%dma_wait3A_778 : memref<1x256xf32, #tpu.memory_space<hbm>>) dst(%dma_wait3A_776 : memref<1x256xf32, #tpu.memory_space<vmem>>)
      tpu.yield
    }) : () -> ()
    "tpu.region"() ({
      %run_scoped3A = tpu.sem_alloc : memref<!tpu.dma_semaphore, #tpu.memory_space<semaphore_mem>>
      %dma_start3A_759 = arith.constant 31 : i32
      %dma_start3A_760 = arith.constant 256 : i32
      %dma_start3A_761 = tpu.memref_slice %arg5[%dma_start3A_759, %dma_start3A_760] : memref<32x512xf32, #tpu.memory_space<vmem>> -> memref<1x256xf32, #tpu.memory_space<vmem>>
      %dma_start3A_762 = arith.constant 0 : i32
      %dma_start3A_763 = tpu.memref_slice %arg2[%add3A, %dma_start3A_762] : memref<32x256xf32, #tpu.memory_space<hbm>> -> memref<1x256xf32, #tpu.memory_space<hbm>>
      %dma_start3A_764 = arith.constant 31 : i32
      %dma_start3A_765 = arith.constant 256 : i32
      %dma_start3A_766 = tpu.memref_slice %arg5[%dma_start3A_764, %dma_start3A_765] : memref<32x512xf32, #tpu.memory_space<vmem>> -> memref<1x256xf32, #tpu.memory_space<vmem>>
      %dma_start3A_767 = arith.constant 0 : i32
      %dma_start3A_768 = tpu.memref_slice %arg2[%add3A, %dma_start3A_767] : memref<32x256xf32, #tpu.memory_space<hbm>> -> memref<1x256xf32, #tpu.memory_space<hbm>>
      tpu.enqueue_dma source(%dma_start3A_768 : memref<1x256xf32, #tpu.memory_space<hbm>>) target(%dma_start3A_766 : memref<1x256xf32, #tpu.memory_space<vmem>>) target_semaphore(%run_scoped3A : memref<!tpu.dma_semaphore, #tpu.memory_space<semaphore_mem>>)
      %dma_wait3A_769 = arith.constant 31 : i32
      %dma_wait3A_770 = arith.constant 256 : i32
      %dma_wait3A_771 = tpu.memref_slice %arg5[%dma_wait3A_769, %dma_wait3A_770] : memref<32x512xf32, #tpu.memory_space<vmem>> -> memref<1x256xf32, #tpu.memory_space<vmem>>
      %dma_wait3A_772 = arith.constant 0 : i32
      %dma_wait3A_773 = tpu.memref_slice %arg2[%add3A, %dma_wait3A_772] : memref<32x256xf32, #tpu.memory_space<hbm>> -> memref<1x256xf32, #tpu.memory_space<hbm>>
      %dma_wait3A_774 = arith.constant 31 : i32
      %dma_wait3A_775 = arith.constant 256 : i32
      %dma_wait3A_776 = tpu.memref_slice %arg5[%dma_wait3A_774, %dma_wait3A_775] : memref<32x512xf32, #tpu.memory_space<vmem>> -> memref<1x256xf32, #tpu.memory_space<vmem>>
      %dma_wait3A_777 = arith.constant 0 : i32
      %dma_wait3A_778 = tpu.memref_slice %arg2[%add3A, %dma_wait3A_777] : memref<32x256xf32, #tpu.memory_space<hbm>> -> memref<1x256xf32, #tpu.memory_space<hbm>>
      tpu.wait_dma2 semaphore(%run_scoped3A : memref<!tpu.dma_semaphore, #tpu.memory_space<semaphore_mem>>) src(%dma_wait3A_778 : memref<1x256xf32, #tpu.memory_space<hbm>>) dst(%dma_wait3A_776 : memref<1x256xf32, #tpu.memory_space<vmem>>)
      tpu.yield
    }) : () -> ()
    %mul3A_1 = arith.constant 32 : i32
    %mul3A_2 = arith.muli %add3A, %mul3A_1 : i32
    "tpu.region"() ({
      %run_scoped3A = tpu.sem_alloc : memref<!tpu.dma_semaphore, #tpu.memory_space<semaphore_mem>>
      %dma_start3A_759 = arith.constant 0 : i32
      %dma_start3A_760 = tpu.memref_slice %arg4[%mul3A_2, %dma_start3A_759] : memref<65536x512xf32, #tpu.memory_space<hbm>> -> memref<32x512xf32, #tpu.memory_space<hbm>>
      %dma_start3A_761 = arith.constant 0 : i32
      %dma_start3A_762 = tpu.memref_slice %arg4[%mul3A_2, %dma_start3A_761] : memref<65536x512xf32, #tpu.memory_space<hbm>> -> memref<32x512xf32, #tpu.memory_space<hbm>>
      tpu.enqueue_dma source(%arg5 : memref<32x512xf32, #tpu.memory_space<vmem>>) target(%dma_start3A_762 : memref<32x512xf32, #tpu.memory_space<hbm>>) target_semaphore(%run_scoped3A : memref<!tpu.dma_semaphore, #tpu.memory_space<semaphore_mem>>)
      %dma_wait3A_763 = arith.constant 0 : i32
      %dma_wait3A_764 = tpu.memref_slice %arg4[%mul3A_2, %dma_wait3A_763] : memref<65536x512xf32, #tpu.memory_space<hbm>> -> memref<32x512xf32, #tpu.memory_space<hbm>>
      %dma_wait3A_765 = arith.constant 0 : i32
      %dma_wait3A_766 = tpu.memref_slice %arg4[%mul3A_2, %dma_wait3A_765] : memref<65536x512xf32, #tpu.memory_space<hbm>> -> memref<32x512xf32, #tpu.memory_space<hbm>>
      tpu.wait_dma2 semaphore(%run_scoped3A : memref<!tpu.dma_semaphore, #tpu.memory_space<semaphore_mem>>) src(%arg5 : memref<32x512xf32, #tpu.memory_space<vmem>>) dst(%dma_wait3A_766 : memref<32x512xf32, #tpu.memory_space<hbm>>)
      tpu.yield
    }) : () -> ()
    %mul3A_3 = arith.constant 32 : i32
    %mul3A_4 = arith.muli %add3A, %mul3A_3 : i32
    %mul3A_5 = arith.constant 32 : i32
    %mul3A_6 = arith.muli %add3A, %mul3A_5 : i32
    %add3A_7 = arith.constant 1024 : i32
    %add3A_8 = arith.addi %add3A_7, %mul3A_6 : i32
    %mul3A_9 = arith.constant 32 : i32
    %mul3A_10 = arith.muli %add3A, %mul3A_9 : i32
    %add3A_11 = arith.constant 2048 : i32
    %add3A_12 = arith.addi %add3A_11, %mul3A_10 : i32
    %mul3A_13 = arith.constant 32 : i32
    %mul3A_14 = arith.muli %add3A, %mul3A_13 : i32
    %add3A_15 = arith.constant 3072 : i32
    %add3A_16 = arith.addi %add3A_15, %mul3A_14 : i32
    %mul3A_17 = arith.constant 32 : i32
    %mul3A_18 = arith.muli %add3A, %mul3A_17 : i32
    %add3A_19 = arith.constant 4096 : i32
    %add3A_20 = arith.addi %add3A_19, %mul3A_18 : i32
    %mul3A_21 = arith.constant 32 : i32
    %mul3A_22 = arith.muli %add3A, %mul3A_21 : i32
    %add3A_23 = arith.constant 5120 : i32
    %add3A_24 = arith.addi %add3A_23, %mul3A_22 : i32
    %mul3A_25 = arith.constant 32 : i32
    %mul3A_26 = arith.muli %add3A, %mul3A_25 : i32
    %add3A_27 = arith.constant 6144 : i32
    %add3A_28 = arith.addi %add3A_27, %mul3A_26 : i32
    %mul3A_29 = arith.constant 32 : i32
    %mul3A_30 = arith.muli %add3A, %mul3A_29 : i32
    %add3A_31 = arith.constant 7168 : i32
    %add3A_32 = arith.addi %add3A_31, %mul3A_30 : i32
    %mul3A_33 = arith.constant 32 : i32
    %mul3A_34 = arith.muli %add3A, %mul3A_33 : i32
    %add3A_35 = arith.constant 8192 : i32
    %add3A_36 = arith.addi %add3A_35, %mul3A_34 : i32
    %mul3A_37 = arith.constant 32 : i32
    %mul3A_38 = arith.muli %add3A, %mul3A_37 : i32
    %add3A_39 = arith.constant 9216 : i32
    %add3A_40 = arith.addi %add3A_39, %mul3A_38 : i32
    %mul3A_41 = arith.constant 32 : i32
    %mul3A_42 = arith.muli %add3A, %mul3A_41 : i32
    %add3A_43 = arith.constant 10240 : i32
    %add3A_44 = arith.addi %add3A_43, %mul3A_42 : i32
    %mul3A_45 = arith.constant 32 : i32
    %mul3A_46 = arith.muli %add3A, %mul3A_45 : i32
    %add3A_47 = arith.constant 11264 : i32
    %add3A_48 = arith.addi %add3A_47, %mul3A_46 : i32
    %mul3A_49 = arith.constant 32 : i32
    %mul3A_50 = arith.muli %add3A, %mul3A_49 : i32
    %add3A_51 = arith.constant 12288 : i32
    %add3A_52 = arith.addi %add3A_51, %mul3A_50 : i32
    %mul3A_53 = arith.constant 32 : i32
    %mul3A_54 = arith.muli %add3A, %mul3A_53 : i32
    %add3A_55 = arith.constant 13312 : i32
    %add3A_56 = arith.addi %add3A_55, %mul3A_54 : i32
    %mul3A_57 = arith.constant 32 : i32
    %mul3A_58 = arith.muli %add3A, %mul3A_57 : i32
    %add3A_59 = arith.constant 14336 : i32
    %add3A_60 = arith.addi %add3A_59, %mul3A_58 : i32
    %mul3A_61 = arith.constant 32 : i32
    %mul3A_62 = arith.muli %add3A, %mul3A_61 : i32
    %add3A_63 = arith.constant 15360 : i32
    %add3A_64 = arith.addi %add3A_63, %mul3A_62 : i32
    %mul3A_65 = arith.constant 32 : i32
    %mul3A_66 = arith.muli %add3A, %mul3A_65 : i32
    %add3A_67 = arith.constant 16384 : i32
    %add3A_68 = arith.addi %add3A_67, %mul3A_66 : i32
    %mul3A_69 = arith.constant 32 : i32
    %mul3A_70 = arith.muli %add3A, %mul3A_69 : i32
    %add3A_71 = arith.constant 17408 : i32
    %add3A_72 = arith.addi %add3A_71, %mul3A_70 : i32
    %mul3A_73 = arith.constant 32 : i32
    %mul3A_74 = arith.muli %add3A, %mul3A_73 : i32
    %add3A_75 = arith.constant 18432 : i32
    %add3A_76 = arith.addi %add3A_75, %mul3A_74 : i32
    %mul3A_77 = arith.constant 32 : i32
    %mul3A_78 = arith.muli %add3A, %mul3A_77 : i32
    %add3A_79 = arith.constant 19456 : i32
    %add3A_80 = arith.addi %add3A_79, %mul3A_78 : i32
    %mul3A_81 = arith.constant 32 : i32
    %mul3A_82 = arith.muli %add3A, %mul3A_81 : i32
    %add3A_83 = arith.constant 20480 : i32
    %add3A_84 = arith.addi %add3A_83, %mul3A_82 : i32
    %mul3A_85 = arith.constant 32 : i32
    %mul3A_86 = arith.muli %add3A, %mul3A_85 : i32
    %add3A_87 = arith.constant 21504 : i32
    %add3A_88 = arith.addi %add3A_87, %mul3A_86 : i32
    %mul3A_89 = arith.constant 32 : i32
    %mul3A_90 = arith.muli %add3A, %mul3A_89 : i32
    %add3A_91 = arith.constant 22528 : i32
    %add3A_92 = arith.addi %add3A_91, %mul3A_90 : i32
    %mul3A_93 = arith.constant 32 : i32
    %mul3A_94 = arith.muli %add3A, %mul3A_93 : i32
    %add3A_95 = arith.constant 23552 : i32
    %add3A_96 = arith.addi %add3A_95, %mul3A_94 : i32
    %mul3A_97 = arith.constant 32 : i32
    %mul3A_98 = arith.muli %add3A, %mul3A_97 : i32
    %add3A_99 = arith.constant 24576 : i32
    %add3A_100 = arith.addi %add3A_99, %mul3A_98 : i32
    %mul3A_101 = arith.constant 32 : i32
    %mul3A_102 = arith.muli %add3A, %mul3A_101 : i32
    %add3A_103 = arith.constant 25600 : i32
    %add3A_104 = arith.addi %add3A_103, %mul3A_102 : i32
    %mul3A_105 = arith.constant 32 : i32
    %mul3A_106 = arith.muli %add3A, %mul3A_105 : i32
    %add3A_107 = arith.constant 26624 : i32
    %add3A_108 = arith.addi %add3A_107, %mul3A_106 : i32
    %mul3A_109 = arith.constant 32 : i32
    %mul3A_110 = arith.muli %add3A, %mul3A_109 : i32
    %add3A_111 = arith.constant 27648 : i32
    %add3A_112 = arith.addi %add3A_111, %mul3A_110 : i32
    %mul3A_113 = arith.constant 32 : i32
    %mul3A_114 = arith.muli %add3A, %mul3A_113 : i32
    %add3A_115 = arith.constant 28672 : i32
    %add3A_116 = arith.addi %add3A_115, %mul3A_114 : i32
    %mul3A_117 = arith.constant 32 : i32
    %mul3A_118 = arith.muli %add3A, %mul3A_117 : i32
    %add3A_119 = arith.constant 29696 : i32
    %add3A_120 = arith.addi %add3A_119, %mul3A_118 : i32
    %mul3A_121 = arith.constant 32 : i32
    %mul3A_122 = arith.muli %add3A, %mul3A_121 : i32
    %add3A_123 = arith.constant 30720 : i32
    %add3A_124 = arith.addi %add3A_123, %mul3A_122 : i32
    %mul3A_125 = arith.constant 32 : i32
    %mul3A_126 = arith.muli %add3A, %mul3A_125 : i32
    %add3A_127 = arith.constant 31744 : i32
    %add3A_128 = arith.addi %add3A_127, %mul3A_126 : i32
    %mul3A_129 = arith.constant 32 : i32
    %mul3A_130 = arith.muli %add3A, %mul3A_129 : i32
    %add3A_131 = arith.constant 32768 : i32
    %add3A_132 = arith.addi %add3A_131, %mul3A_130 : i32
    %mul3A_133 = arith.constant 32 : i32
    %mul3A_134 = arith.muli %add3A, %mul3A_133 : i32
    %add3A_135 = arith.constant 33792 : i32
    %add3A_136 = arith.addi %add3A_135, %mul3A_134 : i32
    %mul3A_137 = arith.constant 32 : i32
    %mul3A_138 = arith.muli %add3A, %mul3A_137 : i32
    %add3A_139 = arith.constant 34816 : i32
    %add3A_140 = arith.addi %add3A_139, %mul3A_138 : i32
    %mul3A_141 = arith.constant 32 : i32
    %mul3A_142 = arith.muli %add3A, %mul3A_141 : i32
    %add3A_143 = arith.constant 35840 : i32
    %add3A_144 = arith.addi %add3A_143, %mul3A_142 : i32
    %mul3A_145 = arith.constant 32 : i32
    %mul3A_146 = arith.muli %add3A, %mul3A_145 : i32
    %add3A_147 = arith.constant 36864 : i32
    %add3A_148 = arith.addi %add3A_147, %mul3A_146 : i32
    %mul3A_149 = arith.constant 32 : i32
    %mul3A_150 = arith.muli %add3A, %mul3A_149 : i32
    %add3A_151 = arith.constant 37888 : i32
    %add3A_152 = arith.addi %add3A_151, %mul3A_150 : i32
    %mul3A_153 = arith.constant 32 : i32
    %mul3A_154 = arith.muli %add3A, %mul3A_153 : i32
    %add3A_155 = arith.constant 38912 : i32
    %add3A_156 = arith.addi %add3A_155, %mul3A_154 : i32
    %mul3A_157 = arith.constant 32 : i32
    %mul3A_158 = arith.muli %add3A, %mul3A_157 : i32
    %add3A_159 = arith.constant 39936 : i32
    %add3A_160 = arith.addi %add3A_159, %mul3A_158 : i32
    %mul3A_161 = arith.constant 32 : i32
    %mul3A_162 = arith.muli %add3A, %mul3A_161 : i32
    %add3A_163 = arith.constant 40960 : i32
    %add3A_164 = arith.addi %add3A_163, %mul3A_162 : i32
    %mul3A_165 = arith.constant 32 : i32
    %mul3A_166 = arith.muli %add3A, %mul3A_165 : i32
    %add3A_167 = arith.constant 41984 : i32
    %add3A_168 = arith.addi %add3A_167, %mul3A_166 : i32
    %mul3A_169 = arith.constant 32 : i32
    %mul3A_170 = arith.muli %add3A, %mul3A_169 : i32
    %add3A_171 = arith.constant 43008 : i32
    %add3A_172 = arith.addi %add3A_171, %mul3A_170 : i32
    %mul3A_173 = arith.constant 32 : i32
    %mul3A_174 = arith.muli %add3A, %mul3A_173 : i32
    %add3A_175 = arith.constant 44032 : i32
    %add3A_176 = arith.addi %add3A_175, %mul3A_174 : i32
    %mul3A_177 = arith.constant 32 : i32
    %mul3A_178 = arith.muli %add3A, %mul3A_177 : i32
    %add3A_179 = arith.constant 45056 : i32
    %add3A_180 = arith.addi %add3A_179, %mul3A_178 : i32
    %mul3A_181 = arith.constant 32 : i32
    %mul3A_182 = arith.muli %add3A, %mul3A_181 : i32
    %add3A_183 = arith.constant 46080 : i32
    %add3A_184 = arith.addi %add3A_183, %mul3A_182 : i32
    %mul3A_185 = arith.constant 32 : i32
    %mul3A_186 = arith.muli %add3A, %mul3A_185 : i32
    %add3A_187 = arith.constant 47104 : i32
    %add3A_188 = arith.addi %add3A_187, %mul3A_186 : i32
    %mul3A_189 = arith.constant 32 : i32
    %mul3A_190 = arith.muli %add3A, %mul3A_189 : i32
    %add3A_191 = arith.constant 48128 : i32
    %add3A_192 = arith.addi %add3A_191, %mul3A_190 : i32
    %mul3A_193 = arith.constant 32 : i32
    %mul3A_194 = arith.muli %add3A, %mul3A_193 : i32
    %add3A_195 = arith.constant 49152 : i32
    %add3A_196 = arith.addi %add3A_195, %mul3A_194 : i32
    %mul3A_197 = arith.constant 32 : i32
    %mul3A_198 = arith.muli %add3A, %mul3A_197 : i32
    %add3A_199 = arith.constant 50176 : i32
    %add3A_200 = arith.addi %add3A_199, %mul3A_198 : i32
    %mul3A_201 = arith.constant 32 : i32
    %mul3A_202 = arith.muli %add3A, %mul3A_201 : i32
    %add3A_203 = arith.constant 51200 : i32
    %add3A_204 = arith.addi %add3A_203, %mul3A_202 : i32
    %mul3A_205 = arith.constant 32 : i32
    %mul3A_206 = arith.muli %add3A, %mul3A_205 : i32
    %add3A_207 = arith.constant 52224 : i32
    %add3A_208 = arith.addi %add3A_207, %mul3A_206 : i32
    %mul3A_209 = arith.constant 32 : i32
    %mul3A_210 = arith.muli %add3A, %mul3A_209 : i32
    %add3A_211 = arith.constant 53248 : i32
    %add3A_212 = arith.addi %add3A_211, %mul3A_210 : i32
    %mul3A_213 = arith.constant 32 : i32
    %mul3A_214 = arith.muli %add3A, %mul3A_213 : i32
    %add3A_215 = arith.constant 54272 : i32
    %add3A_216 = arith.addi %add3A_215, %mul3A_214 : i32
    %mul3A_217 = arith.constant 32 : i32
    %mul3A_218 = arith.muli %add3A, %mul3A_217 : i32
    %add3A_219 = arith.constant 55296 : i32
    %add3A_220 = arith.addi %add3A_219, %mul3A_218 : i32
    %mul3A_221 = arith.constant 32 : i32
    %mul3A_222 = arith.muli %add3A, %mul3A_221 : i32
    %add3A_223 = arith.constant 56320 : i32
    %add3A_224 = arith.addi %add3A_223, %mul3A_222 : i32
    %mul3A_225 = arith.constant 32 : i32
    %mul3A_226 = arith.muli %add3A, %mul3A_225 : i32
    %add3A_227 = arith.constant 57344 : i32
    %add3A_228 = arith.addi %add3A_227, %mul3A_226 : i32
    %mul3A_229 = arith.constant 32 : i32
    %mul3A_230 = arith.muli %add3A, %mul3A_229 : i32
    %add3A_231 = arith.constant 58368 : i32
    %add3A_232 = arith.addi %add3A_231, %mul3A_230 : i32
    %mul3A_233 = arith.constant 32 : i32
    %mul3A_234 = arith.muli %add3A, %mul3A_233 : i32
    %add3A_235 = arith.constant 59392 : i32
    %add3A_236 = arith.addi %add3A_235, %mul3A_234 : i32
    %mul3A_237 = arith.constant 32 : i32
    %mul3A_238 = arith.muli %add3A, %mul3A_237 : i32
    %add3A_239 = arith.constant 60416 : i32
    %add3A_240 = arith.addi %add3A_239, %mul3A_238 : i32
    %mul3A_241 = arith.constant 32 : i32
    %mul3A_242 = arith.muli %add3A, %mul3A_241 : i32
    %add3A_243 = arith.constant 61440 : i32
    %add3A_244 = arith.addi %add3A_243, %mul3A_242 : i32
    %mul3A_245 = arith.constant 32 : i32
    %mul3A_246 = arith.muli %add3A, %mul3A_245 : i32
    %add3A_247 = arith.constant 62464 : i32
    %add3A_248 = arith.addi %add3A_247, %mul3A_246 : i32
    %mul3A_249 = arith.constant 32 : i32
    %mul3A_250 = arith.muli %add3A, %mul3A_249 : i32
    %add3A_251 = arith.constant 63488 : i32
    %add3A_252 = arith.addi %add3A_251, %mul3A_250 : i32
    %mul3A_253 = arith.constant 32 : i32
    %mul3A_254 = arith.muli %add3A, %mul3A_253 : i32
    %add3A_255 = arith.constant 64512 : i32
    %add3A_256 = arith.addi %add3A_255, %mul3A_254 : i32
    %dma_start3A = arith.constant 0 : i32
    %dma_start3A_257 = tpu.memref_slice %arg4[%add3A_8, %dma_start3A] : memref<65536x512xf32, #tpu.memory_space<hbm>> -> memref<32x512xf32, #tpu.memory_space<hbm>>
    %dma_start3A_258 = arith.constant 0 : i32
    %dma_start3A_259 = tpu.memref_slice %arg4[%mul3A_4, %dma_start3A_258] : memref<65536x512xf32, #tpu.memory_space<hbm>> -> memref<32x512xf32, #tpu.memory_space<hbm>>
    tpu.enqueue_dma source(%dma_start3A_259 : memref<32x512xf32, #tpu.memory_space<hbm>>) target(%dma_start3A_257 : memref<32x512xf32, #tpu.memory_space<hbm>>) target_semaphore(%arg6 : memref<!tpu.dma_semaphore, #tpu.memory_space<semaphore_mem>>)
    %dma_start3A_260 = arith.constant 0 : i32
    %dma_start3A_261 = tpu.memref_slice %arg4[%add3A_12, %dma_start3A_260] : memref<65536x512xf32, #tpu.memory_space<hbm>> -> memref<32x512xf32, #tpu.memory_space<hbm>>
    %dma_start3A_262 = arith.constant 0 : i32
    %dma_start3A_263 = tpu.memref_slice %arg4[%mul3A_4, %dma_start3A_262] : memref<65536x512xf32, #tpu.memory_space<hbm>> -> memref<32x512xf32, #tpu.memory_space<hbm>>
    tpu.enqueue_dma source(%dma_start3A_263 : memref<32x512xf32, #tpu.memory_space<hbm>>) target(%dma_start3A_261 : memref<32x512xf32, #tpu.memory_space<hbm>>) target_semaphore(%arg6 : memref<!tpu.dma_semaphore, #tpu.memory_space<semaphore_mem>>)
    %dma_start3A_264 = arith.constant 0 : i32
    %dma_start3A_265 = tpu.memref_slice %arg4[%add3A_16, %dma_start3A_264] : memref<65536x512xf32, #tpu.memory_space<hbm>> -> memref<32x512xf32, #tpu.memory_space<hbm>>
    %dma_start3A_266 = arith.constant 0 : i32
    %dma_start3A_267 = tpu.memref_slice %arg4[%mul3A_4, %dma_start3A_266] : memref<65536x512xf32, #tpu.memory_space<hbm>> -> memref<32x512xf32, #tpu.memory_space<hbm>>
    tpu.enqueue_dma source(%dma_start3A_267 : memref<32x512xf32, #tpu.memory_space<hbm>>) target(%dma_start3A_265 : memref<32x512xf32, #tpu.memory_space<hbm>>) target_semaphore(%arg6 : memref<!tpu.dma_semaphore, #tpu.memory_space<semaphore_mem>>)
    %dma_start3A_268 = arith.constant 0 : i32
    %dma_start3A_269 = tpu.memref_slice %arg4[%add3A_20, %dma_start3A_268] : memref<65536x512xf32, #tpu.memory_space<hbm>> -> memref<32x512xf32, #tpu.memory_space<hbm>>
    %dma_start3A_270 = arith.constant 0 : i32
    %dma_start3A_271 = tpu.memref_slice %arg4[%mul3A_4, %dma_start3A_270] : memref<65536x512xf32, #tpu.memory_space<hbm>> -> memref<32x512xf32, #tpu.memory_space<hbm>>
    tpu.enqueue_dma source(%dma_start3A_271 : memref<32x512xf32, #tpu.memory_space<hbm>>) target(%dma_start3A_269 : memref<32x512xf32, #tpu.memory_space<hbm>>) target_semaphore(%arg6 : memref<!tpu.dma_semaphore, #tpu.memory_space<semaphore_mem>>)
    %dma_start3A_272 = arith.constant 0 : i32
    %dma_start3A_273 = tpu.memref_slice %arg4[%add3A_24, %dma_start3A_272] : memref<65536x512xf32, #tpu.memory_space<hbm>> -> memref<32x512xf32, #tpu.memory_space<hbm>>
    %dma_start3A_274 = arith.constant 0 : i32
    %dma_start3A_275 = tpu.memref_slice %arg4[%mul3A_4, %dma_start3A_274] : memref<65536x512xf32, #tpu.memory_space<hbm>> -> memref<32x512xf32, #tpu.memory_space<hbm>>
    tpu.enqueue_dma source(%dma_start3A_275 : memref<32x512xf32, #tpu.memory_space<hbm>>) target(%dma_start3A_273 : memref<32x512xf32, #tpu.memory_space<hbm>>) target_semaphore(%arg6 : memref<!tpu.dma_semaphore, #tpu.memory_space<semaphore_mem>>)
    %dma_start3A_276 = arith.constant 0 : i32
    %dma_start3A_277 = tpu.memref_slice %arg4[%add3A_28, %dma_start3A_276] : memref<65536x512xf32, #tpu.memory_space<hbm>> -> memref<32x512xf32, #tpu.memory_space<hbm>>
    %dma_start3A_278 = arith.constant 0 : i32
    %dma_start3A_279 = tpu.memref_slice %arg4[%mul3A_4, %dma_start3A_278] : memref<65536x512xf32, #tpu.memory_space<hbm>> -> memref<32x512xf32, #tpu.memory_space<hbm>>
    tpu.enqueue_dma source(%dma_start3A_279 : memref<32x512xf32, #tpu.memory_space<hbm>>) target(%dma_start3A_277 : memref<32x512xf32, #tpu.memory_space<hbm>>) target_semaphore(%arg6 : memref<!tpu.dma_semaphore, #tpu.memory_space<semaphore_mem>>)
    %dma_start3A_280 = arith.constant 0 : i32
    %dma_start3A_281 = tpu.memref_slice %arg4[%add3A_32, %dma_start3A_280] : memref<65536x512xf32, #tpu.memory_space<hbm>> -> memref<32x512xf32, #tpu.memory_space<hbm>>
    %dma_start3A_282 = arith.constant 0 : i32
    %dma_start3A_283 = tpu.memref_slice %arg4[%mul3A_4, %dma_start3A_282] : memref<65536x512xf32, #tpu.memory_space<hbm>> -> memref<32x512xf32, #tpu.memory_space<hbm>>
    tpu.enqueue_dma source(%dma_start3A_283 : memref<32x512xf32, #tpu.memory_space<hbm>>) target(%dma_start3A_281 : memref<32x512xf32, #tpu.memory_space<hbm>>) target_semaphore(%arg6 : memref<!tpu.dma_semaphore, #tpu.memory_space<semaphore_mem>>)
    %dma_start3A_284 = arith.constant 0 : i32
    %dma_start3A_285 = tpu.memref_slice %arg4[%add3A_36, %dma_start3A_284] : memref<65536x512xf32, #tpu.memory_space<hbm>> -> memref<32x512xf32, #tpu.memory_space<hbm>>
    %dma_start3A_286 = arith.constant 0 : i32
    %dma_start3A_287 = tpu.memref_slice %arg4[%mul3A_4, %dma_start3A_286] : memref<65536x512xf32, #tpu.memory_space<hbm>> -> memref<32x512xf32, #tpu.memory_space<hbm>>
    tpu.enqueue_dma source(%dma_start3A_287 : memref<32x512xf32, #tpu.memory_space<hbm>>) target(%dma_start3A_285 : memref<32x512xf32, #tpu.memory_space<hbm>>) target_semaphore(%arg6 : memref<!tpu.dma_semaphore, #tpu.memory_space<semaphore_mem>>)
    %dma_start3A_288 = arith.constant 0 : i32
    %dma_start3A_289 = tpu.memref_slice %arg4[%add3A_40, %dma_start3A_288] : memref<65536x512xf32, #tpu.memory_space<hbm>> -> memref<32x512xf32, #tpu.memory_space<hbm>>
    %dma_start3A_290 = arith.constant 0 : i32
    %dma_start3A_291 = tpu.memref_slice %arg4[%mul3A_4, %dma_start3A_290] : memref<65536x512xf32, #tpu.memory_space<hbm>> -> memref<32x512xf32, #tpu.memory_space<hbm>>
    tpu.enqueue_dma source(%dma_start3A_291 : memref<32x512xf32, #tpu.memory_space<hbm>>) target(%dma_start3A_289 : memref<32x512xf32, #tpu.memory_space<hbm>>) target_semaphore(%arg6 : memref<!tpu.dma_semaphore, #tpu.memory_space<semaphore_mem>>)
    %dma_wait3A = arith.constant 0 : i32
    %dma_wait3A_292 = tpu.memref_slice %arg4[%add3A_8, %dma_wait3A] : memref<65536x512xf32, #tpu.memory_space<hbm>> -> memref<32x512xf32, #tpu.memory_space<hbm>>
    %dma_wait3A_293 = arith.constant 0 : i32
    %dma_wait3A_294 = tpu.memref_slice %arg4[%mul3A_4, %dma_wait3A_293] : memref<65536x512xf32, #tpu.memory_space<hbm>> -> memref<32x512xf32, #tpu.memory_space<hbm>>
    tpu.wait_dma2 semaphore(%arg6 : memref<!tpu.dma_semaphore, #tpu.memory_space<semaphore_mem>>) src(%dma_wait3A_294 : memref<32x512xf32, #tpu.memory_space<hbm>>) dst(%dma_wait3A_292 : memref<32x512xf32, #tpu.memory_space<hbm>>)
    %dma_start3A_295 = arith.constant 0 : i32
    %dma_start3A_296 = tpu.memref_slice %arg4[%add3A_44, %dma_start3A_295] : memref<65536x512xf32, #tpu.memory_space<hbm>> -> memref<32x512xf32, #tpu.memory_space<hbm>>
    %dma_start3A_297 = arith.constant 0 : i32
    %dma_start3A_298 = tpu.memref_slice %arg4[%mul3A_4, %dma_start3A_297] : memref<65536x512xf32, #tpu.memory_space<hbm>> -> memref<32x512xf32, #tpu.memory_space<hbm>>
    tpu.enqueue_dma source(%dma_start3A_298 : memref<32x512xf32, #tpu.memory_space<hbm>>) target(%dma_start3A_296 : memref<32x512xf32, #tpu.memory_space<hbm>>) target_semaphore(%arg6 : memref<!tpu.dma_semaphore, #tpu.memory_space<semaphore_mem>>)
    %dma_wait3A_299 = arith.constant 0 : i32
    %dma_wait3A_300 = tpu.memref_slice %arg4[%add3A_12, %dma_wait3A_299] : memref<65536x512xf32, #tpu.memory_space<hbm>> -> memref<32x512xf32, #tpu.memory_space<hbm>>
    %dma_wait3A_301 = arith.constant 0 : i32
    %dma_wait3A_302 = tpu.memref_slice %arg4[%mul3A_4, %dma_wait3A_301] : memref<65536x512xf32, #tpu.memory_space<hbm>> -> memref<32x512xf32, #tpu.memory_space<hbm>>
    tpu.wait_dma2 semaphore(%arg6 : memref<!tpu.dma_semaphore, #tpu.memory_space<semaphore_mem>>) src(%dma_wait3A_302 : memref<32x512xf32, #tpu.memory_space<hbm>>) dst(%dma_wait3A_300 : memref<32x512xf32, #tpu.memory_space<hbm>>)
    %dma_start3A_303 = arith.constant 0 : i32
    %dma_start3A_304 = tpu.memref_slice %arg4[%add3A_48, %dma_start3A_303] : memref<65536x512xf32, #tpu.memory_space<hbm>> -> memref<32x512xf32, #tpu.memory_space<hbm>>
    %dma_start3A_305 = arith.constant 0 : i32
    %dma_start3A_306 = tpu.memref_slice %arg4[%mul3A_4, %dma_start3A_305] : memref<65536x512xf32, #tpu.memory_space<hbm>> -> memref<32x512xf32, #tpu.memory_space<hbm>>
    tpu.enqueue_dma source(%dma_start3A_306 : memref<32x512xf32, #tpu.memory_space<hbm>>) target(%dma_start3A_304 : memref<32x512xf32, #tpu.memory_space<hbm>>) target_semaphore(%arg6 : memref<!tpu.dma_semaphore, #tpu.memory_space<semaphore_mem>>)
    %dma_wait3A_307 = arith.constant 0 : i32
    %dma_wait3A_308 = tpu.memref_slice %arg4[%add3A_16, %dma_wait3A_307] : memref<65536x512xf32, #tpu.memory_space<hbm>> -> memref<32x512xf32, #tpu.memory_space<hbm>>
    %dma_wait3A_309 = arith.constant 0 : i32
    %dma_wait3A_310 = tpu.memref_slice %arg4[%mul3A_4, %dma_wait3A_309] : memref<65536x512xf32, #tpu.memory_space<hbm>> -> memref<32x512xf32, #tpu.memory_space<hbm>>
    tpu.wait_dma2 semaphore(%arg6 : memref<!tpu.dma_semaphore, #tpu.memory_space<semaphore_mem>>) src(%dma_wait3A_310 : memref<32x512xf32, #tpu.memory_space<hbm>>) dst(%dma_wait3A_308 : memref<32x512xf32, #tpu.memory_space<hbm>>)
    %dma_start3A_311 = arith.constant 0 : i32
    %dma_start3A_312 = tpu.memref_slice %arg4[%add3A_52, %dma_start3A_311] : memref<65536x512xf32, #tpu.memory_space<hbm>> -> memref<32x512xf32, #tpu.memory_space<hbm>>
    %dma_start3A_313 = arith.constant 0 : i32
    %dma_start3A_314 = tpu.memref_slice %arg4[%mul3A_4, %dma_start3A_313] : memref<65536x512xf32, #tpu.memory_space<hbm>> -> memref<32x512xf32, #tpu.memory_space<hbm>>
    tpu.enqueue_dma source(%dma_start3A_314 : memref<32x512xf32, #tpu.memory_space<hbm>>) target(%dma_start3A_312 : memref<32x512xf32, #tpu.memory_space<hbm>>) target_semaphore(%arg6 : memref<!tpu.dma_semaphore, #tpu.memory_space<semaphore_mem>>)
    %dma_wait3A_315 = arith.constant 0 : i32
    %dma_wait3A_316 = tpu.memref_slice %arg4[%add3A_20, %dma_wait3A_315] : memref<65536x512xf32, #tpu.memory_space<hbm>> -> memref<32x512xf32, #tpu.memory_space<hbm>>
    %dma_wait3A_317 = arith.constant 0 : i32
    %dma_wait3A_318 = tpu.memref_slice %arg4[%mul3A_4, %dma_wait3A_317] : memref<65536x512xf32, #tpu.memory_space<hbm>> -> memref<32x512xf32, #tpu.memory_space<hbm>>
    tpu.wait_dma2 semaphore(%arg6 : memref<!tpu.dma_semaphore, #tpu.memory_space<semaphore_mem>>) src(%dma_wait3A_318 : memref<32x512xf32, #tpu.memory_space<hbm>>) dst(%dma_wait3A_316 : memref<32x512xf32, #tpu.memory_space<hbm>>)
    %dma_start3A_319 = arith.constant 0 : i32
    %dma_start3A_320 = tpu.memref_slice %arg4[%add3A_56, %dma_start3A_319] : memref<65536x512xf32, #tpu.memory_space<hbm>> -> memref<32x512xf32, #tpu.memory_space<hbm>>
    %dma_start3A_321 = arith.constant 0 : i32
    %dma_start3A_322 = tpu.memref_slice %arg4[%mul3A_4, %dma_start3A_321] : memref<65536x512xf32, #tpu.memory_space<hbm>> -> memref<32x512xf32, #tpu.memory_space<hbm>>
    tpu.enqueue_dma source(%dma_start3A_322 : memref<32x512xf32, #tpu.memory_space<hbm>>) target(%dma_start3A_320 : memref<32x512xf32, #tpu.memory_space<hbm>>) target_semaphore(%arg6 : memref<!tpu.dma_semaphore, #tpu.memory_space<semaphore_mem>>)
    %dma_wait3A_323 = arith.constant 0 : i32
    %dma_wait3A_324 = tpu.memref_slice %arg4[%add3A_24, %dma_wait3A_323] : memref<65536x512xf32, #tpu.memory_space<hbm>> -> memref<32x512xf32, #tpu.memory_space<hbm>>
    %dma_wait3A_325 = arith.constant 0 : i32
    %dma_wait3A_326 = tpu.memref_slice %arg4[%mul3A_4, %dma_wait3A_325] : memref<65536x512xf32, #tpu.memory_space<hbm>> -> memref<32x512xf32, #tpu.memory_space<hbm>>
    tpu.wait_dma2 semaphore(%arg6 : memref<!tpu.dma_semaphore, #tpu.memory_space<semaphore_mem>>) src(%dma_wait3A_326 : memref<32x512xf32, #tpu.memory_space<hbm>>) dst(%dma_wait3A_324 : memref<32x512xf32, #tpu.memory_space<hbm>>)
    %dma_start3A_327 = arith.constant 0 : i32
    %dma_start3A_328 = tpu.memref_slice %arg4[%add3A_60, %dma_start3A_327] : memref<65536x512xf32, #tpu.memory_space<hbm>> -> memref<32x512xf32, #tpu.memory_space<hbm>>
    %dma_start3A_329 = arith.constant 0 : i32
    %dma_start3A_330 = tpu.memref_slice %arg4[%mul3A_4, %dma_start3A_329] : memref<65536x512xf32, #tpu.memory_space<hbm>> -> memref<32x512xf32, #tpu.memory_space<hbm>>
    tpu.enqueue_dma source(%dma_start3A_330 : memref<32x512xf32, #tpu.memory_space<hbm>>) target(%dma_start3A_328 : memref<32x512xf32, #tpu.memory_space<hbm>>) target_semaphore(%arg6 : memref<!tpu.dma_semaphore, #tpu.memory_space<semaphore_mem>>)
    %dma_wait3A_331 = arith.constant 0 : i32
    %dma_wait3A_332 = tpu.memref_slice %arg4[%add3A_28, %dma_wait3A_331] : memref<65536x512xf32, #tpu.memory_space<hbm>> -> memref<32x512xf32, #tpu.memory_space<hbm>>
    %dma_wait3A_333 = arith.constant 0 : i32
    %dma_wait3A_334 = tpu.memref_slice %arg4[%mul3A_4, %dma_wait3A_333] : memref<65536x512xf32, #tpu.memory_space<hbm>> -> memref<32x512xf32, #tpu.memory_space<hbm>>
    tpu.wait_dma2 semaphore(%arg6 : memref<!tpu.dma_semaphore, #tpu.memory_space<semaphore_mem>>) src(%dma_wait3A_334 : memref<32x512xf32, #tpu.memory_space<hbm>>) dst(%dma_wait3A_332 : memref<32x512xf32, #tpu.memory_space<hbm>>)
    %dma_start3A_335 = arith.constant 0 : i32
    %dma_start3A_336 = tpu.memref_slice %arg4[%add3A_64, %dma_start3A_335] : memref<65536x512xf32, #tpu.memory_space<hbm>> -> memref<32x512xf32, #tpu.memory_space<hbm>>
    %dma_start3A_337 = arith.constant 0 : i32
    %dma_start3A_338 = tpu.memref_slice %arg4[%mul3A_4, %dma_start3A_337] : memref<65536x512xf32, #tpu.memory_space<hbm>> -> memref<32x512xf32, #tpu.memory_space<hbm>>
    tpu.enqueue_dma source(%dma_start3A_338 : memref<32x512xf32, #tpu.memory_space<hbm>>) target(%dma_start3A_336 : memref<32x512xf32, #tpu.memory_space<hbm>>) target_semaphore(%arg6 : memref<!tpu.dma_semaphore, #tpu.memory_space<semaphore_mem>>)
    %dma_wait3A_339 = arith.constant 0 : i32
    %dma_wait3A_340 = tpu.memref_slice %arg4[%add3A_32, %dma_wait3A_339] : memref<65536x512xf32, #tpu.memory_space<hbm>> -> memref<32x512xf32, #tpu.memory_space<hbm>>
    %dma_wait3A_341 = arith.constant 0 : i32
    %dma_wait3A_342 = tpu.memref_slice %arg4[%mul3A_4, %dma_wait3A_341] : memref<65536x512xf32, #tpu.memory_space<hbm>> -> memref<32x512xf32, #tpu.memory_space<hbm>>
    tpu.wait_dma2 semaphore(%arg6 : memref<!tpu.dma_semaphore, #tpu.memory_space<semaphore_mem>>) src(%dma_wait3A_342 : memref<32x512xf32, #tpu.memory_space<hbm>>) dst(%dma_wait3A_340 : memref<32x512xf32, #tpu.memory_space<hbm>>)
    %dma_start3A_343 = arith.constant 0 : i32
    %dma_start3A_344 = tpu.memref_slice %arg4[%add3A_68, %dma_start3A_343] : memref<65536x512xf32, #tpu.memory_space<hbm>> -> memref<32x512xf32, #tpu.memory_space<hbm>>
    %dma_start3A_345 = arith.constant 0 : i32
    %dma_start3A_346 = tpu.memref_slice %arg4[%mul3A_4, %dma_start3A_345] : memref<65536x512xf32, #tpu.memory_space<hbm>> -> memref<32x512xf32, #tpu.memory_space<hbm>>
    tpu.enqueue_dma source(%dma_start3A_346 : memref<32x512xf32, #tpu.memory_space<hbm>>) target(%dma_start3A_344 : memref<32x512xf32, #tpu.memory_space<hbm>>) target_semaphore(%arg6 : memref<!tpu.dma_semaphore, #tpu.memory_space<semaphore_mem>>)
    %dma_wait3A_347 = arith.constant 0 : i32
    %dma_wait3A_348 = tpu.memref_slice %arg4[%add3A_36, %dma_wait3A_347] : memref<65536x512xf32, #tpu.memory_space<hbm>> -> memref<32x512xf32, #tpu.memory_space<hbm>>
    %dma_wait3A_349 = arith.constant 0 : i32
    %dma_wait3A_350 = tpu.memref_slice %arg4[%mul3A_4, %dma_wait3A_349] : memref<65536x512xf32, #tpu.memory_space<hbm>> -> memref<32x512xf32, #tpu.memory_space<hbm>>
    tpu.wait_dma2 semaphore(%arg6 : memref<!tpu.dma_semaphore, #tpu.memory_space<semaphore_mem>>) src(%dma_wait3A_350 : memref<32x512xf32, #tpu.memory_space<hbm>>) dst(%dma_wait3A_348 : memref<32x512xf32, #tpu.memory_space<hbm>>)
    %dma_start3A_351 = arith.constant 0 : i32
    %dma_start3A_352 = tpu.memref_slice %arg4[%add3A_72, %dma_start3A_351] : memref<65536x512xf32, #tpu.memory_space<hbm>> -> memref<32x512xf32, #tpu.memory_space<hbm>>
    %dma_start3A_353 = arith.constant 0 : i32
    %dma_start3A_354 = tpu.memref_slice %arg4[%mul3A_4, %dma_start3A_353] : memref<65536x512xf32, #tpu.memory_space<hbm>> -> memref<32x512xf32, #tpu.memory_space<hbm>>
    tpu.enqueue_dma source(%dma_start3A_354 : memref<32x512xf32, #tpu.memory_space<hbm>>) target(%dma_start3A_352 : memref<32x512xf32, #tpu.memory_space<hbm>>) target_semaphore(%arg6 : memref<!tpu.dma_semaphore, #tpu.memory_space<semaphore_mem>>)
    %dma_wait3A_355 = arith.constant 0 : i32
    %dma_wait3A_356 = tpu.memref_slice %arg4[%add3A_40, %dma_wait3A_355] : memref<65536x512xf32, #tpu.memory_space<hbm>> -> memref<32x512xf32, #tpu.memory_space<hbm>>
    %dma_wait3A_357 = arith.constant 0 : i32
    %dma_wait3A_358 = tpu.memref_slice %arg4[%mul3A_4, %dma_wait3A_357] : memref<65536x512xf32, #tpu.memory_space<hbm>> -> memref<32x512xf32, #tpu.memory_space<hbm>>
    tpu.wait_dma2 semaphore(%arg6 : memref<!tpu.dma_semaphore, #tpu.memory_space<semaphore_mem>>) src(%dma_wait3A_358 : memref<32x512xf32, #tpu.memory_space<hbm>>) dst(%dma_wait3A_356 : memref<32x512xf32, #tpu.memory_space<hbm>>)
    %dma_start3A_359 = arith.constant 0 : i32
    %dma_start3A_360 = tpu.memref_slice %arg4[%add3A_76, %dma_start3A_359] : memref<65536x512xf32, #tpu.memory_space<hbm>> -> memref<32x512xf32, #tpu.memory_space<hbm>>
    %dma_start3A_361 = arith.constant 0 : i32
    %dma_start3A_362 = tpu.memref_slice %arg4[%mul3A_4, %dma_start3A_361] : memref<65536x512xf32, #tpu.memory_space<hbm>> -> memref<32x512xf32, #tpu.memory_space<hbm>>
    tpu.enqueue_dma source(%dma_start3A_362 : memref<32x512xf32, #tpu.memory_space<hbm>>) target(%dma_start3A_360 : memref<32x512xf32, #tpu.memory_space<hbm>>) target_semaphore(%arg6 : memref<!tpu.dma_semaphore, #tpu.memory_space<semaphore_mem>>)
    %dma_wait3A_363 = arith.constant 0 : i32
    %dma_wait3A_364 = tpu.memref_slice %arg4[%add3A_44, %dma_wait3A_363] : memref<65536x512xf32, #tpu.memory_space<hbm>> -> memref<32x512xf32, #tpu.memory_space<hbm>>
    %dma_wait3A_365 = arith.constant 0 : i32
    %dma_wait3A_366 = tpu.memref_slice %arg4[%mul3A_4, %dma_wait3A_365] : memref<65536x512xf32, #tpu.memory_space<hbm>> -> memref<32x512xf32, #tpu.memory_space<hbm>>
    tpu.wait_dma2 semaphore(%arg6 : memref<!tpu.dma_semaphore, #tpu.memory_space<semaphore_mem>>) src(%dma_wait3A_366 : memref<32x512xf32, #tpu.memory_space<hbm>>) dst(%dma_wait3A_364 : memref<32x512xf32, #tpu.memory_space<hbm>>)
    %dma_start3A_367 = arith.constant 0 : i32
    %dma_start3A_368 = tpu.memref_slice %arg4[%add3A_80, %dma_start3A_367] : memref<65536x512xf32, #tpu.memory_space<hbm>> -> memref<32x512xf32, #tpu.memory_space<hbm>>
    %dma_start3A_369 = arith.constant 0 : i32
    %dma_start3A_370 = tpu.memref_slice %arg4[%mul3A_4, %dma_start3A_369] : memref<65536x512xf32, #tpu.memory_space<hbm>> -> memref<32x512xf32, #tpu.memory_space<hbm>>
    tpu.enqueue_dma source(%dma_start3A_370 : memref<32x512xf32, #tpu.memory_space<hbm>>) target(%dma_start3A_368 : memref<32x512xf32, #tpu.memory_space<hbm>>) target_semaphore(%arg6 : memref<!tpu.dma_semaphore, #tpu.memory_space<semaphore_mem>>)
    %dma_wait3A_371 = arith.constant 0 : i32
    %dma_wait3A_372 = tpu.memref_slice %arg4[%add3A_48, %dma_wait3A_371] : memref<65536x512xf32, #tpu.memory_space<hbm>> -> memref<32x512xf32, #tpu.memory_space<hbm>>
    %dma_wait3A_373 = arith.constant 0 : i32
    %dma_wait3A_374 = tpu.memref_slice %arg4[%mul3A_4, %dma_wait3A_373] : memref<65536x512xf32, #tpu.memory_space<hbm>> -> memref<32x512xf32, #tpu.memory_space<hbm>>
    tpu.wait_dma2 semaphore(%arg6 : memref<!tpu.dma_semaphore, #tpu.memory_space<semaphore_mem>>) src(%dma_wait3A_374 : memref<32x512xf32, #tpu.memory_space<hbm>>) dst(%dma_wait3A_372 : memref<32x512xf32, #tpu.memory_space<hbm>>)
    %dma_start3A_375 = arith.constant 0 : i32
    %dma_start3A_376 = tpu.memref_slice %arg4[%add3A_84, %dma_start3A_375] : memref<65536x512xf32, #tpu.memory_space<hbm>> -> memref<32x512xf32, #tpu.memory_space<hbm>>
    %dma_start3A_377 = arith.constant 0 : i32
    %dma_start3A_378 = tpu.memref_slice %arg4[%mul3A_4, %dma_start3A_377] : memref<65536x512xf32, #tpu.memory_space<hbm>> -> memref<32x512xf32, #tpu.memory_space<hbm>>
    tpu.enqueue_dma source(%dma_start3A_378 : memref<32x512xf32, #tpu.memory_space<hbm>>) target(%dma_start3A_376 : memref<32x512xf32, #tpu.memory_space<hbm>>) target_semaphore(%arg6 : memref<!tpu.dma_semaphore, #tpu.memory_space<semaphore_mem>>)
    %dma_wait3A_379 = arith.constant 0 : i32
    %dma_wait3A_380 = tpu.memref_slice %arg4[%add3A_52, %dma_wait3A_379] : memref<65536x512xf32, #tpu.memory_space<hbm>> -> memref<32x512xf32, #tpu.memory_space<hbm>>
    %dma_wait3A_381 = arith.constant 0 : i32
    %dma_wait3A_382 = tpu.memref_slice %arg4[%mul3A_4, %dma_wait3A_381] : memref<65536x512xf32, #tpu.memory_space<hbm>> -> memref<32x512xf32, #tpu.memory_space<hbm>>
    tpu.wait_dma2 semaphore(%arg6 : memref<!tpu.dma_semaphore, #tpu.memory_space<semaphore_mem>>) src(%dma_wait3A_382 : memref<32x512xf32, #tpu.memory_space<hbm>>) dst(%dma_wait3A_380 : memref<32x512xf32, #tpu.memory_space<hbm>>)
    %dma_start3A_383 = arith.constant 0 : i32
    %dma_start3A_384 = tpu.memref_slice %arg4[%add3A_88, %dma_start3A_383] : memref<65536x512xf32, #tpu.memory_space<hbm>> -> memref<32x512xf32, #tpu.memory_space<hbm>>
    %dma_start3A_385 = arith.constant 0 : i32
    %dma_start3A_386 = tpu.memref_slice %arg4[%mul3A_4, %dma_start3A_385] : memref<65536x512xf32, #tpu.memory_space<hbm>> -> memref<32x512xf32, #tpu.memory_space<hbm>>
    tpu.enqueue_dma source(%dma_start3A_386 : memref<32x512xf32, #tpu.memory_space<hbm>>) target(%dma_start3A_384 : memref<32x512xf32, #tpu.memory_space<hbm>>) target_semaphore(%arg6 : memref<!tpu.dma_semaphore, #tpu.memory_space<semaphore_mem>>)
    %dma_wait3A_387 = arith.constant 0 : i32
    %dma_wait3A_388 = tpu.memref_slice %arg4[%add3A_56, %dma_wait3A_387] : memref<65536x512xf32, #tpu.memory_space<hbm>> -> memref<32x512xf32, #tpu.memory_space<hbm>>
    %dma_wait3A_389 = arith.constant 0 : i32
    %dma_wait3A_390 = tpu.memref_slice %arg4[%mul3A_4, %dma_wait3A_389] : memref<65536x512xf32, #tpu.memory_space<hbm>> -> memref<32x512xf32, #tpu.memory_space<hbm>>
    tpu.wait_dma2 semaphore(%arg6 : memref<!tpu.dma_semaphore, #tpu.memory_space<semaphore_mem>>) src(%dma_wait3A_390 : memref<32x512xf32, #tpu.memory_space<hbm>>) dst(%dma_wait3A_388 : memref<32x512xf32, #tpu.memory_space<hbm>>)
    %dma_start3A_391 = arith.constant 0 : i32
    %dma_start3A_392 = tpu.memref_slice %arg4[%add3A_92, %dma_start3A_391] : memref<65536x512xf32, #tpu.memory_space<hbm>> -> memref<32x512xf32, #tpu.memory_space<hbm>>
    %dma_start3A_393 = arith.constant 0 : i32
    %dma_start3A_394 = tpu.memref_slice %arg4[%mul3A_4, %dma_start3A_393] : memref<65536x512xf32, #tpu.memory_space<hbm>> -> memref<32x512xf32, #tpu.memory_space<hbm>>
    tpu.enqueue_dma source(%dma_start3A_394 : memref<32x512xf32, #tpu.memory_space<hbm>>) target(%dma_start3A_392 : memref<32x512xf32, #tpu.memory_space<hbm>>) target_semaphore(%arg6 : memref<!tpu.dma_semaphore, #tpu.memory_space<semaphore_mem>>)
    %dma_wait3A_395 = arith.constant 0 : i32
    %dma_wait3A_396 = tpu.memref_slice %arg4[%add3A_60, %dma_wait3A_395] : memref<65536x512xf32, #tpu.memory_space<hbm>> -> memref<32x512xf32, #tpu.memory_space<hbm>>
    %dma_wait3A_397 = arith.constant 0 : i32
    %dma_wait3A_398 = tpu.memref_slice %arg4[%mul3A_4, %dma_wait3A_397] : memref<65536x512xf32, #tpu.memory_space<hbm>> -> memref<32x512xf32, #tpu.memory_space<hbm>>
    tpu.wait_dma2 semaphore(%arg6 : memref<!tpu.dma_semaphore, #tpu.memory_space<semaphore_mem>>) src(%dma_wait3A_398 : memref<32x512xf32, #tpu.memory_space<hbm>>) dst(%dma_wait3A_396 : memref<32x512xf32, #tpu.memory_space<hbm>>)
    %dma_start3A_399 = arith.constant 0 : i32
    %dma_start3A_400 = tpu.memref_slice %arg4[%add3A_96, %dma_start3A_399] : memref<65536x512xf32, #tpu.memory_space<hbm>> -> memref<32x512xf32, #tpu.memory_space<hbm>>
    %dma_start3A_401 = arith.constant 0 : i32
    %dma_start3A_402 = tpu.memref_slice %arg4[%mul3A_4, %dma_start3A_401] : memref<65536x512xf32, #tpu.memory_space<hbm>> -> memref<32x512xf32, #tpu.memory_space<hbm>>
    tpu.enqueue_dma source(%dma_start3A_402 : memref<32x512xf32, #tpu.memory_space<hbm>>) target(%dma_start3A_400 : memref<32x512xf32, #tpu.memory_space<hbm>>) target_semaphore(%arg6 : memref<!tpu.dma_semaphore, #tpu.memory_space<semaphore_mem>>)
    %dma_wait3A_403 = arith.constant 0 : i32
    %dma_wait3A_404 = tpu.memref_slice %arg4[%add3A_64, %dma_wait3A_403] : memref<65536x512xf32, #tpu.memory_space<hbm>> -> memref<32x512xf32, #tpu.memory_space<hbm>>
    %dma_wait3A_405 = arith.constant 0 : i32
    %dma_wait3A_406 = tpu.memref_slice %arg4[%mul3A_4, %dma_wait3A_405] : memref<65536x512xf32, #tpu.memory_space<hbm>> -> memref<32x512xf32, #tpu.memory_space<hbm>>
    tpu.wait_dma2 semaphore(%arg6 : memref<!tpu.dma_semaphore, #tpu.memory_space<semaphore_mem>>) src(%dma_wait3A_406 : memref<32x512xf32, #tpu.memory_space<hbm>>) dst(%dma_wait3A_404 : memref<32x512xf32, #tpu.memory_space<hbm>>)
    %dma_start3A_407 = arith.constant 0 : i32
    %dma_start3A_408 = tpu.memref_slice %arg4[%add3A_100, %dma_start3A_407] : memref<65536x512xf32, #tpu.memory_space<hbm>> -> memref<32x512xf32, #tpu.memory_space<hbm>>
    %dma_start3A_409 = arith.constant 0 : i32
    %dma_start3A_410 = tpu.memref_slice %arg4[%mul3A_4, %dma_start3A_409] : memref<65536x512xf32, #tpu.memory_space<hbm>> -> memref<32x512xf32, #tpu.memory_space<hbm>>
    tpu.enqueue_dma source(%dma_start3A_410 : memref<32x512xf32, #tpu.memory_space<hbm>>) target(%dma_start3A_408 : memref<32x512xf32, #tpu.memory_space<hbm>>) target_semaphore(%arg6 : memref<!tpu.dma_semaphore, #tpu.memory_space<semaphore_mem>>)
    %dma_wait3A_411 = arith.constant 0 : i32
    %dma_wait3A_412 = tpu.memref_slice %arg4[%add3A_68, %dma_wait3A_411] : memref<65536x512xf32, #tpu.memory_space<hbm>> -> memref<32x512xf32, #tpu.memory_space<hbm>>
    %dma_wait3A_413 = arith.constant 0 : i32
    %dma_wait3A_414 = tpu.memref_slice %arg4[%mul3A_4, %dma_wait3A_413] : memref<65536x512xf32, #tpu.memory_space<hbm>> -> memref<32x512xf32, #tpu.memory_space<hbm>>
    tpu.wait_dma2 semaphore(%arg6 : memref<!tpu.dma_semaphore, #tpu.memory_space<semaphore_mem>>) src(%dma_wait3A_414 : memref<32x512xf32, #tpu.memory_space<hbm>>) dst(%dma_wait3A_412 : memref<32x512xf32, #tpu.memory_space<hbm>>)
    %dma_start3A_415 = arith.constant 0 : i32
    %dma_start3A_416 = tpu.memref_slice %arg4[%add3A_104, %dma_start3A_415] : memref<65536x512xf32, #tpu.memory_space<hbm>> -> memref<32x512xf32, #tpu.memory_space<hbm>>
    %dma_start3A_417 = arith.constant 0 : i32
    %dma_start3A_418 = tpu.memref_slice %arg4[%mul3A_4, %dma_start3A_417] : memref<65536x512xf32, #tpu.memory_space<hbm>> -> memref<32x512xf32, #tpu.memory_space<hbm>>
    tpu.enqueue_dma source(%dma_start3A_418 : memref<32x512xf32, #tpu.memory_space<hbm>>) target(%dma_start3A_416 : memref<32x512xf32, #tpu.memory_space<hbm>>) target_semaphore(%arg6 : memref<!tpu.dma_semaphore, #tpu.memory_space<semaphore_mem>>)
    %dma_wait3A_419 = arith.constant 0 : i32
    %dma_wait3A_420 = tpu.memref_slice %arg4[%add3A_72, %dma_wait3A_419] : memref<65536x512xf32, #tpu.memory_space<hbm>> -> memref<32x512xf32, #tpu.memory_space<hbm>>
    %dma_wait3A_421 = arith.constant 0 : i32
    %dma_wait3A_422 = tpu.memref_slice %arg4[%mul3A_4, %dma_wait3A_421] : memref<65536x512xf32, #tpu.memory_space<hbm>> -> memref<32x512xf32, #tpu.memory_space<hbm>>
    tpu.wait_dma2 semaphore(%arg6 : memref<!tpu.dma_semaphore, #tpu.memory_space<semaphore_mem>>) src(%dma_wait3A_422 : memref<32x512xf32, #tpu.memory_space<hbm>>) dst(%dma_wait3A_420 : memref<32x512xf32, #tpu.memory_space<hbm>>)
    %dma_start3A_423 = arith.constant 0 : i32
    %dma_start3A_424 = tpu.memref_slice %arg4[%add3A_108, %dma_start3A_423] : memref<65536x512xf32, #tpu.memory_space<hbm>> -> memref<32x512xf32, #tpu.memory_space<hbm>>
    %dma_start3A_425 = arith.constant 0 : i32
    %dma_start3A_426 = tpu.memref_slice %arg4[%mul3A_4, %dma_start3A_425] : memref<65536x512xf32, #tpu.memory_space<hbm>> -> memref<32x512xf32, #tpu.memory_space<hbm>>
    tpu.enqueue_dma source(%dma_start3A_426 : memref<32x512xf32, #tpu.memory_space<hbm>>) target(%dma_start3A_424 : memref<32x512xf32, #tpu.memory_space<hbm>>) target_semaphore(%arg6 : memref<!tpu.dma_semaphore, #tpu.memory_space<semaphore_mem>>)
    %dma_wait3A_427 = arith.constant 0 : i32
    %dma_wait3A_428 = tpu.memref_slice %arg4[%add3A_76, %dma_wait3A_427] : memref<65536x512xf32, #tpu.memory_space<hbm>> -> memref<32x512xf32, #tpu.memory_space<hbm>>
    %dma_wait3A_429 = arith.constant 0 : i32
    %dma_wait3A_430 = tpu.memref_slice %arg4[%mul3A_4, %dma_wait3A_429] : memref<65536x512xf32, #tpu.memory_space<hbm>> -> memref<32x512xf32, #tpu.memory_space<hbm>>
    tpu.wait_dma2 semaphore(%arg6 : memref<!tpu.dma_semaphore, #tpu.memory_space<semaphore_mem>>) src(%dma_wait3A_430 : memref<32x512xf32, #tpu.memory_space<hbm>>) dst(%dma_wait3A_428 : memref<32x512xf32, #tpu.memory_space<hbm>>)
    %dma_start3A_431 = arith.constant 0 : i32
    %dma_start3A_432 = tpu.memref_slice %arg4[%add3A_112, %dma_start3A_431] : memref<65536x512xf32, #tpu.memory_space<hbm>> -> memref<32x512xf32, #tpu.memory_space<hbm>>
    %dma_start3A_433 = arith.constant 0 : i32
    %dma_start3A_434 = tpu.memref_slice %arg4[%mul3A_4, %dma_start3A_433] : memref<65536x512xf32, #tpu.memory_space<hbm>> -> memref<32x512xf32, #tpu.memory_space<hbm>>
    tpu.enqueue_dma source(%dma_start3A_434 : memref<32x512xf32, #tpu.memory_space<hbm>>) target(%dma_start3A_432 : memref<32x512xf32, #tpu.memory_space<hbm>>) target_semaphore(%arg6 : memref<!tpu.dma_semaphore, #tpu.memory_space<semaphore_mem>>)
    %dma_wait3A_435 = arith.constant 0 : i32
    %dma_wait3A_436 = tpu.memref_slice %arg4[%add3A_80, %dma_wait3A_435] : memref<65536x512xf32, #tpu.memory_space<hbm>> -> memref<32x512xf32, #tpu.memory_space<hbm>>
    %dma_wait3A_437 = arith.constant 0 : i32
    %dma_wait3A_438 = tpu.memref_slice %arg4[%mul3A_4, %dma_wait3A_437] : memref<65536x512xf32, #tpu.memory_space<hbm>> -> memref<32x512xf32, #tpu.memory_space<hbm>>
    tpu.wait_dma2 semaphore(%arg6 : memref<!tpu.dma_semaphore, #tpu.memory_space<semaphore_mem>>) src(%dma_wait3A_438 : memref<32x512xf32, #tpu.memory_space<hbm>>) dst(%dma_wait3A_436 : memref<32x512xf32, #tpu.memory_space<hbm>>)
    %dma_start3A_439 = arith.constant 0 : i32
    %dma_start3A_440 = tpu.memref_slice %arg4[%add3A_116, %dma_start3A_439] : memref<65536x512xf32, #tpu.memory_space<hbm>> -> memref<32x512xf32, #tpu.memory_space<hbm>>
    %dma_start3A_441 = arith.constant 0 : i32
    %dma_start3A_442 = tpu.memref_slice %arg4[%mul3A_4, %dma_start3A_441] : memref<65536x512xf32, #tpu.memory_space<hbm>> -> memref<32x512xf32, #tpu.memory_space<hbm>>
    tpu.enqueue_dma source(%dma_start3A_442 : memref<32x512xf32, #tpu.memory_space<hbm>>) target(%dma_start3A_440 : memref<32x512xf32, #tpu.memory_space<hbm>>) target_semaphore(%arg6 : memref<!tpu.dma_semaphore, #tpu.memory_space<semaphore_mem>>)
    %dma_wait3A_443 = arith.constant 0 : i32
    %dma_wait3A_444 = tpu.memref_slice %arg4[%add3A_84, %dma_wait3A_443] : memref<65536x512xf32, #tpu.memory_space<hbm>> -> memref<32x512xf32, #tpu.memory_space<hbm>>
    %dma_wait3A_445 = arith.constant 0 : i32
    %dma_wait3A_446 = tpu.memref_slice %arg4[%mul3A_4, %dma_wait3A_445] : memref<65536x512xf32, #tpu.memory_space<hbm>> -> memref<32x512xf32, #tpu.memory_space<hbm>>
    tpu.wait_dma2 semaphore(%arg6 : memref<!tpu.dma_semaphore, #tpu.memory_space<semaphore_mem>>) src(%dma_wait3A_446 : memref<32x512xf32, #tpu.memory_space<hbm>>) dst(%dma_wait3A_444 : memref<32x512xf32, #tpu.memory_space<hbm>>)
    %dma_start3A_447 = arith.constant 0 : i32
    %dma_start3A_448 = tpu.memref_slice %arg4[%add3A_120, %dma_start3A_447] : memref<65536x512xf32, #tpu.memory_space<hbm>> -> memref<32x512xf32, #tpu.memory_space<hbm>>
    %dma_start3A_449 = arith.constant 0 : i32
    %dma_start3A_450 = tpu.memref_slice %arg4[%mul3A_4, %dma_start3A_449] : memref<65536x512xf32, #tpu.memory_space<hbm>> -> memref<32x512xf32, #tpu.memory_space<hbm>>
    tpu.enqueue_dma source(%dma_start3A_450 : memref<32x512xf32, #tpu.memory_space<hbm>>) target(%dma_start3A_448 : memref<32x512xf32, #tpu.memory_space<hbm>>) target_semaphore(%arg6 : memref<!tpu.dma_semaphore, #tpu.memory_space<semaphore_mem>>)
    %dma_wait3A_451 = arith.constant 0 : i32
    %dma_wait3A_452 = tpu.memref_slice %arg4[%add3A_88, %dma_wait3A_451] : memref<65536x512xf32, #tpu.memory_space<hbm>> -> memref<32x512xf32, #tpu.memory_space<hbm>>
    %dma_wait3A_453 = arith.constant 0 : i32
    %dma_wait3A_454 = tpu.memref_slice %arg4[%mul3A_4, %dma_wait3A_453] : memref<65536x512xf32, #tpu.memory_space<hbm>> -> memref<32x512xf32, #tpu.memory_space<hbm>>
    tpu.wait_dma2 semaphore(%arg6 : memref<!tpu.dma_semaphore, #tpu.memory_space<semaphore_mem>>) src(%dma_wait3A_454 : memref<32x512xf32, #tpu.memory_space<hbm>>) dst(%dma_wait3A_452 : memref<32x512xf32, #tpu.memory_space<hbm>>)
    %dma_start3A_455 = arith.constant 0 : i32
    %dma_start3A_456 = tpu.memref_slice %arg4[%add3A_124, %dma_start3A_455] : memref<65536x512xf32, #tpu.memory_space<hbm>> -> memref<32x512xf32, #tpu.memory_space<hbm>>
    %dma_start3A_457 = arith.constant 0 : i32
    %dma_start3A_458 = tpu.memref_slice %arg4[%mul3A_4, %dma_start3A_457] : memref<65536x512xf32, #tpu.memory_space<hbm>> -> memref<32x512xf32, #tpu.memory_space<hbm>>
    tpu.enqueue_dma source(%dma_start3A_458 : memref<32x512xf32, #tpu.memory_space<hbm>>) target(%dma_start3A_456 : memref<32x512xf32, #tpu.memory_space<hbm>>) target_semaphore(%arg6 : memref<!tpu.dma_semaphore, #tpu.memory_space<semaphore_mem>>)
    %dma_wait3A_459 = arith.constant 0 : i32
    %dma_wait3A_460 = tpu.memref_slice %arg4[%add3A_92, %dma_wait3A_459] : memref<65536x512xf32, #tpu.memory_space<hbm>> -> memref<32x512xf32, #tpu.memory_space<hbm>>
    %dma_wait3A_461 = arith.constant 0 : i32
    %dma_wait3A_462 = tpu.memref_slice %arg4[%mul3A_4, %dma_wait3A_461] : memref<65536x512xf32, #tpu.memory_space<hbm>> -> memref<32x512xf32, #tpu.memory_space<hbm>>
    tpu.wait_dma2 semaphore(%arg6 : memref<!tpu.dma_semaphore, #tpu.memory_space<semaphore_mem>>) src(%dma_wait3A_462 : memref<32x512xf32, #tpu.memory_space<hbm>>) dst(%dma_wait3A_460 : memref<32x512xf32, #tpu.memory_space<hbm>>)
    %dma_start3A_463 = arith.constant 0 : i32
    %dma_start3A_464 = tpu.memref_slice %arg4[%add3A_128, %dma_start3A_463] : memref<65536x512xf32, #tpu.memory_space<hbm>> -> memref<32x512xf32, #tpu.memory_space<hbm>>
    %dma_start3A_465 = arith.constant 0 : i32
    %dma_start3A_466 = tpu.memref_slice %arg4[%mul3A_4, %dma_start3A_465] : memref<65536x512xf32, #tpu.memory_space<hbm>> -> memref<32x512xf32, #tpu.memory_space<hbm>>
    tpu.enqueue_dma source(%dma_start3A_466 : memref<32x512xf32, #tpu.memory_space<hbm>>) target(%dma_start3A_464 : memref<32x512xf32, #tpu.memory_space<hbm>>) target_semaphore(%arg6 : memref<!tpu.dma_semaphore, #tpu.memory_space<semaphore_mem>>)
    %dma_wait3A_467 = arith.constant 0 : i32
    %dma_wait3A_468 = tpu.memref_slice %arg4[%add3A_96, %dma_wait3A_467] : memref<65536x512xf32, #tpu.memory_space<hbm>> -> memref<32x512xf32, #tpu.memory_space<hbm>>
    %dma_wait3A_469 = arith.constant 0 : i32
    %dma_wait3A_470 = tpu.memref_slice %arg4[%mul3A_4, %dma_wait3A_469] : memref<65536x512xf32, #tpu.memory_space<hbm>> -> memref<32x512xf32, #tpu.memory_space<hbm>>
    tpu.wait_dma2 semaphore(%arg6 : memref<!tpu.dma_semaphore, #tpu.memory_space<semaphore_mem>>) src(%dma_wait3A_470 : memref<32x512xf32, #tpu.memory_space<hbm>>) dst(%dma_wait3A_468 : memref<32x512xf32, #tpu.memory_space<hbm>>)
    %dma_start3A_471 = arith.constant 0 : i32
    %dma_start3A_472 = tpu.memref_slice %arg4[%add3A_132, %dma_start3A_471] : memref<65536x512xf32, #tpu.memory_space<hbm>> -> memref<32x512xf32, #tpu.memory_space<hbm>>
    %dma_start3A_473 = arith.constant 0 : i32
    %dma_start3A_474 = tpu.memref_slice %arg4[%mul3A_4, %dma_start3A_473] : memref<65536x512xf32, #tpu.memory_space<hbm>> -> memref<32x512xf32, #tpu.memory_space<hbm>>
    tpu.enqueue_dma source(%dma_start3A_474 : memref<32x512xf32, #tpu.memory_space<hbm>>) target(%dma_start3A_472 : memref<32x512xf32, #tpu.memory_space<hbm>>) target_semaphore(%arg6 : memref<!tpu.dma_semaphore, #tpu.memory_space<semaphore_mem>>)
    %dma_wait3A_475 = arith.constant 0 : i32
    %dma_wait3A_476 = tpu.memref_slice %arg4[%add3A_100, %dma_wait3A_475] : memref<65536x512xf32, #tpu.memory_space<hbm>> -> memref<32x512xf32, #tpu.memory_space<hbm>>
    %dma_wait3A_477 = arith.constant 0 : i32
    %dma_wait3A_478 = tpu.memref_slice %arg4[%mul3A_4, %dma_wait3A_477] : memref<65536x512xf32, #tpu.memory_space<hbm>> -> memref<32x512xf32, #tpu.memory_space<hbm>>
    tpu.wait_dma2 semaphore(%arg6 : memref<!tpu.dma_semaphore, #tpu.memory_space<semaphore_mem>>) src(%dma_wait3A_478 : memref<32x512xf32, #tpu.memory_space<hbm>>) dst(%dma_wait3A_476 : memref<32x512xf32, #tpu.memory_space<hbm>>)
    %dma_start3A_479 = arith.constant 0 : i32
    %dma_start3A_480 = tpu.memref_slice %arg4[%add3A_136, %dma_start3A_479] : memref<65536x512xf32, #tpu.memory_space<hbm>> -> memref<32x512xf32, #tpu.memory_space<hbm>>
    %dma_start3A_481 = arith.constant 0 : i32
    %dma_start3A_482 = tpu.memref_slice %arg4[%mul3A_4, %dma_start3A_481] : memref<65536x512xf32, #tpu.memory_space<hbm>> -> memref<32x512xf32, #tpu.memory_space<hbm>>
    tpu.enqueue_dma source(%dma_start3A_482 : memref<32x512xf32, #tpu.memory_space<hbm>>) target(%dma_start3A_480 : memref<32x512xf32, #tpu.memory_space<hbm>>) target_semaphore(%arg6 : memref<!tpu.dma_semaphore, #tpu.memory_space<semaphore_mem>>)
    %dma_wait3A_483 = arith.constant 0 : i32
    %dma_wait3A_484 = tpu.memref_slice %arg4[%add3A_104, %dma_wait3A_483] : memref<65536x512xf32, #tpu.memory_space<hbm>> -> memref<32x512xf32, #tpu.memory_space<hbm>>
    %dma_wait3A_485 = arith.constant 0 : i32
    %dma_wait3A_486 = tpu.memref_slice %arg4[%mul3A_4, %dma_wait3A_485] : memref<65536x512xf32, #tpu.memory_space<hbm>> -> memref<32x512xf32, #tpu.memory_space<hbm>>
    tpu.wait_dma2 semaphore(%arg6 : memref<!tpu.dma_semaphore, #tpu.memory_space<semaphore_mem>>) src(%dma_wait3A_486 : memref<32x512xf32, #tpu.memory_space<hbm>>) dst(%dma_wait3A_484 : memref<32x512xf32, #tpu.memory_space<hbm>>)
    %dma_start3A_487 = arith.constant 0 : i32
    %dma_start3A_488 = tpu.memref_slice %arg4[%add3A_140, %dma_start3A_487] : memref<65536x512xf32, #tpu.memory_space<hbm>> -> memref<32x512xf32, #tpu.memory_space<hbm>>
    %dma_start3A_489 = arith.constant 0 : i32
    %dma_start3A_490 = tpu.memref_slice %arg4[%mul3A_4, %dma_start3A_489] : memref<65536x512xf32, #tpu.memory_space<hbm>> -> memref<32x512xf32, #tpu.memory_space<hbm>>
    tpu.enqueue_dma source(%dma_start3A_490 : memref<32x512xf32, #tpu.memory_space<hbm>>) target(%dma_start3A_488 : memref<32x512xf32, #tpu.memory_space<hbm>>) target_semaphore(%arg6 : memref<!tpu.dma_semaphore, #tpu.memory_space<semaphore_mem>>)
    %dma_wait3A_491 = arith.constant 0 : i32
    %dma_wait3A_492 = tpu.memref_slice %arg4[%add3A_108, %dma_wait3A_491] : memref<65536x512xf32, #tpu.memory_space<hbm>> -> memref<32x512xf32, #tpu.memory_space<hbm>>
    %dma_wait3A_493 = arith.constant 0 : i32
    %dma_wait3A_494 = tpu.memref_slice %arg4[%mul3A_4, %dma_wait3A_493] : memref<65536x512xf32, #tpu.memory_space<hbm>> -> memref<32x512xf32, #tpu.memory_space<hbm>>
    tpu.wait_dma2 semaphore(%arg6 : memref<!tpu.dma_semaphore, #tpu.memory_space<semaphore_mem>>) src(%dma_wait3A_494 : memref<32x512xf32, #tpu.memory_space<hbm>>) dst(%dma_wait3A_492 : memref<32x512xf32, #tpu.memory_space<hbm>>)
    %dma_start3A_495 = arith.constant 0 : i32
    %dma_start3A_496 = tpu.memref_slice %arg4[%add3A_144, %dma_start3A_495] : memref<65536x512xf32, #tpu.memory_space<hbm>> -> memref<32x512xf32, #tpu.memory_space<hbm>>
    %dma_start3A_497 = arith.constant 0 : i32
    %dma_start3A_498 = tpu.memref_slice %arg4[%mul3A_4, %dma_start3A_497] : memref<65536x512xf32, #tpu.memory_space<hbm>> -> memref<32x512xf32, #tpu.memory_space<hbm>>
    tpu.enqueue_dma source(%dma_start3A_498 : memref<32x512xf32, #tpu.memory_space<hbm>>) target(%dma_start3A_496 : memref<32x512xf32, #tpu.memory_space<hbm>>) target_semaphore(%arg6 : memref<!tpu.dma_semaphore, #tpu.memory_space<semaphore_mem>>)
    %dma_wait3A_499 = arith.constant 0 : i32
    %dma_wait3A_500 = tpu.memref_slice %arg4[%add3A_112, %dma_wait3A_499] : memref<65536x512xf32, #tpu.memory_space<hbm>> -> memref<32x512xf32, #tpu.memory_space<hbm>>
    %dma_wait3A_501 = arith.constant 0 : i32
    %dma_wait3A_502 = tpu.memref_slice %arg4[%mul3A_4, %dma_wait3A_501] : memref<65536x512xf32, #tpu.memory_space<hbm>> -> memref<32x512xf32, #tpu.memory_space<hbm>>
    tpu.wait_dma2 semaphore(%arg6 : memref<!tpu.dma_semaphore, #tpu.memory_space<semaphore_mem>>) src(%dma_wait3A_502 : memref<32x512xf32, #tpu.memory_space<hbm>>) dst(%dma_wait3A_500 : memref<32x512xf32, #tpu.memory_space<hbm>>)
    %dma_start3A_503 = arith.constant 0 : i32
    %dma_start3A_504 = tpu.memref_slice %arg4[%add3A_148, %dma_start3A_503] : memref<65536x512xf32, #tpu.memory_space<hbm>> -> memref<32x512xf32, #tpu.memory_space<hbm>>
    %dma_start3A_505 = arith.constant 0 : i32
    %dma_start3A_506 = tpu.memref_slice %arg4[%mul3A_4, %dma_start3A_505] : memref<65536x512xf32, #tpu.memory_space<hbm>> -> memref<32x512xf32, #tpu.memory_space<hbm>>
    tpu.enqueue_dma source(%dma_start3A_506 : memref<32x512xf32, #tpu.memory_space<hbm>>) target(%dma_start3A_504 : memref<32x512xf32, #tpu.memory_space<hbm>>) target_semaphore(%arg6 : memref<!tpu.dma_semaphore, #tpu.memory_space<semaphore_mem>>)
    %dma_wait3A_507 = arith.constant 0 : i32
    %dma_wait3A_508 = tpu.memref_slice %arg4[%add3A_116, %dma_wait3A_507] : memref<65536x512xf32, #tpu.memory_space<hbm>> -> memref<32x512xf32, #tpu.memory_space<hbm>>
    %dma_wait3A_509 = arith.constant 0 : i32
    %dma_wait3A_510 = tpu.memref_slice %arg4[%mul3A_4, %dma_wait3A_509] : memref<65536x512xf32, #tpu.memory_space<hbm>> -> memref<32x512xf32, #tpu.memory_space<hbm>>
    tpu.wait_dma2 semaphore(%arg6 : memref<!tpu.dma_semaphore, #tpu.memory_space<semaphore_mem>>) src(%dma_wait3A_510 : memref<32x512xf32, #tpu.memory_space<hbm>>) dst(%dma_wait3A_508 : memref<32x512xf32, #tpu.memory_space<hbm>>)
    %dma_start3A_511 = arith.constant 0 : i32
    %dma_start3A_512 = tpu.memref_slice %arg4[%add3A_152, %dma_start3A_511] : memref<65536x512xf32, #tpu.memory_space<hbm>> -> memref<32x512xf32, #tpu.memory_space<hbm>>
    %dma_start3A_513 = arith.constant 0 : i32
    %dma_start3A_514 = tpu.memref_slice %arg4[%mul3A_4, %dma_start3A_513] : memref<65536x512xf32, #tpu.memory_space<hbm>> -> memref<32x512xf32, #tpu.memory_space<hbm>>
    tpu.enqueue_dma source(%dma_start3A_514 : memref<32x512xf32, #tpu.memory_space<hbm>>) target(%dma_start3A_512 : memref<32x512xf32, #tpu.memory_space<hbm>>) target_semaphore(%arg6 : memref<!tpu.dma_semaphore, #tpu.memory_space<semaphore_mem>>)
    %dma_wait3A_515 = arith.constant 0 : i32
    %dma_wait3A_516 = tpu.memref_slice %arg4[%add3A_120, %dma_wait3A_515] : memref<65536x512xf32, #tpu.memory_space<hbm>> -> memref<32x512xf32, #tpu.memory_space<hbm>>
    %dma_wait3A_517 = arith.constant 0 : i32
    %dma_wait3A_518 = tpu.memref_slice %arg4[%mul3A_4, %dma_wait3A_517] : memref<65536x512xf32, #tpu.memory_space<hbm>> -> memref<32x512xf32, #tpu.memory_space<hbm>>
    tpu.wait_dma2 semaphore(%arg6 : memref<!tpu.dma_semaphore, #tpu.memory_space<semaphore_mem>>) src(%dma_wait3A_518 : memref<32x512xf32, #tpu.memory_space<hbm>>) dst(%dma_wait3A_516 : memref<32x512xf32, #tpu.memory_space<hbm>>)
    %dma_start3A_519 = arith.constant 0 : i32
    %dma_start3A_520 = tpu.memref_slice %arg4[%add3A_156, %dma_start3A_519] : memref<65536x512xf32, #tpu.memory_space<hbm>> -> memref<32x512xf32, #tpu.memory_space<hbm>>
    %dma_start3A_521 = arith.constant 0 : i32
    %dma_start3A_522 = tpu.memref_slice %arg4[%mul3A_4, %dma_start3A_521] : memref<65536x512xf32, #tpu.memory_space<hbm>> -> memref<32x512xf32, #tpu.memory_space<hbm>>
    tpu.enqueue_dma source(%dma_start3A_522 : memref<32x512xf32, #tpu.memory_space<hbm>>) target(%dma_start3A_520 : memref<32x512xf32, #tpu.memory_space<hbm>>) target_semaphore(%arg6 : memref<!tpu.dma_semaphore, #tpu.memory_space<semaphore_mem>>)
    %dma_wait3A_523 = arith.constant 0 : i32
    %dma_wait3A_524 = tpu.memref_slice %arg4[%add3A_124, %dma_wait3A_523] : memref<65536x512xf32, #tpu.memory_space<hbm>> -> memref<32x512xf32, #tpu.memory_space<hbm>>
    %dma_wait3A_525 = arith.constant 0 : i32
    %dma_wait3A_526 = tpu.memref_slice %arg4[%mul3A_4, %dma_wait3A_525] : memref<65536x512xf32, #tpu.memory_space<hbm>> -> memref<32x512xf32, #tpu.memory_space<hbm>>
    tpu.wait_dma2 semaphore(%arg6 : memref<!tpu.dma_semaphore, #tpu.memory_space<semaphore_mem>>) src(%dma_wait3A_526 : memref<32x512xf32, #tpu.memory_space<hbm>>) dst(%dma_wait3A_524 : memref<32x512xf32, #tpu.memory_space<hbm>>)
    %dma_start3A_527 = arith.constant 0 : i32
    %dma_start3A_528 = tpu.memref_slice %arg4[%add3A_160, %dma_start3A_527] : memref<65536x512xf32, #tpu.memory_space<hbm>> -> memref<32x512xf32, #tpu.memory_space<hbm>>
    %dma_start3A_529 = arith.constant 0 : i32
    %dma_start3A_530 = tpu.memref_slice %arg4[%mul3A_4, %dma_start3A_529] : memref<65536x512xf32, #tpu.memory_space<hbm>> -> memref<32x512xf32, #tpu.memory_space<hbm>>
    tpu.enqueue_dma source(%dma_start3A_530 : memref<32x512xf32, #tpu.memory_space<hbm>>) target(%dma_start3A_528 : memref<32x512xf32, #tpu.memory_space<hbm>>) target_semaphore(%arg6 : memref<!tpu.dma_semaphore, #tpu.memory_space<semaphore_mem>>)
    %dma_wait3A_531 = arith.constant 0 : i32
    %dma_wait3A_532 = tpu.memref_slice %arg4[%add3A_128, %dma_wait3A_531] : memref<65536x512xf32, #tpu.memory_space<hbm>> -> memref<32x512xf32, #tpu.memory_space<hbm>>
    %dma_wait3A_533 = arith.constant 0 : i32
    %dma_wait3A_534 = tpu.memref_slice %arg4[%mul3A_4, %dma_wait3A_533] : memref<65536x512xf32, #tpu.memory_space<hbm>> -> memref<32x512xf32, #tpu.memory_space<hbm>>
    tpu.wait_dma2 semaphore(%arg6 : memref<!tpu.dma_semaphore, #tpu.memory_space<semaphore_mem>>) src(%dma_wait3A_534 : memref<32x512xf32, #tpu.memory_space<hbm>>) dst(%dma_wait3A_532 : memref<32x512xf32, #tpu.memory_space<hbm>>)
    %dma_start3A_535 = arith.constant 0 : i32
    %dma_start3A_536 = tpu.memref_slice %arg4[%add3A_164, %dma_start3A_535] : memref<65536x512xf32, #tpu.memory_space<hbm>> -> memref<32x512xf32, #tpu.memory_space<hbm>>
    %dma_start3A_537 = arith.constant 0 : i32
    %dma_start3A_538 = tpu.memref_slice %arg4[%mul3A_4, %dma_start3A_537] : memref<65536x512xf32, #tpu.memory_space<hbm>> -> memref<32x512xf32, #tpu.memory_space<hbm>>
    tpu.enqueue_dma source(%dma_start3A_538 : memref<32x512xf32, #tpu.memory_space<hbm>>) target(%dma_start3A_536 : memref<32x512xf32, #tpu.memory_space<hbm>>) target_semaphore(%arg6 : memref<!tpu.dma_semaphore, #tpu.memory_space<semaphore_mem>>)
    %dma_wait3A_539 = arith.constant 0 : i32
    %dma_wait3A_540 = tpu.memref_slice %arg4[%add3A_132, %dma_wait3A_539] : memref<65536x512xf32, #tpu.memory_space<hbm>> -> memref<32x512xf32, #tpu.memory_space<hbm>>
    %dma_wait3A_541 = arith.constant 0 : i32
    %dma_wait3A_542 = tpu.memref_slice %arg4[%mul3A_4, %dma_wait3A_541] : memref<65536x512xf32, #tpu.memory_space<hbm>> -> memref<32x512xf32, #tpu.memory_space<hbm>>
    tpu.wait_dma2 semaphore(%arg6 : memref<!tpu.dma_semaphore, #tpu.memory_space<semaphore_mem>>) src(%dma_wait3A_542 : memref<32x512xf32, #tpu.memory_space<hbm>>) dst(%dma_wait3A_540 : memref<32x512xf32, #tpu.memory_space<hbm>>)
    %dma_start3A_543 = arith.constant 0 : i32
    %dma_start3A_544 = tpu.memref_slice %arg4[%add3A_168, %dma_start3A_543] : memref<65536x512xf32, #tpu.memory_space<hbm>> -> memref<32x512xf32, #tpu.memory_space<hbm>>
    %dma_start3A_545 = arith.constant 0 : i32
    %dma_start3A_546 = tpu.memref_slice %arg4[%mul3A_4, %dma_start3A_545] : memref<65536x512xf32, #tpu.memory_space<hbm>> -> memref<32x512xf32, #tpu.memory_space<hbm>>
    tpu.enqueue_dma source(%dma_start3A_546 : memref<32x512xf32, #tpu.memory_space<hbm>>) target(%dma_start3A_544 : memref<32x512xf32, #tpu.memory_space<hbm>>) target_semaphore(%arg6 : memref<!tpu.dma_semaphore, #tpu.memory_space<semaphore_mem>>)
    %dma_wait3A_547 = arith.constant 0 : i32
    %dma_wait3A_548 = tpu.memref_slice %arg4[%add3A_136, %dma_wait3A_547] : memref<65536x512xf32, #tpu.memory_space<hbm>> -> memref<32x512xf32, #tpu.memory_space<hbm>>
    %dma_wait3A_549 = arith.constant 0 : i32
    %dma_wait3A_550 = tpu.memref_slice %arg4[%mul3A_4, %dma_wait3A_549] : memref<65536x512xf32, #tpu.memory_space<hbm>> -> memref<32x512xf32, #tpu.memory_space<hbm>>
    tpu.wait_dma2 semaphore(%arg6 : memref<!tpu.dma_semaphore, #tpu.memory_space<semaphore_mem>>) src(%dma_wait3A_550 : memref<32x512xf32, #tpu.memory_space<hbm>>) dst(%dma_wait3A_548 : memref<32x512xf32, #tpu.memory_space<hbm>>)
    %dma_start3A_551 = arith.constant 0 : i32
    %dma_start3A_552 = tpu.memref_slice %arg4[%add3A_172, %dma_start3A_551] : memref<65536x512xf32, #tpu.memory_space<hbm>> -> memref<32x512xf32, #tpu.memory_space<hbm>>
    %dma_start3A_553 = arith.constant 0 : i32
    %dma_start3A_554 = tpu.memref_slice %arg4[%mul3A_4, %dma_start3A_553] : memref<65536x512xf32, #tpu.memory_space<hbm>> -> memref<32x512xf32, #tpu.memory_space<hbm>>
    tpu.enqueue_dma source(%dma_start3A_554 : memref<32x512xf32, #tpu.memory_space<hbm>>) target(%dma_start3A_552 : memref<32x512xf32, #tpu.memory_space<hbm>>) target_semaphore(%arg6 : memref<!tpu.dma_semaphore, #tpu.memory_space<semaphore_mem>>)
    %dma_wait3A_555 = arith.constant 0 : i32
    %dma_wait3A_556 = tpu.memref_slice %arg4[%add3A_140, %dma_wait3A_555] : memref<65536x512xf32, #tpu.memory_space<hbm>> -> memref<32x512xf32, #tpu.memory_space<hbm>>
    %dma_wait3A_557 = arith.constant 0 : i32
    %dma_wait3A_558 = tpu.memref_slice %arg4[%mul3A_4, %dma_wait3A_557] : memref<65536x512xf32, #tpu.memory_space<hbm>> -> memref<32x512xf32, #tpu.memory_space<hbm>>
    tpu.wait_dma2 semaphore(%arg6 : memref<!tpu.dma_semaphore, #tpu.memory_space<semaphore_mem>>) src(%dma_wait3A_558 : memref<32x512xf32, #tpu.memory_space<hbm>>) dst(%dma_wait3A_556 : memref<32x512xf32, #tpu.memory_space<hbm>>)
    %dma_start3A_559 = arith.constant 0 : i32
    %dma_start3A_560 = tpu.memref_slice %arg4[%add3A_176, %dma_start3A_559] : memref<65536x512xf32, #tpu.memory_space<hbm>> -> memref<32x512xf32, #tpu.memory_space<hbm>>
    %dma_start3A_561 = arith.constant 0 : i32
    %dma_start3A_562 = tpu.memref_slice %arg4[%mul3A_4, %dma_start3A_561] : memref<65536x512xf32, #tpu.memory_space<hbm>> -> memref<32x512xf32, #tpu.memory_space<hbm>>
    tpu.enqueue_dma source(%dma_start3A_562 : memref<32x512xf32, #tpu.memory_space<hbm>>) target(%dma_start3A_560 : memref<32x512xf32, #tpu.memory_space<hbm>>) target_semaphore(%arg6 : memref<!tpu.dma_semaphore, #tpu.memory_space<semaphore_mem>>)
    %dma_wait3A_563 = arith.constant 0 : i32
    %dma_wait3A_564 = tpu.memref_slice %arg4[%add3A_144, %dma_wait3A_563] : memref<65536x512xf32, #tpu.memory_space<hbm>> -> memref<32x512xf32, #tpu.memory_space<hbm>>
    %dma_wait3A_565 = arith.constant 0 : i32
    %dma_wait3A_566 = tpu.memref_slice %arg4[%mul3A_4, %dma_wait3A_565] : memref<65536x512xf32, #tpu.memory_space<hbm>> -> memref<32x512xf32, #tpu.memory_space<hbm>>
    tpu.wait_dma2 semaphore(%arg6 : memref<!tpu.dma_semaphore, #tpu.memory_space<semaphore_mem>>) src(%dma_wait3A_566 : memref<32x512xf32, #tpu.memory_space<hbm>>) dst(%dma_wait3A_564 : memref<32x512xf32, #tpu.memory_space<hbm>>)
    %dma_start3A_567 = arith.constant 0 : i32
    %dma_start3A_568 = tpu.memref_slice %arg4[%add3A_180, %dma_start3A_567] : memref<65536x512xf32, #tpu.memory_space<hbm>> -> memref<32x512xf32, #tpu.memory_space<hbm>>
    %dma_start3A_569 = arith.constant 0 : i32
    %dma_start3A_570 = tpu.memref_slice %arg4[%mul3A_4, %dma_start3A_569] : memref<65536x512xf32, #tpu.memory_space<hbm>> -> memref<32x512xf32, #tpu.memory_space<hbm>>
    tpu.enqueue_dma source(%dma_start3A_570 : memref<32x512xf32, #tpu.memory_space<hbm>>) target(%dma_start3A_568 : memref<32x512xf32, #tpu.memory_space<hbm>>) target_semaphore(%arg6 : memref<!tpu.dma_semaphore, #tpu.memory_space<semaphore_mem>>)
    %dma_wait3A_571 = arith.constant 0 : i32
    %dma_wait3A_572 = tpu.memref_slice %arg4[%add3A_148, %dma_wait3A_571] : memref<65536x512xf32, #tpu.memory_space<hbm>> -> memref<32x512xf32, #tpu.memory_space<hbm>>
    %dma_wait3A_573 = arith.constant 0 : i32
    %dma_wait3A_574 = tpu.memref_slice %arg4[%mul3A_4, %dma_wait3A_573] : memref<65536x512xf32, #tpu.memory_space<hbm>> -> memref<32x512xf32, #tpu.memory_space<hbm>>
    tpu.wait_dma2 semaphore(%arg6 : memref<!tpu.dma_semaphore, #tpu.memory_space<semaphore_mem>>) src(%dma_wait3A_574 : memref<32x512xf32, #tpu.memory_space<hbm>>) dst(%dma_wait3A_572 : memref<32x512xf32, #tpu.memory_space<hbm>>)
    %dma_start3A_575 = arith.constant 0 : i32
    %dma_start3A_576 = tpu.memref_slice %arg4[%add3A_184, %dma_start3A_575] : memref<65536x512xf32, #tpu.memory_space<hbm>> -> memref<32x512xf32, #tpu.memory_space<hbm>>
    %dma_start3A_577 = arith.constant 0 : i32
    %dma_start3A_578 = tpu.memref_slice %arg4[%mul3A_4, %dma_start3A_577] : memref<65536x512xf32, #tpu.memory_space<hbm>> -> memref<32x512xf32, #tpu.memory_space<hbm>>
    tpu.enqueue_dma source(%dma_start3A_578 : memref<32x512xf32, #tpu.memory_space<hbm>>) target(%dma_start3A_576 : memref<32x512xf32, #tpu.memory_space<hbm>>) target_semaphore(%arg6 : memref<!tpu.dma_semaphore, #tpu.memory_space<semaphore_mem>>)
    %dma_wait3A_579 = arith.constant 0 : i32
    %dma_wait3A_580 = tpu.memref_slice %arg4[%add3A_152, %dma_wait3A_579] : memref<65536x512xf32, #tpu.memory_space<hbm>> -> memref<32x512xf32, #tpu.memory_space<hbm>>
    %dma_wait3A_581 = arith.constant 0 : i32
    %dma_wait3A_582 = tpu.memref_slice %arg4[%mul3A_4, %dma_wait3A_581] : memref<65536x512xf32, #tpu.memory_space<hbm>> -> memref<32x512xf32, #tpu.memory_space<hbm>>
    tpu.wait_dma2 semaphore(%arg6 : memref<!tpu.dma_semaphore, #tpu.memory_space<semaphore_mem>>) src(%dma_wait3A_582 : memref<32x512xf32, #tpu.memory_space<hbm>>) dst(%dma_wait3A_580 : memref<32x512xf32, #tpu.memory_space<hbm>>)
    %dma_start3A_583 = arith.constant 0 : i32
    %dma_start3A_584 = tpu.memref_slice %arg4[%add3A_188, %dma_start3A_583] : memref<65536x512xf32, #tpu.memory_space<hbm>> -> memref<32x512xf32, #tpu.memory_space<hbm>>
    %dma_start3A_585 = arith.constant 0 : i32
    %dma_start3A_586 = tpu.memref_slice %arg4[%mul3A_4, %dma_start3A_585] : memref<65536x512xf32, #tpu.memory_space<hbm>> -> memref<32x512xf32, #tpu.memory_space<hbm>>
    tpu.enqueue_dma source(%dma_start3A_586 : memref<32x512xf32, #tpu.memory_space<hbm>>) target(%dma_start3A_584 : memref<32x512xf32, #tpu.memory_space<hbm>>) target_semaphore(%arg6 : memref<!tpu.dma_semaphore, #tpu.memory_space<semaphore_mem>>)
    %dma_wait3A_587 = arith.constant 0 : i32
    %dma_wait3A_588 = tpu.memref_slice %arg4[%add3A_156, %dma_wait3A_587] : memref<65536x512xf32, #tpu.memory_space<hbm>> -> memref<32x512xf32, #tpu.memory_space<hbm>>
    %dma_wait3A_589 = arith.constant 0 : i32
    %dma_wait3A_590 = tpu.memref_slice %arg4[%mul3A_4, %dma_wait3A_589] : memref<65536x512xf32, #tpu.memory_space<hbm>> -> memref<32x512xf32, #tpu.memory_space<hbm>>
    tpu.wait_dma2 semaphore(%arg6 : memref<!tpu.dma_semaphore, #tpu.memory_space<semaphore_mem>>) src(%dma_wait3A_590 : memref<32x512xf32, #tpu.memory_space<hbm>>) dst(%dma_wait3A_588 : memref<32x512xf32, #tpu.memory_space<hbm>>)
    %dma_start3A_591 = arith.constant 0 : i32
    %dma_start3A_592 = tpu.memref_slice %arg4[%add3A_192, %dma_start3A_591] : memref<65536x512xf32, #tpu.memory_space<hbm>> -> memref<32x512xf32, #tpu.memory_space<hbm>>
    %dma_start3A_593 = arith.constant 0 : i32
    %dma_start3A_594 = tpu.memref_slice %arg4[%mul3A_4, %dma_start3A_593] : memref<65536x512xf32, #tpu.memory_space<hbm>> -> memref<32x512xf32, #tpu.memory_space<hbm>>
    tpu.enqueue_dma source(%dma_start3A_594 : memref<32x512xf32, #tpu.memory_space<hbm>>) target(%dma_start3A_592 : memref<32x512xf32, #tpu.memory_space<hbm>>) target_semaphore(%arg6 : memref<!tpu.dma_semaphore, #tpu.memory_space<semaphore_mem>>)
    %dma_wait3A_595 = arith.constant 0 : i32
    %dma_wait3A_596 = tpu.memref_slice %arg4[%add3A_160, %dma_wait3A_595] : memref<65536x512xf32, #tpu.memory_space<hbm>> -> memref<32x512xf32, #tpu.memory_space<hbm>>
    %dma_wait3A_597 = arith.constant 0 : i32
    %dma_wait3A_598 = tpu.memref_slice %arg4[%mul3A_4, %dma_wait3A_597] : memref<65536x512xf32, #tpu.memory_space<hbm>> -> memref<32x512xf32, #tpu.memory_space<hbm>>
    tpu.wait_dma2 semaphore(%arg6 : memref<!tpu.dma_semaphore, #tpu.memory_space<semaphore_mem>>) src(%dma_wait3A_598 : memref<32x512xf32, #tpu.memory_space<hbm>>) dst(%dma_wait3A_596 : memref<32x512xf32, #tpu.memory_space<hbm>>)
    %dma_start3A_599 = arith.constant 0 : i32
    %dma_start3A_600 = tpu.memref_slice %arg4[%add3A_196, %dma_start3A_599] : memref<65536x512xf32, #tpu.memory_space<hbm>> -> memref<32x512xf32, #tpu.memory_space<hbm>>
    %dma_start3A_601 = arith.constant 0 : i32
    %dma_start3A_602 = tpu.memref_slice %arg4[%mul3A_4, %dma_start3A_601] : memref<65536x512xf32, #tpu.memory_space<hbm>> -> memref<32x512xf32, #tpu.memory_space<hbm>>
    tpu.enqueue_dma source(%dma_start3A_602 : memref<32x512xf32, #tpu.memory_space<hbm>>) target(%dma_start3A_600 : memref<32x512xf32, #tpu.memory_space<hbm>>) target_semaphore(%arg6 : memref<!tpu.dma_semaphore, #tpu.memory_space<semaphore_mem>>)
    %dma_wait3A_603 = arith.constant 0 : i32
    %dma_wait3A_604 = tpu.memref_slice %arg4[%add3A_164, %dma_wait3A_603] : memref<65536x512xf32, #tpu.memory_space<hbm>> -> memref<32x512xf32, #tpu.memory_space<hbm>>
    %dma_wait3A_605 = arith.constant 0 : i32
    %dma_wait3A_606 = tpu.memref_slice %arg4[%mul3A_4, %dma_wait3A_605] : memref<65536x512xf32, #tpu.memory_space<hbm>> -> memref<32x512xf32, #tpu.memory_space<hbm>>
    tpu.wait_dma2 semaphore(%arg6 : memref<!tpu.dma_semaphore, #tpu.memory_space<semaphore_mem>>) src(%dma_wait3A_606 : memref<32x512xf32, #tpu.memory_space<hbm>>) dst(%dma_wait3A_604 : memref<32x512xf32, #tpu.memory_space<hbm>>)
    %dma_start3A_607 = arith.constant 0 : i32
    %dma_start3A_608 = tpu.memref_slice %arg4[%add3A_200, %dma_start3A_607] : memref<65536x512xf32, #tpu.memory_space<hbm>> -> memref<32x512xf32, #tpu.memory_space<hbm>>
    %dma_start3A_609 = arith.constant 0 : i32
    %dma_start3A_610 = tpu.memref_slice %arg4[%mul3A_4, %dma_start3A_609] : memref<65536x512xf32, #tpu.memory_space<hbm>> -> memref<32x512xf32, #tpu.memory_space<hbm>>
    tpu.enqueue_dma source(%dma_start3A_610 : memref<32x512xf32, #tpu.memory_space<hbm>>) target(%dma_start3A_608 : memref<32x512xf32, #tpu.memory_space<hbm>>) target_semaphore(%arg6 : memref<!tpu.dma_semaphore, #tpu.memory_space<semaphore_mem>>)
    %dma_wait3A_611 = arith.constant 0 : i32
    %dma_wait3A_612 = tpu.memref_slice %arg4[%add3A_168, %dma_wait3A_611] : memref<65536x512xf32, #tpu.memory_space<hbm>> -> memref<32x512xf32, #tpu.memory_space<hbm>>
    %dma_wait3A_613 = arith.constant 0 : i32
    %dma_wait3A_614 = tpu.memref_slice %arg4[%mul3A_4, %dma_wait3A_613] : memref<65536x512xf32, #tpu.memory_space<hbm>> -> memref<32x512xf32, #tpu.memory_space<hbm>>
    tpu.wait_dma2 semaphore(%arg6 : memref<!tpu.dma_semaphore, #tpu.memory_space<semaphore_mem>>) src(%dma_wait3A_614 : memref<32x512xf32, #tpu.memory_space<hbm>>) dst(%dma_wait3A_612 : memref<32x512xf32, #tpu.memory_space<hbm>>)
    %dma_start3A_615 = arith.constant 0 : i32
    %dma_start3A_616 = tpu.memref_slice %arg4[%add3A_204, %dma_start3A_615] : memref<65536x512xf32, #tpu.memory_space<hbm>> -> memref<32x512xf32, #tpu.memory_space<hbm>>
    %dma_start3A_617 = arith.constant 0 : i32
    %dma_start3A_618 = tpu.memref_slice %arg4[%mul3A_4, %dma_start3A_617] : memref<65536x512xf32, #tpu.memory_space<hbm>> -> memref<32x512xf32, #tpu.memory_space<hbm>>
    tpu.enqueue_dma source(%dma_start3A_618 : memref<32x512xf32, #tpu.memory_space<hbm>>) target(%dma_start3A_616 : memref<32x512xf32, #tpu.memory_space<hbm>>) target_semaphore(%arg6 : memref<!tpu.dma_semaphore, #tpu.memory_space<semaphore_mem>>)
    %dma_wait3A_619 = arith.constant 0 : i32
    %dma_wait3A_620 = tpu.memref_slice %arg4[%add3A_172, %dma_wait3A_619] : memref<65536x512xf32, #tpu.memory_space<hbm>> -> memref<32x512xf32, #tpu.memory_space<hbm>>
    %dma_wait3A_621 = arith.constant 0 : i32
    %dma_wait3A_622 = tpu.memref_slice %arg4[%mul3A_4, %dma_wait3A_621] : memref<65536x512xf32, #tpu.memory_space<hbm>> -> memref<32x512xf32, #tpu.memory_space<hbm>>
    tpu.wait_dma2 semaphore(%arg6 : memref<!tpu.dma_semaphore, #tpu.memory_space<semaphore_mem>>) src(%dma_wait3A_622 : memref<32x512xf32, #tpu.memory_space<hbm>>) dst(%dma_wait3A_620 : memref<32x512xf32, #tpu.memory_space<hbm>>)
    %dma_start3A_623 = arith.constant 0 : i32
    %dma_start3A_624 = tpu.memref_slice %arg4[%add3A_208, %dma_start3A_623] : memref<65536x512xf32, #tpu.memory_space<hbm>> -> memref<32x512xf32, #tpu.memory_space<hbm>>
    %dma_start3A_625 = arith.constant 0 : i32
    %dma_start3A_626 = tpu.memref_slice %arg4[%mul3A_4, %dma_start3A_625] : memref<65536x512xf32, #tpu.memory_space<hbm>> -> memref<32x512xf32, #tpu.memory_space<hbm>>
    tpu.enqueue_dma source(%dma_start3A_626 : memref<32x512xf32, #tpu.memory_space<hbm>>) target(%dma_start3A_624 : memref<32x512xf32, #tpu.memory_space<hbm>>) target_semaphore(%arg6 : memref<!tpu.dma_semaphore, #tpu.memory_space<semaphore_mem>>)
    %dma_wait3A_627 = arith.constant 0 : i32
    %dma_wait3A_628 = tpu.memref_slice %arg4[%add3A_176, %dma_wait3A_627] : memref<65536x512xf32, #tpu.memory_space<hbm>> -> memref<32x512xf32, #tpu.memory_space<hbm>>
    %dma_wait3A_629 = arith.constant 0 : i32
    %dma_wait3A_630 = tpu.memref_slice %arg4[%mul3A_4, %dma_wait3A_629] : memref<65536x512xf32, #tpu.memory_space<hbm>> -> memref<32x512xf32, #tpu.memory_space<hbm>>
    tpu.wait_dma2 semaphore(%arg6 : memref<!tpu.dma_semaphore, #tpu.memory_space<semaphore_mem>>) src(%dma_wait3A_630 : memref<32x512xf32, #tpu.memory_space<hbm>>) dst(%dma_wait3A_628 : memref<32x512xf32, #tpu.memory_space<hbm>>)
    %dma_start3A_631 = arith.constant 0 : i32
    %dma_start3A_632 = tpu.memref_slice %arg4[%add3A_212, %dma_start3A_631] : memref<65536x512xf32, #tpu.memory_space<hbm>> -> memref<32x512xf32, #tpu.memory_space<hbm>>
    %dma_start3A_633 = arith.constant 0 : i32
    %dma_start3A_634 = tpu.memref_slice %arg4[%mul3A_4, %dma_start3A_633] : memref<65536x512xf32, #tpu.memory_space<hbm>> -> memref<32x512xf32, #tpu.memory_space<hbm>>
    tpu.enqueue_dma source(%dma_start3A_634 : memref<32x512xf32, #tpu.memory_space<hbm>>) target(%dma_start3A_632 : memref<32x512xf32, #tpu.memory_space<hbm>>) target_semaphore(%arg6 : memref<!tpu.dma_semaphore, #tpu.memory_space<semaphore_mem>>)
    %dma_wait3A_635 = arith.constant 0 : i32
    %dma_wait3A_636 = tpu.memref_slice %arg4[%add3A_180, %dma_wait3A_635] : memref<65536x512xf32, #tpu.memory_space<hbm>> -> memref<32x512xf32, #tpu.memory_space<hbm>>
    %dma_wait3A_637 = arith.constant 0 : i32
    %dma_wait3A_638 = tpu.memref_slice %arg4[%mul3A_4, %dma_wait3A_637] : memref<65536x512xf32, #tpu.memory_space<hbm>> -> memref<32x512xf32, #tpu.memory_space<hbm>>
    tpu.wait_dma2 semaphore(%arg6 : memref<!tpu.dma_semaphore, #tpu.memory_space<semaphore_mem>>) src(%dma_wait3A_638 : memref<32x512xf32, #tpu.memory_space<hbm>>) dst(%dma_wait3A_636 : memref<32x512xf32, #tpu.memory_space<hbm>>)
    %dma_start3A_639 = arith.constant 0 : i32
    %dma_start3A_640 = tpu.memref_slice %arg4[%add3A_216, %dma_start3A_639] : memref<65536x512xf32, #tpu.memory_space<hbm>> -> memref<32x512xf32, #tpu.memory_space<hbm>>
    %dma_start3A_641 = arith.constant 0 : i32
    %dma_start3A_642 = tpu.memref_slice %arg4[%mul3A_4, %dma_start3A_641] : memref<65536x512xf32, #tpu.memory_space<hbm>> -> memref<32x512xf32, #tpu.memory_space<hbm>>
    tpu.enqueue_dma source(%dma_start3A_642 : memref<32x512xf32, #tpu.memory_space<hbm>>) target(%dma_start3A_640 : memref<32x512xf32, #tpu.memory_space<hbm>>) target_semaphore(%arg6 : memref<!tpu.dma_semaphore, #tpu.memory_space<semaphore_mem>>)
    %dma_wait3A_643 = arith.constant 0 : i32
    %dma_wait3A_644 = tpu.memref_slice %arg4[%add3A_184, %dma_wait3A_643] : memref<65536x512xf32, #tpu.memory_space<hbm>> -> memref<32x512xf32, #tpu.memory_space<hbm>>
    %dma_wait3A_645 = arith.constant 0 : i32
    %dma_wait3A_646 = tpu.memref_slice %arg4[%mul3A_4, %dma_wait3A_645] : memref<65536x512xf32, #tpu.memory_space<hbm>> -> memref<32x512xf32, #tpu.memory_space<hbm>>
    tpu.wait_dma2 semaphore(%arg6 : memref<!tpu.dma_semaphore, #tpu.memory_space<semaphore_mem>>) src(%dma_wait3A_646 : memref<32x512xf32, #tpu.memory_space<hbm>>) dst(%dma_wait3A_644 : memref<32x512xf32, #tpu.memory_space<hbm>>)
    %dma_start3A_647 = arith.constant 0 : i32
    %dma_start3A_648 = tpu.memref_slice %arg4[%add3A_220, %dma_start3A_647] : memref<65536x512xf32, #tpu.memory_space<hbm>> -> memref<32x512xf32, #tpu.memory_space<hbm>>
    %dma_start3A_649 = arith.constant 0 : i32
    %dma_start3A_650 = tpu.memref_slice %arg4[%mul3A_4, %dma_start3A_649] : memref<65536x512xf32, #tpu.memory_space<hbm>> -> memref<32x512xf32, #tpu.memory_space<hbm>>
    tpu.enqueue_dma source(%dma_start3A_650 : memref<32x512xf32, #tpu.memory_space<hbm>>) target(%dma_start3A_648 : memref<32x512xf32, #tpu.memory_space<hbm>>) target_semaphore(%arg6 : memref<!tpu.dma_semaphore, #tpu.memory_space<semaphore_mem>>)
    %dma_wait3A_651 = arith.constant 0 : i32
    %dma_wait3A_652 = tpu.memref_slice %arg4[%add3A_188, %dma_wait3A_651] : memref<65536x512xf32, #tpu.memory_space<hbm>> -> memref<32x512xf32, #tpu.memory_space<hbm>>
    %dma_wait3A_653 = arith.constant 0 : i32
    %dma_wait3A_654 = tpu.memref_slice %arg4[%mul3A_4, %dma_wait3A_653] : memref<65536x512xf32, #tpu.memory_space<hbm>> -> memref<32x512xf32, #tpu.memory_space<hbm>>
    tpu.wait_dma2 semaphore(%arg6 : memref<!tpu.dma_semaphore, #tpu.memory_space<semaphore_mem>>) src(%dma_wait3A_654 : memref<32x512xf32, #tpu.memory_space<hbm>>) dst(%dma_wait3A_652 : memref<32x512xf32, #tpu.memory_space<hbm>>)
    %dma_start3A_655 = arith.constant 0 : i32
    %dma_start3A_656 = tpu.memref_slice %arg4[%add3A_224, %dma_start3A_655] : memref<65536x512xf32, #tpu.memory_space<hbm>> -> memref<32x512xf32, #tpu.memory_space<hbm>>
    %dma_start3A_657 = arith.constant 0 : i32
    %dma_start3A_658 = tpu.memref_slice %arg4[%mul3A_4, %dma_start3A_657] : memref<65536x512xf32, #tpu.memory_space<hbm>> -> memref<32x512xf32, #tpu.memory_space<hbm>>
    tpu.enqueue_dma source(%dma_start3A_658 : memref<32x512xf32, #tpu.memory_space<hbm>>) target(%dma_start3A_656 : memref<32x512xf32, #tpu.memory_space<hbm>>) target_semaphore(%arg6 : memref<!tpu.dma_semaphore, #tpu.memory_space<semaphore_mem>>)
    %dma_wait3A_659 = arith.constant 0 : i32
    %dma_wait3A_660 = tpu.memref_slice %arg4[%add3A_192, %dma_wait3A_659] : memref<65536x512xf32, #tpu.memory_space<hbm>> -> memref<32x512xf32, #tpu.memory_space<hbm>>
    %dma_wait3A_661 = arith.constant 0 : i32
    %dma_wait3A_662 = tpu.memref_slice %arg4[%mul3A_4, %dma_wait3A_661] : memref<65536x512xf32, #tpu.memory_space<hbm>> -> memref<32x512xf32, #tpu.memory_space<hbm>>
    tpu.wait_dma2 semaphore(%arg6 : memref<!tpu.dma_semaphore, #tpu.memory_space<semaphore_mem>>) src(%dma_wait3A_662 : memref<32x512xf32, #tpu.memory_space<hbm>>) dst(%dma_wait3A_660 : memref<32x512xf32, #tpu.memory_space<hbm>>)
    %dma_start3A_663 = arith.constant 0 : i32
    %dma_start3A_664 = tpu.memref_slice %arg4[%add3A_228, %dma_start3A_663] : memref<65536x512xf32, #tpu.memory_space<hbm>> -> memref<32x512xf32, #tpu.memory_space<hbm>>
    %dma_start3A_665 = arith.constant 0 : i32
    %dma_start3A_666 = tpu.memref_slice %arg4[%mul3A_4, %dma_start3A_665] : memref<65536x512xf32, #tpu.memory_space<hbm>> -> memref<32x512xf32, #tpu.memory_space<hbm>>
    tpu.enqueue_dma source(%dma_start3A_666 : memref<32x512xf32, #tpu.memory_space<hbm>>) target(%dma_start3A_664 : memref<32x512xf32, #tpu.memory_space<hbm>>) target_semaphore(%arg6 : memref<!tpu.dma_semaphore, #tpu.memory_space<semaphore_mem>>)
    %dma_wait3A_667 = arith.constant 0 : i32
    %dma_wait3A_668 = tpu.memref_slice %arg4[%add3A_196, %dma_wait3A_667] : memref<65536x512xf32, #tpu.memory_space<hbm>> -> memref<32x512xf32, #tpu.memory_space<hbm>>
    %dma_wait3A_669 = arith.constant 0 : i32
    %dma_wait3A_670 = tpu.memref_slice %arg4[%mul3A_4, %dma_wait3A_669] : memref<65536x512xf32, #tpu.memory_space<hbm>> -> memref<32x512xf32, #tpu.memory_space<hbm>>
    tpu.wait_dma2 semaphore(%arg6 : memref<!tpu.dma_semaphore, #tpu.memory_space<semaphore_mem>>) src(%dma_wait3A_670 : memref<32x512xf32, #tpu.memory_space<hbm>>) dst(%dma_wait3A_668 : memref<32x512xf32, #tpu.memory_space<hbm>>)
    %dma_start3A_671 = arith.constant 0 : i32
    %dma_start3A_672 = tpu.memref_slice %arg4[%add3A_232, %dma_start3A_671] : memref<65536x512xf32, #tpu.memory_space<hbm>> -> memref<32x512xf32, #tpu.memory_space<hbm>>
    %dma_start3A_673 = arith.constant 0 : i32
    %dma_start3A_674 = tpu.memref_slice %arg4[%mul3A_4, %dma_start3A_673] : memref<65536x512xf32, #tpu.memory_space<hbm>> -> memref<32x512xf32, #tpu.memory_space<hbm>>
    tpu.enqueue_dma source(%dma_start3A_674 : memref<32x512xf32, #tpu.memory_space<hbm>>) target(%dma_start3A_672 : memref<32x512xf32, #tpu.memory_space<hbm>>) target_semaphore(%arg6 : memref<!tpu.dma_semaphore, #tpu.memory_space<semaphore_mem>>)
    %dma_wait3A_675 = arith.constant 0 : i32
    %dma_wait3A_676 = tpu.memref_slice %arg4[%add3A_200, %dma_wait3A_675] : memref<65536x512xf32, #tpu.memory_space<hbm>> -> memref<32x512xf32, #tpu.memory_space<hbm>>
    %dma_wait3A_677 = arith.constant 0 : i32
    %dma_wait3A_678 = tpu.memref_slice %arg4[%mul3A_4, %dma_wait3A_677] : memref<65536x512xf32, #tpu.memory_space<hbm>> -> memref<32x512xf32, #tpu.memory_space<hbm>>
    tpu.wait_dma2 semaphore(%arg6 : memref<!tpu.dma_semaphore, #tpu.memory_space<semaphore_mem>>) src(%dma_wait3A_678 : memref<32x512xf32, #tpu.memory_space<hbm>>) dst(%dma_wait3A_676 : memref<32x512xf32, #tpu.memory_space<hbm>>)
    %dma_start3A_679 = arith.constant 0 : i32
    %dma_start3A_680 = tpu.memref_slice %arg4[%add3A_236, %dma_start3A_679] : memref<65536x512xf32, #tpu.memory_space<hbm>> -> memref<32x512xf32, #tpu.memory_space<hbm>>
    %dma_start3A_681 = arith.constant 0 : i32
    %dma_start3A_682 = tpu.memref_slice %arg4[%mul3A_4, %dma_start3A_681] : memref<65536x512xf32, #tpu.memory_space<hbm>> -> memref<32x512xf32, #tpu.memory_space<hbm>>
    tpu.enqueue_dma source(%dma_start3A_682 : memref<32x512xf32, #tpu.memory_space<hbm>>) target(%dma_start3A_680 : memref<32x512xf32, #tpu.memory_space<hbm>>) target_semaphore(%arg6 : memref<!tpu.dma_semaphore, #tpu.memory_space<semaphore_mem>>)
    %dma_wait3A_683 = arith.constant 0 : i32
    %dma_wait3A_684 = tpu.memref_slice %arg4[%add3A_204, %dma_wait3A_683] : memref<65536x512xf32, #tpu.memory_space<hbm>> -> memref<32x512xf32, #tpu.memory_space<hbm>>
    %dma_wait3A_685 = arith.constant 0 : i32
    %dma_wait3A_686 = tpu.memref_slice %arg4[%mul3A_4, %dma_wait3A_685] : memref<65536x512xf32, #tpu.memory_space<hbm>> -> memref<32x512xf32, #tpu.memory_space<hbm>>
    tpu.wait_dma2 semaphore(%arg6 : memref<!tpu.dma_semaphore, #tpu.memory_space<semaphore_mem>>) src(%dma_wait3A_686 : memref<32x512xf32, #tpu.memory_space<hbm>>) dst(%dma_wait3A_684 : memref<32x512xf32, #tpu.memory_space<hbm>>)
    %dma_start3A_687 = arith.constant 0 : i32
    %dma_start3A_688 = tpu.memref_slice %arg4[%add3A_240, %dma_start3A_687] : memref<65536x512xf32, #tpu.memory_space<hbm>> -> memref<32x512xf32, #tpu.memory_space<hbm>>
    %dma_start3A_689 = arith.constant 0 : i32
    %dma_start3A_690 = tpu.memref_slice %arg4[%mul3A_4, %dma_start3A_689] : memref<65536x512xf32, #tpu.memory_space<hbm>> -> memref<32x512xf32, #tpu.memory_space<hbm>>
    tpu.enqueue_dma source(%dma_start3A_690 : memref<32x512xf32, #tpu.memory_space<hbm>>) target(%dma_start3A_688 : memref<32x512xf32, #tpu.memory_space<hbm>>) target_semaphore(%arg6 : memref<!tpu.dma_semaphore, #tpu.memory_space<semaphore_mem>>)
    %dma_wait3A_691 = arith.constant 0 : i32
    %dma_wait3A_692 = tpu.memref_slice %arg4[%add3A_208, %dma_wait3A_691] : memref<65536x512xf32, #tpu.memory_space<hbm>> -> memref<32x512xf32, #tpu.memory_space<hbm>>
    %dma_wait3A_693 = arith.constant 0 : i32
    %dma_wait3A_694 = tpu.memref_slice %arg4[%mul3A_4, %dma_wait3A_693] : memref<65536x512xf32, #tpu.memory_space<hbm>> -> memref<32x512xf32, #tpu.memory_space<hbm>>
    tpu.wait_dma2 semaphore(%arg6 : memref<!tpu.dma_semaphore, #tpu.memory_space<semaphore_mem>>) src(%dma_wait3A_694 : memref<32x512xf32, #tpu.memory_space<hbm>>) dst(%dma_wait3A_692 : memref<32x512xf32, #tpu.memory_space<hbm>>)
    %dma_start3A_695 = arith.constant 0 : i32
    %dma_start3A_696 = tpu.memref_slice %arg4[%add3A_244, %dma_start3A_695] : memref<65536x512xf32, #tpu.memory_space<hbm>> -> memref<32x512xf32, #tpu.memory_space<hbm>>
    %dma_start3A_697 = arith.constant 0 : i32
    %dma_start3A_698 = tpu.memref_slice %arg4[%mul3A_4, %dma_start3A_697] : memref<65536x512xf32, #tpu.memory_space<hbm>> -> memref<32x512xf32, #tpu.memory_space<hbm>>
    tpu.enqueue_dma source(%dma_start3A_698 : memref<32x512xf32, #tpu.memory_space<hbm>>) target(%dma_start3A_696 : memref<32x512xf32, #tpu.memory_space<hbm>>) target_semaphore(%arg6 : memref<!tpu.dma_semaphore, #tpu.memory_space<semaphore_mem>>)
    %dma_wait3A_699 = arith.constant 0 : i32
    %dma_wait3A_700 = tpu.memref_slice %arg4[%add3A_212, %dma_wait3A_699] : memref<65536x512xf32, #tpu.memory_space<hbm>> -> memref<32x512xf32, #tpu.memory_space<hbm>>
    %dma_wait3A_701 = arith.constant 0 : i32
    %dma_wait3A_702 = tpu.memref_slice %arg4[%mul3A_4, %dma_wait3A_701] : memref<65536x512xf32, #tpu.memory_space<hbm>> -> memref<32x512xf32, #tpu.memory_space<hbm>>
    tpu.wait_dma2 semaphore(%arg6 : memref<!tpu.dma_semaphore, #tpu.memory_space<semaphore_mem>>) src(%dma_wait3A_702 : memref<32x512xf32, #tpu.memory_space<hbm>>) dst(%dma_wait3A_700 : memref<32x512xf32, #tpu.memory_space<hbm>>)
    %dma_start3A_703 = arith.constant 0 : i32
    %dma_start3A_704 = tpu.memref_slice %arg4[%add3A_248, %dma_start3A_703] : memref<65536x512xf32, #tpu.memory_space<hbm>> -> memref<32x512xf32, #tpu.memory_space<hbm>>
    %dma_start3A_705 = arith.constant 0 : i32
    %dma_start3A_706 = tpu.memref_slice %arg4[%mul3A_4, %dma_start3A_705] : memref<65536x512xf32, #tpu.memory_space<hbm>> -> memref<32x512xf32, #tpu.memory_space<hbm>>
    tpu.enqueue_dma source(%dma_start3A_706 : memref<32x512xf32, #tpu.memory_space<hbm>>) target(%dma_start3A_704 : memref<32x512xf32, #tpu.memory_space<hbm>>) target_semaphore(%arg6 : memref<!tpu.dma_semaphore, #tpu.memory_space<semaphore_mem>>)
    %dma_wait3A_707 = arith.constant 0 : i32
    %dma_wait3A_708 = tpu.memref_slice %arg4[%add3A_216, %dma_wait3A_707] : memref<65536x512xf32, #tpu.memory_space<hbm>> -> memref<32x512xf32, #tpu.memory_space<hbm>>
    %dma_wait3A_709 = arith.constant 0 : i32
    %dma_wait3A_710 = tpu.memref_slice %arg4[%mul3A_4, %dma_wait3A_709] : memref<65536x512xf32, #tpu.memory_space<hbm>> -> memref<32x512xf32, #tpu.memory_space<hbm>>
    tpu.wait_dma2 semaphore(%arg6 : memref<!tpu.dma_semaphore, #tpu.memory_space<semaphore_mem>>) src(%dma_wait3A_710 : memref<32x512xf32, #tpu.memory_space<hbm>>) dst(%dma_wait3A_708 : memref<32x512xf32, #tpu.memory_space<hbm>>)
    %dma_start3A_711 = arith.constant 0 : i32
    %dma_start3A_712 = tpu.memref_slice %arg4[%add3A_252, %dma_start3A_711] : memref<65536x512xf32, #tpu.memory_space<hbm>> -> memref<32x512xf32, #tpu.memory_space<hbm>>
    %dma_start3A_713 = arith.constant 0 : i32
    %dma_start3A_714 = tpu.memref_slice %arg4[%mul3A_4, %dma_start3A_713] : memref<65536x512xf32, #tpu.memory_space<hbm>> -> memref<32x512xf32, #tpu.memory_space<hbm>>
    tpu.enqueue_dma source(%dma_start3A_714 : memref<32x512xf32, #tpu.memory_space<hbm>>) target(%dma_start3A_712 : memref<32x512xf32, #tpu.memory_space<hbm>>) target_semaphore(%arg6 : memref<!tpu.dma_semaphore, #tpu.memory_space<semaphore_mem>>)
    %dma_wait3A_715 = arith.constant 0 : i32
    %dma_wait3A_716 = tpu.memref_slice %arg4[%add3A_220, %dma_wait3A_715] : memref<65536x512xf32, #tpu.memory_space<hbm>> -> memref<32x512xf32, #tpu.memory_space<hbm>>
    %dma_wait3A_717 = arith.constant 0 : i32
    %dma_wait3A_718 = tpu.memref_slice %arg4[%mul3A_4, %dma_wait3A_717] : memref<65536x512xf32, #tpu.memory_space<hbm>> -> memref<32x512xf32, #tpu.memory_space<hbm>>
    tpu.wait_dma2 semaphore(%arg6 : memref<!tpu.dma_semaphore, #tpu.memory_space<semaphore_mem>>) src(%dma_wait3A_718 : memref<32x512xf32, #tpu.memory_space<hbm>>) dst(%dma_wait3A_716 : memref<32x512xf32, #tpu.memory_space<hbm>>)
    %dma_start3A_719 = arith.constant 0 : i32
    %dma_start3A_720 = tpu.memref_slice %arg4[%add3A_256, %dma_start3A_719] : memref<65536x512xf32, #tpu.memory_space<hbm>> -> memref<32x512xf32, #tpu.memory_space<hbm>>
    %dma_start3A_721 = arith.constant 0 : i32
    %dma_start3A_722 = tpu.memref_slice %arg4[%mul3A_4, %dma_start3A_721] : memref<65536x512xf32, #tpu.memory_space<hbm>> -> memref<32x512xf32, #tpu.memory_space<hbm>>
    tpu.enqueue_dma source(%dma_start3A_722 : memref<32x512xf32, #tpu.memory_space<hbm>>) target(%dma_start3A_720 : memref<32x512xf32, #tpu.memory_space<hbm>>) target_semaphore(%arg6 : memref<!tpu.dma_semaphore, #tpu.memory_space<semaphore_mem>>)
    %dma_wait3A_723 = arith.constant 0 : i32
    %dma_wait3A_724 = tpu.memref_slice %arg4[%add3A_224, %dma_wait3A_723] : memref<65536x512xf32, #tpu.memory_space<hbm>> -> memref<32x512xf32, #tpu.memory_space<hbm>>
    %dma_wait3A_725 = arith.constant 0 : i32
    %dma_wait3A_726 = tpu.memref_slice %arg4[%mul3A_4, %dma_wait3A_725] : memref<65536x512xf32, #tpu.memory_space<hbm>> -> memref<32x512xf32, #tpu.memory_space<hbm>>
    tpu.wait_dma2 semaphore(%arg6 : memref<!tpu.dma_semaphore, #tpu.memory_space<semaphore_mem>>) src(%dma_wait3A_726 : memref<32x512xf32, #tpu.memory_space<hbm>>) dst(%dma_wait3A_724 : memref<32x512xf32, #tpu.memory_space<hbm>>)
    %dma_wait3A_727 = arith.constant 0 : i32
    %dma_wait3A_728 = tpu.memref_slice %arg4[%add3A_228, %dma_wait3A_727] : memref<65536x512xf32, #tpu.memory_space<hbm>> -> memref<32x512xf32, #tpu.memory_space<hbm>>
    %dma_wait3A_729 = arith.constant 0 : i32
    %dma_wait3A_730 = tpu.memref_slice %arg4[%mul3A_4, %dma_wait3A_729] : memref<65536x512xf32, #tpu.memory_space<hbm>> -> memref<32x512xf32, #tpu.memory_space<hbm>>
    tpu.wait_dma2 semaphore(%arg6 : memref<!tpu.dma_semaphore, #tpu.memory_space<semaphore_mem>>) src(%dma_wait3A_730 : memref<32x512xf32, #tpu.memory_space<hbm>>) dst(%dma_wait3A_728 : memref<32x512xf32, #tpu.memory_space<hbm>>)
    %dma_wait3A_731 = arith.constant 0 : i32
    %dma_wait3A_732 = tpu.memref_slice %arg4[%add3A_232, %dma_wait3A_731] : memref<65536x512xf32, #tpu.memory_space<hbm>> -> memref<32x512xf32, #tpu.memory_space<hbm>>
    %dma_wait3A_733 = arith.constant 0 : i32
    %dma_wait3A_734 = tpu.memref_slice %arg4[%mul3A_4, %dma_wait3A_733] : memref<65536x512xf32, #tpu.memory_space<hbm>> -> memref<32x512xf32, #tpu.memory_space<hbm>>
    tpu.wait_dma2 semaphore(%arg6 : memref<!tpu.dma_semaphore, #tpu.memory_space<semaphore_mem>>) src(%dma_wait3A_734 : memref<32x512xf32, #tpu.memory_space<hbm>>) dst(%dma_wait3A_732 : memref<32x512xf32, #tpu.memory_space<hbm>>)
    %dma_wait3A_735 = arith.constant 0 : i32
    %dma_wait3A_736 = tpu.memref_slice %arg4[%add3A_236, %dma_wait3A_735] : memref<65536x512xf32, #tpu.memory_space<hbm>> -> memref<32x512xf32, #tpu.memory_space<hbm>>
    %dma_wait3A_737 = arith.constant 0 : i32
    %dma_wait3A_738 = tpu.memref_slice %arg4[%mul3A_4, %dma_wait3A_737] : memref<65536x512xf32, #tpu.memory_space<hbm>> -> memref<32x512xf32, #tpu.memory_space<hbm>>
    tpu.wait_dma2 semaphore(%arg6 : memref<!tpu.dma_semaphore, #tpu.memory_space<semaphore_mem>>) src(%dma_wait3A_738 : memref<32x512xf32, #tpu.memory_space<hbm>>) dst(%dma_wait3A_736 : memref<32x512xf32, #tpu.memory_space<hbm>>)
    %dma_wait3A_739 = arith.constant 0 : i32
    %dma_wait3A_740 = tpu.memref_slice %arg4[%add3A_240, %dma_wait3A_739] : memref<65536x512xf32, #tpu.memory_space<hbm>> -> memref<32x512xf32, #tpu.memory_space<hbm>>
    %dma_wait3A_741 = arith.constant 0 : i32
    %dma_wait3A_742 = tpu.memref_slice %arg4[%mul3A_4, %dma_wait3A_741] : memref<65536x512xf32, #tpu.memory_space<hbm>> -> memref<32x512xf32, #tpu.memory_space<hbm>>
    tpu.wait_dma2 semaphore(%arg6 : memref<!tpu.dma_semaphore, #tpu.memory_space<semaphore_mem>>) src(%dma_wait3A_742 : memref<32x512xf32, #tpu.memory_space<hbm>>) dst(%dma_wait3A_740 : memref<32x512xf32, #tpu.memory_space<hbm>>)
    %dma_wait3A_743 = arith.constant 0 : i32
    %dma_wait3A_744 = tpu.memref_slice %arg4[%add3A_244, %dma_wait3A_743] : memref<65536x512xf32, #tpu.memory_space<hbm>> -> memref<32x512xf32, #tpu.memory_space<hbm>>
    %dma_wait3A_745 = arith.constant 0 : i32
    %dma_wait3A_746 = tpu.memref_slice %arg4[%mul3A_4, %dma_wait3A_745] : memref<65536x512xf32, #tpu.memory_space<hbm>> -> memref<32x512xf32, #tpu.memory_space<hbm>>
    tpu.wait_dma2 semaphore(%arg6 : memref<!tpu.dma_semaphore, #tpu.memory_space<semaphore_mem>>) src(%dma_wait3A_746 : memref<32x512xf32, #tpu.memory_space<hbm>>) dst(%dma_wait3A_744 : memref<32x512xf32, #tpu.memory_space<hbm>>)
    %dma_wait3A_747 = arith.constant 0 : i32
    %dma_wait3A_748 = tpu.memref_slice %arg4[%add3A_248, %dma_wait3A_747] : memref<65536x512xf32, #tpu.memory_space<hbm>> -> memref<32x512xf32, #tpu.memory_space<hbm>>
    %dma_wait3A_749 = arith.constant 0 : i32
    %dma_wait3A_750 = tpu.memref_slice %arg4[%mul3A_4, %dma_wait3A_749] : memref<65536x512xf32, #tpu.memory_space<hbm>> -> memref<32x512xf32, #tpu.memory_space<hbm>>
    tpu.wait_dma2 semaphore(%arg6 : memref<!tpu.dma_semaphore, #tpu.memory_space<semaphore_mem>>) src(%dma_wait3A_750 : memref<32x512xf32, #tpu.memory_space<hbm>>) dst(%dma_wait3A_748 : memref<32x512xf32, #tpu.memory_space<hbm>>)
    %dma_wait3A_751 = arith.constant 0 : i32
    %dma_wait3A_752 = tpu.memref_slice %arg4[%add3A_252, %dma_wait3A_751] : memref<65536x512xf32, #tpu.memory_space<hbm>> -> memref<32x512xf32, #tpu.memory_space<hbm>>
    %dma_wait3A_753 = arith.constant 0 : i32
    %dma_wait3A_754 = tpu.memref_slice %arg4[%mul3A_4, %dma_wait3A_753] : memref<65536x512xf32, #tpu.memory_space<hbm>> -> memref<32x512xf32, #tpu.memory_space<hbm>>
    tpu.wait_dma2 semaphore(%arg6 : memref<!tpu.dma_semaphore, #tpu.memory_space<semaphore_mem>>) src(%dma_wait3A_754 : memref<32x512xf32, #tpu.memory_space<hbm>>) dst(%dma_wait3A_752 : memref<32x512xf32, #tpu.memory_space<hbm>>)
    %dma_wait3A_755 = arith.constant 0 : i32
    %dma_wait3A_756 = tpu.memref_slice %arg4[%add3A_256, %dma_wait3A_755] : memref<65536x512xf32, #tpu.memory_space<hbm>> -> memref<32x512xf32, #tpu.memory_space<hbm>>
    %dma_wait3A_757 = arith.constant 0 : i32
    %dma_wait3A_758 = tpu.memref_slice %arg4[%mul3A_4, %dma_wait3A_757] : memref<65536x512xf32, #tpu.memory_space<hbm>> -> memref<32x512xf32, #tpu.memory_space<hbm>>
    tpu.wait_dma2 semaphore(%arg6 : memref<!tpu.dma_semaphore, #tpu.memory_space<semaphore_mem>>) src(%dma_wait3A_758 : memref<32x512xf32, #tpu.memory_space<hbm>>) dst(%dma_wait3A_756 : memref<32x512xf32, #tpu.memory_space<hbm>>)
    return
  }
}

</mosaic_0001>

<sc_bundles>
// kernel: kernel.3.cloned.1.call-start
scs
__scs_entry_jumppad:
0x0: {  	(pc) =	sbr.rel $0x88, $3  }
0x1: {  	(tag) =	ssettag $0x0;
	lr =	simm.s32 $0x1  }
0x2: {  	[smem:$0x3F9F] =	sst lr;
	_ =	strace $0xD0000000  }
0x3: {  	_ = 	snop  }
0x4: {  	_ = 	snop  }
0x5: {  	_ = 	snop  }
0x6: {  	_ = 	snop  }
0x7: {  	_ = 	snop  }
__scs_overlays_trampoline_lowered:
0x8: {  	[smem:$0x3FAE] =	sst s0  }
0x9: {  	[smem:$0x3FAF] =	sst s1  }
0xa: {  	[smem:$0x3FB0] =	sst s2  }
0xb: {  	[smem:$0x3FB1] =	sst s3  }
0xc: {  	[smem:$0x3FB2] =	sst s4  }
0xd: {  	[smem:$0x3FB3] =	sst s5  }
0xe: {  	[smem:$0x3FB4] =	sst s6  }
0xf: {  	[smem:$0x3FB5] =	sst s7  }
0x10: {  	[smem:$0x3FB6] =	sst s8  }
0x11: {  	[smem:$0x3FB7] =	sst s9;
	s0 =	simm.s32 @!p0 $0x0  }
0x12: {  	s1 =	sld [smem:$0x3F9D];
	s0 =	simm.s32 @p0 $0x1  }
0x13: {  	[smem:$0x3FB8] =	sst s0;
	s0 =	simm.s32 @!p1 $0x0  }
0x14: {  	s2 =	sld [smem:$0x3F9C];
	s0 =	simm.s32 @p1 $0x1  }
0x15: {  	[smem:$0x3FB9] =	sst s0;
	s0 =	simm.s32 @!p2 $0x0  }
0x16: {  	s3 =	sld [smem:$0x3FDB];
	s0 =	simm.s32 @p2 $0x1  }
0x17: {  	s4 =	simm.s32 $0x1BF5;
	[smem:$0x3FBB] =	sst s0  }
0x18: {  	s0 =	sld [smem:$0x3F9E];
	_ =	swait.ge [sflag:s4], $0x0  }
0x19: {  	s7 =	sld [smem:$0x3F9F]  }
0x1a: {  	s8 =	sadd.s32 $0xFFFFE003, lr  }
0x1b: {  	s9 =	sadd.s32 $0xFFFFFEF7, lr;
	s5 =	simm.s32 $0xFFFFFFFF;
	p2 =	slt.u32 s8, $0xFFFFF086  }
0x1c: {  	p1 =	slt.u32 s9, $0xF7A;
	s5 =	simm.s32 @!p2 $0x0  }
0x1d: {  	s5 =	simm.s32 @p1 $0x1;
	p0 =	seq.s32 s7, s2  }
0x1e: {  	s7 =	smul.u32 @!p0 $0xF7A, s2;
	p2 =	seq.s32 @!p0 s5, $0x0  }
0x1f: {  	s9 =	smul.u32 $0xF7A, s1;
	s8 =	simm.s32 @!p0 $0x1BF5;
	p2 =	por !p2, p0  }
0x20: {  	[sflag:s8] =	ssyncset.s32 @!p0 $0xFFFFF086;
	s6 =	sadd.s32 @!p0 s3, s7;
	s7 =	simm.s32 @!p0 $0x108  }
0x21: {  	s3 =	sadd.s32 s3, s9;
	s6 =	sadd.s32 @!p0 $0x88, s6;
	s7 =	simm.s32 @p2 $0x1082  }
0x22: {  	[simem:s7], [sflag:s8] =	dma.local @!p0 [hbm:s6], $0xF7A  }
0x23: {  	s9 =	sor.u32 $0xD0000000, s2;
	s6 =	simm.s32 $0x108;
	_ =	swait.ge @!p0 [sflag:s8], $0x0  }
0x24: {  	s3 =	sadd.s32 $0x88, s3;
	s6 =	simm.s32 @!p1 $0x1082;
	[sflag:s4] =	ssyncset.s32 $0xFFFFF086  }
0x25: {  	[simem:s6], [sflag:s4] =	dma.local [hbm:s3], $0xF7A  }
0x26: {  	[smem:$0x3F9F] =	sst s1;
	(tag) =	ssettag s2;
	_ =	strace s9  }
0x27: {  	s1 =	sld [smem:$0x3FAF]  }
0x28: {  	s2 =	sld [smem:$0x3FB0]  }
0x29: {  	s4 =	sld [smem:$0x3FB2]  }
0x2a: {  	p0 =	seq.s32 s5, $0x0;
	s5 =	sld [smem:$0x3FB3]  }
0x2b: {  	s6 =	sld [smem:$0x3FB4]  }
0x2c: {  	s7 =	sld [smem:$0x3FB5]  }
0x2d: {  	s3 =	simm.s32 $0x108;
	s8 =	sld [smem:$0x3FB6]  }
0x2e: {  	s3 =	simm.s32 @!p0 $0x1082;
	s9 =	sld [smem:$0x3FB7]  }
0x2f: {  	lr =	sadd.s32 s0, s3;
	s0 =	sld [smem:$0x3FAE]  }
0x30: {  	s3 =	sld [smem:$0x3FB1]  }
0x31: {  	[smem:$0x3FBA] =	sst s10  }
0x32: {  	s10 =	sld [smem:$0x3FB8];
	_ =	sdelay $0x3  }
0x33: {  	p0 =	seq.s32 s10, $0x1;
	s10 =	sld [smem:$0x3FBA];
	_ =	sdelay $0x3  }
0x34: {  	[smem:$0x3FBA] =	sst s10  }
0x35: {  	s10 =	sld [smem:$0x3FB9];
	_ =	sdelay $0x3  }
0x36: {  	p1 =	seq.s32 s10, $0x1;
	s10 =	sld [smem:$0x3FBA];
	_ =	sdelay $0x3  }
0x37: {  	[smem:$0x3FBA] =	sst s10  }
0x38: {  	s10 =	sld [smem:$0x3FBB]  }
0x39: {  	_ = 	snop;
	(pc) =	sbr.ind lr, $3  }
0x3a: {  	_ = 	snop  }
0x3b: {  	_ = 	snop  }
0x3c: {  	p2 =	seq.s32 s10, $0x1;
	s10 =	sld [smem:$0x3FBA]  }
0x3d: {  	_ =	shalt  }
0x3e: {  	_ =	shalt  }
0x3f: {  	_ =	shalt  }
0x40: {  	_ =	shalt  }
0x41: {  	_ =	shalt  }
0x42: {  	_ =	shalt  }
0x43: {  	_ =	shalt  }
0x44: {  	_ =	shalt  }
0x45: {  	_ =	shalt  }
0x46: {  	_ =	shalt  }
0x47: {  	_ =	shalt  }
0x48: {  	_ =	shalt  }
0x49: {  	_ =	shalt  }
0x4a: {  	_ =	shalt  }
0x4b: {  	_ =	shalt  }
0x4c: {  	_ =	shalt  }
0x4d: {  	_ =	shalt  }
0x4e: {  	_ =	shalt  }
0x4f: {  	_ =	shalt  }
0x50: {  	_ =	shalt  }
0x51: {  	_ =	shalt  }
0x52: {  	_ =	shalt  }
0x53: {  	_ =	shalt  }
0x54: {  	_ =	shalt  }
0x55: {  	_ =	shalt  }
0x56: {  	_ =	shalt  }
0x57: {  	_ =	shalt  }
0x58: {  	_ =	shalt  }
0x59: {  	_ =	shalt  }
0x5a: {  	_ =	shalt  }
0x5b: {  	_ =	shalt  }
0x5c: {  	_ =	shalt  }
0x5d: {  	_ =	shalt  }
0x5e: {  	_ =	shalt  }
0x5f: {  	_ =	shalt  }
0x60: {  	_ =	shalt  }
0x61: {  	_ =	shalt  }
0x62: {  	_ =	shalt  }
0x63: {  	_ =	shalt  }
0x64: {  	_ =	shalt  }
0x65: {  	_ =	shalt  }
0x66: {  	_ =	shalt  }
0x67: {  	_ =	shalt  }
0x68: {  	_ =	shalt  }
0x69: {  	_ =	shalt  }
0x6a: {  	_ =	shalt  }
0x6b: {  	_ =	shalt  }
0x6c: {  	_ =	shalt  }
0x6d: {  	_ =	shalt  }
0x6e: {  	_ =	shalt  }
0x6f: {  	_ =	shalt  }
0x70: {  	_ =	shalt  }
0x71: {  	_ =	shalt  }
0x72: {  	_ =	shalt  }
0x73: {  	_ =	shalt  }
0x74: {  	_ =	shalt  }
0x75: {  	_ =	shalt  }
0x76: {  	_ =	shalt  }
0x77: {  	_ =	shalt  }
0x78: {  	_ =	shalt  }
0x79: {  	_ =	shalt  }
0x7a: {  	_ =	shalt  }
0x7b: {  	_ =	shalt  }
0x7c: {  	_ =	shalt  }
0x7d: {  	_ =	shalt  }
0x7e: {  	_ =	shalt  }
0x7f: {  	_ =	shalt  }
0x80: {  	_ =	shalt  }
0x81: {  	_ =	shalt  }
0x82: {  	_ =	shalt  }
0x83: {  	_ =	shalt  }
0x84: {  	_ =	shalt  }
0x85: {  	_ =	shalt  }
0x86: {  	_ =	shalt  }
0x87: {  	_ =	shalt  }
.Lfunc_end0:
.L_simem_size_0:
called_computation_lowered:
.L_overlay_start_0:
0x88: {  	s2 =	sld [smem:$0x3FD9]  }
0x89: {  	s3 =	sld [smem:$0x3FFE];
	_ =	sdelay $0x1  }
0x8a: {  	s1 =	srdreg.scid  }
0x8b: {  	s0 =	sand.u32 $0x1, s1  }
0x8c: {  	s17 =	sshll.u32 s0, $0xA;
	s2 =	sadd.s32 s3, s2  }
0x8d: {  	s2 =	sadd.s32 s2, s17  }
0x8e: {  	[smem:$0x3FC6] =	sst s2  }
0x8f: {  	_ = 	snop  }
0x90: {  	s2 =	sld [smem:$0x3FD0];
	(tm) =	ssettm $0x1  }
0x91: {  	s18 =	sld [smem:$0x3FFB];
	_ =	sdelay $0x3  }
0x92: {  	_ =	strace s18  }
0x93: {  	s3 =	sld [smem:$0x3FFC];
	_ =	sdelay $0x3  }
0x94: {  	_ =	strace s3  }
0x95: {  	s3 =	sld [smem:$0x3FFD];
	_ =	sdelay $0x3  }
0x96: {  	_ =	strace s3  }
0x97: {  	_ =	strace $0x8FFFFFFF  }
0x98: {  	s19 =	sld [smem:$0x3FDB];
	_ =	sdelay $0x1  }
0x99: {  	s4 =	simm.s32 $_scs_section_size  }
0x9a: {  	s5 =	simm.s32 $_size__tile_overlayer_lowered;
	s6 =	simm.s32 $_tile_overlayer_lowered  }
0x9b: {  	s22 =	simm.s32 $0x1BFF;
	s21 =	sshll.u32 s6, $0x1;
	s3 =	sadd.s32 s4, s19  }
0x9c: {  	s7 =	simm.s32 $0x0;
	s20 =	sshll.u32 s5, $0x1;
	s5 =	sadd.s32 s21, s3  }
0x9d: {  	[timem:s7], [sflag:s22] =	dma.local [hbm:s5], s20  }
0x9e: {  	_ =	swait.ge [sflag:s22], s20  }
0x9f: {  	s4 =	ssub.s32 $0x0, s20;
	[sflag:s22] =	ssyncset.done $0x0  }
0xa0: {  	[sflag:s22] =	ssyncadd.s32 s4;
	_ =	sdelay $0x1  }
0xa1: {  	s23 =	simm.s32 $0x1B8B  }
0xa2: {  	_ =	swait.ge [sflag:s23], $0x1  }
0xa3: {  	[sflag:s23] =	ssyncset.done $0x0  }
0xa4: {  	s25 =	simm.s32 $0x1B8E;
	s24 =	sld [smem:$0x3FFE];
	[sflag:s23] =	ssyncadd.s32 $0xFFFFFFFF  }
0xa5: {  	s26 =	simm.s32 $execute0_lowered;
	[smem:$0x3FD2] =	sst s25  }
0xa6: {  	s5 =	sshll.u32 s26, $0x1;
	_ =	strace $0x80000046;
	[dreg:$0x1] =	wrdreg $0xFFFFFFFF  }
0xa7: {  	s28 =	simm.s32 $_size_execute0_lowered;
	s3 =	sadd.s32 s3, s5;
	[dreg:$0x0] =	wrdreg $0x0  }
0xa8: {  	s5 =	sshll.u32 s28, $0x1;
	[dreg:$0x2] =	wrdreg s3  }
0xa9: {  	[dreg:$0x3] =	wrdreg s5  }
0xaa: {  	[dreg:$0x4] =	wrdreg $0xC0  }
0xab: {  	_ =	task [dreg:s7], $0x5FFFF  }
0xac: {  	[dreg:$0x1] =	wrdreg $0xFFFFFFFF  }
0xad: {  	[dreg:$0x0] =	wrdreg $0x60  }
0xae: {  	[dreg:$0x2] =	wrdreg s24  }
0xaf: {  	[dreg:$0x3] =	wrdreg s2  }
0xb0: {  	[dreg:$0x4] =	wrdreg $0x9  }
0xb1: {  	_ =	task.clear_ibuf [dreg:s7], $0x5FFFF;
	_ =	strace $0x90000046  }
0xb2: {  	s29 =	simm.s32 $0x9;
	_ =	strace $0x80000048  }
0xb3: {  	_ =	swait.ge [sflag:s29], $0x1  }
0xb4: {  	[sflag:s29] =	ssyncadd.s32 $0xFFFFFFFF  }
0xb5: {  	_ =	strace $0x90000048  }
0xb6: {  	_ =	sfence  }
0xb7: {  	s30 =	sld [smem:$0x0];
	_ =	sdelay $0x2  }
0xb8: {  	s31 =	sshll.u32 s1, $0xD;
	s1 =	sshrl.u32 s1, $0x2  }
0xb9: {  	s3 =	sand.u32 $0x4000, s31;
	s1 =	sadd.s32 s1, s30  }
0xba: {  	s0 =	sor.u32 s3, s0;
	s1 =	sshll.u32 s1, $0x11  }
0xbb: {  	s0 =	sor.u32 s1, s0  }
0xbc: {  	s0 =	sadd.s32 $0x8F2B, s0  }
0xbd: {  	[sflag:s0] =	ssyncadd.remote.s32 $0x1  }
0xbe: {  	_ =	sfence.sel $0xFFFF  }
0xbf: {  	[dreg:$0x0] =	wrdreg $0xFFFFFFFF;
	(pc) =	sbr.abs _section_cstart, $3  }
0xc0: {  	[dreg:$0x1] =	wrdreg $0xFFFFFFFF  }
0xc1: {  	_ =	task.clear_ibuf [dreg:s7], $0x2FFFF;
	_ =	strace $0x9FFFFFFF  }
0xc2: {  	(tm) =	ssettm $0x7FFFFFFF  }
0xc3: {  	_ =	shalt  }
tec
execute0_lowered:
.L_overlay_start_1:
0x0: {  	(tag) =	ssettag $0x1  }
0x1: {  	s0 =	srdreg.scid  }
0x2: {  	s30 =	sand.u32 $0x1, s0  }
0x3: {  	s0 =	stileid.u32;
	s4 =	sshll.u32 s30, $0x4  }
0x4: {  	s5 =	rddreg [dreg:$0x0];
	s6 =	sor.u32 s0, s4  }
0x5: {  	s3 =	rddreg [dreg:$0x1];
	s2 =	simm.s32 $0x0;
	s4 =	sshll.u32 s6, $0xB  }
0x6: {  	[smem:$0x7FF] =	sst s2;
	s7 =	sadd.s32 $0x800, s5;
	s3 =	sadd.s32 s3, s4  }
0x7: {  	_ =	strace $0x80000047;
	[dreg:$0x3] =	wrdreg s7;
	s4 =	sadd.s32 $0x10000, s3  }
0x8: {  	s15 =	sadd.s32 $0x20000, s3;
	[dreg:$0x4] =	wrdreg s4  }
0x9: {  	s16 =	sadd.s32 $0x30000, s3;
	[dreg:$0x5] =	wrdreg s15  }
0xa: {  	s17 =	sadd.s32 $0x40000, s3;
	[dreg:$0x6] =	wrdreg s16  }
0xb: {  	s18 =	sadd.s32 $0x50000, s3;
	[dreg:$0x7] =	wrdreg s17  }
0xc: {  	s19 =	sadd.s32 $0x60000, s3;
	[dreg:$0x8] =	wrdreg s18  }
0xd: {  	s20 =	sadd.s32 $0x70000, s3;
	[dreg:$0x9] =	wrdreg s19  }
0xe: {  	s21 =	sadd.s32 $0x80000, s3;
	[dreg:$0xa] =	wrdreg s20  }
0xf: {  	s22 =	sadd.s32 $0x90000, s3;
	[dreg:$0xb] =	wrdreg s21  }
0x10: {  	s23 =	sadd.s32 $0xA0000, s3;
	[dreg:$0xc] =	wrdreg s22  }
0x11: {  	s24 =	sadd.s32 $0xB0000, s3;
	[dreg:$0xd] =	wrdreg s23  }
0x12: {  	s25 =	sadd.s32 $0xC0000, s3;
	[dreg:$0xe] =	wrdreg s24  }
0x13: {  	s26 =	sadd.s32 $0xD0000, s3;
	[dreg:$0xf] =	wrdreg s25  }
0x14: {  	s31 =	sadd.s32 $0xE0000, s3;
	[dreg:$0x10] =	wrdreg s26  }
0x15: {  	s1 =	sadd.s32 $0xF0000, s3;
	[dreg:$0x11] =	wrdreg s31  }
0x16: {  	s7 =	sadd.s32 $0x100000, s3;
	[dreg:$0x12] =	wrdreg s1  }
0x17: {  	s8 =	sadd.s32 $0x110000, s3;
	[dreg:$0x13] =	wrdreg s7  }
0x18: {  	s9 =	sadd.s32 $0x120000, s3;
	[dreg:$0x14] =	wrdreg s8  }
0x19: {  	s10 =	sadd.s32 $0x130000, s3;
	[dreg:$0x15] =	wrdreg s9  }
0x1a: {  	s11 =	sadd.s32 $0x140000, s3;
	[dreg:$0x16] =	wrdreg s10  }
0x1b: {  	s12 =	sadd.s32 $0x150000, s3;
	[dreg:$0x17] =	wrdreg s11  }
0x1c: {  	s13 =	sadd.s32 $0x160000, s3;
	[dreg:$0x18] =	wrdreg s12  }
0x1d: {  	s14 =	sadd.s32 $0x170000, s3;
	[dreg:$0x19] =	wrdreg s13  }
0x1e: {  	[dreg:$0x1a] =	wrdreg s14;
	s15 =	sadd.s32 $0x180000, s3  }
0x1f: {  	s16 =	sadd.s32 $0x190000, s3;
	[dreg:$0x1b] =	wrdreg s15  }
0x20: {  	s17 =	sadd.s32 $0x1A0000, s3;
	[dreg:$0x1c] =	wrdreg s16  }
0x21: {  	s18 =	sadd.s32 $0x1B0000, s3;
	[dreg:$0x1d] =	wrdreg s17  }
0x22: {  	s19 =	sadd.s32 $0x1C0000, s3;
	[dreg:$0x1e] =	wrdreg s18  }
0x23: {  	s20 =	sadd.s32 $0x1D0000, s3;
	[dreg:$0x1f] =	wrdreg s19  }
0x24: {  	s21 =	sadd.s32 $0x1E0000, s3;
	[smem:$0x7DB] =	sst s20  }
0x25: {  	s22 =	sadd.s32 $0x1F0000, s3;
	[smem:$0x7DC] =	sst s21  }
0x26: {  	s23 =	sadd.s32 $0x200000, s3;
	[smem:$0x7DD] =	sst s22  }
0x27: {  	s24 =	sadd.s32 $0x210000, s3;
	[smem:$0x7DE] =	sst s23  }
0x28: {  	s25 =	sadd.s32 $0x220000, s3;
	[smem:$0x7DF] =	sst s24  }
0x29: {  	s26 =	sadd.s32 $0x230000, s3;
	[smem:$0x7E0] =	sst s25  }
0x2a: {  	s31 =	sadd.s32 $0x240000, s3;
	[smem:$0x7E1] =	sst s26  }
0x2b: {  	s1 =	sadd.s32 $0x250000, s3;
	[smem:$0x7E2] =	sst s31  }
0x2c: {  	s7 =	sadd.s32 $0x260000, s3;
	[smem:$0x7E3] =	sst s1  }
0x2d: {  	s8 =	sadd.s32 $0x270000, s3;
	[smem:$0x7E4] =	sst s7  }
0x2e: {  	s9 =	sadd.s32 $0x280000, s3;
	[smem:$0x7E5] =	sst s8  }
0x2f: {  	s10 =	sadd.s32 $0x290000, s3;
	[smem:$0x7E6] =	sst s9  }
0x30: {  	s11 =	sadd.s32 $0x2A0000, s3;
	[smem:$0x7E7] =	sst s10  }
0x31: {  	s12 =	sadd.s32 $0x2B0000, s3;
	[smem:$0x7E8] =	sst s11  }
0x32: {  	s13 =	sadd.s32 $0x2C0000, s3;
	[smem:$0x7E9] =	sst s12  }
0x33: {  	s14 =	sadd.s32 $0x2D0000, s3;
	[smem:$0x7EA] =	sst s13  }
0x34: {  	[smem:$0x7EB] =	sst s14;
	s15 =	sadd.s32 $0x2E0000, s3  }
0x35: {  	s16 =	sadd.s32 $0x2F0000, s3;
	[smem:$0x7EC] =	sst s15  }
0x36: {  	s17 =	sadd.s32 $0x300000, s3;
	[smem:$0x7ED] =	sst s16  }
0x37: {  	s18 =	sadd.s32 $0x310000, s3;
	[smem:$0x7EE] =	sst s17  }
0x38: {  	s19 =	sadd.s32 $0x320000, s3;
	[smem:$0x7EF] =	sst s18  }
0x39: {  	s20 =	sadd.s32 $0x330000, s3;
	[smem:$0x7F0] =	sst s19  }
0x3a: {  	s21 =	sadd.s32 $0x340000, s3;
	[smem:$0x7F1] =	sst s20  }
0x3b: {  	s22 =	sadd.s32 $0x350000, s3;
	[smem:$0x7F2] =	sst s21  }
0x3c: {  	s23 =	sadd.s32 $0x360000, s3;
	[smem:$0x7F3] =	sst s22  }
0x3d: {  	s24 =	sadd.s32 $0x370000, s3;
	[smem:$0x7F4] =	sst s23  }
0x3e: {  	s25 =	sadd.s32 $0x380000, s3;
	[smem:$0x7F5] =	sst s24  }
0x3f: {  	s26 =	sadd.s32 $0x390000, s3;
	[smem:$0x7F6] =	sst s25  }
0x40: {  	s31 =	sadd.s32 $0x3A0000, s3;
	[smem:$0x7F7] =	sst s26  }
0x41: {  	s1 =	sadd.s32 $0x3B0000, s3;
	[smem:$0x7F8] =	sst s31  }
0x42: {  	s7 =	sadd.s32 $0x3C0000, s3;
	[smem:$0x7F9] =	sst s1  }
0x43: {  	s8 =	sadd.s32 $0x3D0000, s3;
	[smem:$0x7FA] =	sst s7  }
0x44: {  	s9 =	sadd.s32 $0x3E0000, s3;
	[smem:$0x7FB] =	sst s8  }
0x45: {  	s10 =	sadd.s32 $0x3F0000, s3;
	[smem:$0x7FC] =	sst s9  }
0x46: {  	s11 =	sadd.s32 $0x900, s5;
	[smem:$0x7FD] =	sst s10  }
0x47: {  	s12 =	sadd.s32 $0xA00, s5;
	[smem:$0x7AB] =	sst s11  }
0x48: {  	s13 =	sadd.s32 $0xB00, s5;
	[smem:$0x7AD] =	sst s12  }
0x49: {  	s14 =	simm.s32 $0x1000;
	[smem:$0x7AE] =	sst s13  }
0x4a: {  	[smem:$0x7AA] =	sst s14;
	s15 =	simm.s32 $0x2000  }
0x4b: {  	s16 =	simm.s32 $0x3000;
	[smem:$0x7A9] =	sst s15  }
0x4c: {  	s17 =	simm.s32 $0x800;
	[smem:$0x7AC] =	sst s16  }
0x4d: {  	s18 =	simm.s32 $0xC00;
	[smem:$0x7AF] =	sst s17  }
0x4e: {  	s19 =	simm.s32 $0x880;
	[smem:$0x7B0] =	sst s18  }
0x4f: {  	s20 =	simm.s32 $0xC80;
	[smem:$0x7B1] =	sst s19  }
0x50: {  	s21 =	simm.s32 $0x900;
	[smem:$0x7B2] =	sst s20  }
0x51: {  	s22 =	simm.s32 $0xD00;
	[smem:$0x7B3] =	sst s21  }
0x52: {  	s23 =	simm.s32 $0x980;
	[smem:$0x7B4] =	sst s22  }
0x53: {  	s24 =	simm.s32 $0xD80;
	[smem:$0x7B5] =	sst s23  }
0x54: {  	s25 =	simm.s32 $0xA00;
	[smem:$0x7B6] =	sst s24  }
0x55: {  	s26 =	simm.s32 $0xE00;
	[smem:$0x7B7] =	sst s25  }
0x56: {  	s31 =	simm.s32 $0xA80;
	[smem:$0x7B8] =	sst s26  }
0x57: {  	s1 =	simm.s32 $0xE80;
	[smem:$0x7B9] =	sst s31  }
0x58: {  	s7 =	simm.s32 $0xB00;
	[smem:$0x7BA] =	sst s1  }
0x59: {  	s8 =	simm.s32 $0xF00;
	[smem:$0x7BB] =	sst s7  }
0x5a: {  	s9 =	simm.s32 $0xB80;
	[smem:$0x7BC] =	sst s8  }
0x5b: {  	s10 =	simm.s32 $0xF80;
	[smem:$0x7BD] =	sst s9  }
0x5c: {  	s11 =	simm.s32 $0x1800;
	[smem:$0x7BE] =	sst s10  }
0x5d: {  	s12 =	simm.s32 $0x1C00;
	[smem:$0x7BF] =	sst s11  }
0x5e: {  	s13 =	simm.s32 $0x1880;
	[smem:$0x7C0] =	sst s12  }
0x5f: {  	s14 =	simm.s32 $0x1C80;
	[smem:$0x7C1] =	sst s13  }
0x60: {  	[smem:$0x7C2] =	sst s14;
	s15 =	simm.s32 $0x1900  }
0x61: {  	s16 =	simm.s32 $0x1D00;
	[smem:$0x7C3] =	sst s15  }
0x62: {  	s17 =	simm.s32 $0x1980;
	[smem:$0x7C4] =	sst s16  }
0x63: {  	s18 =	simm.s32 $0x1D80;
	[smem:$0x7C5] =	sst s17  }
0x64: {  	s19 =	simm.s32 $0x1A00;
	[smem:$0x7C6] =	sst s18  }
0x65: {  	s20 =	simm.s32 $0x1E00;
	[smem:$0x7C7] =	sst s19  }
0x66: {  	s21 =	simm.s32 $0x1A80;
	[smem:$0x7C8] =	sst s20  }
0x67: {  	s22 =	simm.s32 $0x1E80;
	[smem:$0x7C9] =	sst s21  }
0x68: {  	s23 =	simm.s32 $0x1B00;
	[smem:$0x7CA] =	sst s22  }
0x69: {  	s24 =	simm.s32 $0x1F00;
	[smem:$0x7CB] =	sst s23  }
0x6a: {  	s25 =	simm.s32 $0x1B80;
	[smem:$0x7CC] =	sst s24  }
0x6b: {  	s26 =	simm.s32 $0x1F80;
	[smem:$0x7CD] =	sst s25  }
0x6c: {  	s31 =	simm.s32 $0x2800;
	[smem:$0x7CE] =	sst s26  }
0x6d: {  	s1 =	simm.s32 $0x2C00;
	[smem:$0x7CF] =	sst s31  }
0x6e: {  	s7 =	simm.s32 $0x2880;
	[smem:$0x7D0] =	sst s1  }
0x6f: {  	s8 =	simm.s32 $0x2C80;
	[smem:$0x7D1] =	sst s7  }
0x70: {  	s9 =	simm.s32 $0x2900;
	[smem:$0x7D2] =	sst s8  }
0x71: {  	s10 =	simm.s32 $0x2D00;
	[smem:$0x7D3] =	sst s9  }
0x72: {  	s11 =	simm.s32 $0x2980;
	[smem:$0x7D4] =	sst s10  }
0x73: {  	s12 =	simm.s32 $0x2D80;
	[smem:$0x7D5] =	sst s11  }
0x74: {  	s13 =	simm.s32 $0x2A00;
	[smem:$0x7D6] =	sst s12  }
0x75: {  	s14 =	simm.s32 $0x2E00;
	[smem:$0x7D7] =	sst s13  }
0x76: {  	[smem:$0x7D8] =	sst s14  }
0x77: {  	s16 =	sld [smem:$0x7A9]  }
0x78: {  	s17 =	sld [smem:$0x7AA]  }
0x79: {  	s8 =	rddreg [dreg:$0x3]  }
0x7a: {  	s9 =	sld [smem:$0x7AB]  }
0x7b: {  	s10 =	sld [smem:$0x7AC]  }
0x7c: {  	s18 =	sld [smem:$0x7AD]  }
0x7d: {  	[tilespmem:s2], [sflag:$0x2] =	stream.linear.gather [hbm4b:s8+s2], $0x800, $0x38;
	[tilespmem:$0x4000] =	vst v63  }
0x7e: {  	s15 =	simm.s32 $0x2A80;
	s20 =	sld [smem:$0x7AE]  }
0x7f: {  	[tilespmem:s17], [sflag:$0x2] =	stream.linear.gather [hbm4b:s9+s2], $0x800, $0x38;
	[tilespmem:$0x4000] =	vst v63  }
0x80: {  	s19 =	simm.s32 $0x2E80;
	[smem:$0x7D9] =	sst s15  }
0x81: {  	[tilespmem:s16], [sflag:$0x2] =	stream.linear.gather [hbm4b:s18+s2], $0x800, $0x38;
	[tilespmem:$0x4000] =	vst v63  }
0x82: {  	s4 =	simm.s32 $0x2;
	s21 =	sshll.u32 s0, $0x4;
	[smem:$0x7DA] =	sst s19  }
0x83: {  	[tilespmem:s10], [sflag:$0x2] =	stream.linear.gather [hbm4b:s20+s2], $0x800, $0x38;
	[tilespmem:$0x4000] =	vst v63  }
0x84: {  	s6 =	sshll.u32 s6, $0x5;
	s22 =	sand.u32 $0x70, s21;
	_ =	swait.ge [sflag:s4], $0x2000  }
0x85: {  	s6 =	sand.u32 $0x300, s6;
	s5 =	sadd.s32 s22, s5;
	s23 =	sld [smem:$0x7AF]  }
0x86: {  	s5 =	sadd.s32 s6, s5;
	[sflag:s4] =	ssyncset.done $0x0  }
0x87: {  	s5 =	sadd.s32 $0x400, s5;
	s24 =	sld [smem:$0x7B0];
	[sflag:s4] =	ssyncadd.s32 $0xFFFFE000  }
0x88: {  	[tilespmem:s23], [sflag:$0x2] =	stream.linear.gather [hbm4b:s5+s2], $0x80, $0x38;
	[tilespmem:$0x4000] =	vst v63  }
0x89: {  	s6 =	sadd.s32 $0x80, s5  }
0x8a: {  	[tilespmem:s24], [sflag:$0x2] =	stream.linear.gather [hbm4b:s6+s2], $0x80, $0x38;
	[tilespmem:$0x4000] =	vst v63  }
0x8b: {  	_ =	swait.ge [sflag:s4], $0x100  }
0x8c: {  	s25 =	sld [smem:$0x7B1]  }
0x8d: {  	[sflag:s4] =	ssyncset.done $0x0  }
0x8e: {  	s26 =	sld [smem:$0x7B2];
	[sflag:s4] =	ssyncadd.s32 $0xFFFFFF00  }
0x8f: {  	[tilespmem:s25], [sflag:$0x2] =	stream.linear.gather [hbm4b:s5+s2], $0x80, $0x38;
	[tilespmem:$0x4000] =	vst v63  }
0x90: {  	_ = 	snop  }
0x91: {  	[tilespmem:s26], [sflag:$0x2] =	stream.linear.gather [hbm4b:s6+s2], $0x80, $0x38;
	[tilespmem:$0x4000] =	vst v63  }
0x92: {  	_ =	swait.ge [sflag:s4], $0x100  }
0x93: {  	s31 =	sld [smem:$0x7B3]  }
0x94: {  	[sflag:s4] =	ssyncset.done $0x0  }
0x95: {  	s1 =	sld [smem:$0x7B4];
	[sflag:s4] =	ssyncadd.s32 $0xFFFFFF00  }
0x96: {  	[tilespmem:s31], [sflag:$0x2] =	stream.linear.gather [hbm4b:s5+s2], $0x80, $0x38;
	[tilespmem:$0x4000] =	vst v63  }
0x97: {  	_ = 	snop  }
0x98: {  	[tilespmem:s1], [sflag:$0x2] =	stream.linear.gather [hbm4b:s6+s2], $0x80, $0x38;
	[tilespmem:$0x4000] =	vst v63  }
0x99: {  	_ =	swait.ge [sflag:s4], $0x100  }
0x9a: {  	s9 =	sld [smem:$0x7B5]  }
0x9b: {  	[sflag:s4] =	ssyncset.done $0x0  }
0x9c: {  	s10 =	sld [smem:$0x7B6];
	[sflag:s4] =	ssyncadd.s32 $0xFFFFFF00  }
0x9d: {  	[tilespmem:s9], [sflag:$0x2] =	stream.linear.gather [hbm4b:s5+s2], $0x80, $0x38;
	[tilespmem:$0x4000] =	vst v63  }
0x9e: {  	_ = 	snop  }
0x9f: {  	[tilespmem:s10], [sflag:$0x2] =	stream.linear.gather [hbm4b:s6+s2], $0x80, $0x38;
	[tilespmem:$0x4000] =	vst v63  }
0xa0: {  	_ =	swait.ge [sflag:s4], $0x100  }
0xa1: {  	s11 =	sld [smem:$0x7B7]  }
0xa2: {  	[sflag:s4] =	ssyncset.done $0x0  }
0xa3: {  	s12 =	sld [smem:$0x7B8];
	[sflag:s4] =	ssyncadd.s32 $0xFFFFFF00  }
0xa4: {  	[tilespmem:s11], [sflag:$0x2] =	stream.linear.gather [hbm4b:s5+s2], $0x80, $0x38;
	[tilespmem:$0x4000] =	vst v63  }
0xa5: {  	_ = 	snop  }
0xa6: {  	[tilespmem:s12], [sflag:$0x2] =	stream.linear.gather [hbm4b:s6+s2], $0x80, $0x38;
	[tilespmem:$0x4000] =	vst v63  }
0xa7: {  	_ =	swait.ge [sflag:s4], $0x100  }
0xa8: {  	s13 =	sld [smem:$0x7B9]  }
0xa9: {  	[sflag:s4] =	ssyncset.done $0x0  }
0xaa: {  	s14 =	sld [smem:$0x7BA];
	[sflag:s4] =	ssyncadd.s32 $0xFFFFFF00  }
0xab: {  	[tilespmem:s13], [sflag:$0x2] =	stream.linear.gather [hbm4b:s5+s2], $0x80, $0x38;
	[tilespmem:$0x4000] =	vst v63  }
0xac: {  	_ = 	snop  }
0xad: {  	[tilespmem:s14], [sflag:$0x2] =	stream.linear.gather [hbm4b:s6+s2], $0x80, $0x38;
	[tilespmem:$0x4000] =	vst v63  }
0xae: {  	_ =	swait.ge [sflag:s4], $0x100  }
0xaf: {  	s15 =	sld [smem:$0x7BB]  }
0xb0: {  	[sflag:s4] =	ssyncset.done $0x0  }
0xb1: {  	s16 =	sld [smem:$0x7BC];
	[sflag:s4] =	ssyncadd.s32 $0xFFFFFF00  }
0xb2: {  	[tilespmem:s15], [sflag:$0x2] =	stream.linear.gather [hbm4b:s5+s2], $0x80, $0x38;
	[tilespmem:$0x4000] =	vst v63  }
0xb3: {  	_ = 	snop  }
0xb4: {  	[tilespmem:s16], [sflag:$0x2] =	stream.linear.gather [hbm4b:s6+s2], $0x80, $0x38;
	[tilespmem:$0x4000] =	vst v63  }
0xb5: {  	_ =	swait.ge [sflag:s4], $0x100  }
0xb6: {  	s17 =	sld [smem:$0x7BD]  }
0xb7: {  	[sflag:s4] =	ssyncset.done $0x0  }
0xb8: {  	s18 =	sld [smem:$0x7BE];
	[sflag:s4] =	ssyncadd.s32 $0xFFFFFF00  }
0xb9: {  	[tilespmem:s17], [sflag:$0x2] =	stream.linear.gather [hbm4b:s5+s2], $0x80, $0x38;
	[tilespmem:$0x4000] =	vst v63  }
0xba: {  	_ = 	snop  }
0xbb: {  	[tilespmem:s18], [sflag:$0x2] =	stream.linear.gather [hbm4b:s6+s2], $0x80, $0x38;
	[tilespmem:$0x4000] =	vst v63  }
0xbc: {  	_ =	swait.ge [sflag:s4], $0x100  }
0xbd: {  	s19 =	sld [smem:$0x7BF]  }
0xbe: {  	[sflag:s4] =	ssyncset.done $0x0  }
0xbf: {  	s20 =	sld [smem:$0x7C0];
	[sflag:s4] =	ssyncadd.s32 $0xFFFFFF00  }
0xc0: {  	[tilespmem:s19], [sflag:$0x2] =	stream.linear.gather [hbm4b:s5+s2], $0x80, $0x38;
	[tilespmem:$0x4000] =	vst v63  }
0xc1: {  	_ = 	snop  }
0xc2: {  	[tilespmem:s20], [sflag:$0x2] =	stream.linear.gather [hbm4b:s6+s2], $0x80, $0x38;
	[tilespmem:$0x4000] =	vst v63  }
0xc3: {  	_ =	swait.ge [sflag:s4], $0x100  }
0xc4: {  	s21 =	sld [smem:$0x7C1]  }
0xc5: {  	[sflag:s4] =	ssyncset.done $0x0  }
0xc6: {  	s22 =	sld [smem:$0x7C2];
	[sflag:s4] =	ssyncadd.s32 $0xFFFFFF00  }
0xc7: {  	[tilespmem:s21], [sflag:$0x2] =	stream.linear.gather [hbm4b:s5+s2], $0x80, $0x38;
	[tilespmem:$0x4000] =	vst v63  }
0xc8: {  	_ = 	snop  }
0xc9: {  	[tilespmem:s22], [sflag:$0x2] =	stream.linear.gather [hbm4b:s6+s2], $0x80, $0x38;
	[tilespmem:$0x4000] =	vst v63  }
0xca: {  	_ =	swait.ge [sflag:s4], $0x100  }
0xcb: {  	s23 =	sld [smem:$0x7C3]  }
0xcc: {  	[sflag:s4] =	ssyncset.done $0x0  }
0xcd: {  	s24 =	sld [smem:$0x7C4];
	[sflag:s4] =	ssyncadd.s32 $0xFFFFFF00  }
0xce: {  	[tilespmem:s23], [sflag:$0x2] =	stream.linear.gather [hbm4b:s5+s2], $0x80, $0x38;
	[tilespmem:$0x4000] =	vst v63  }
0xcf: {  	_ = 	snop  }
0xd0: {  	[tilespmem:s24], [sflag:$0x2] =	stream.linear.gather [hbm4b:s6+s2], $0x80, $0x38;
	[tilespmem:$0x4000] =	vst v63  }
0xd1: {  	_ =	swait.ge [sflag:s4], $0x100  }
0xd2: {  	s25 =	sld [smem:$0x7C5]  }
0xd3: {  	[sflag:s4] =	ssyncset.done $0x0  }
0xd4: {  	s26 =	sld [smem:$0x7C6];
	[sflag:s4] =	ssyncadd.s32 $0xFFFFFF00  }
0xd5: {  	[tilespmem:s25], [sflag:$0x2] =	stream.linear.gather [hbm4b:s5+s2], $0x80, $0x38;
	[tilespmem:$0x4000] =	vst v63  }
0xd6: {  	_ = 	snop  }
0xd7: {  	[tilespmem:s26], [sflag:$0x2] =	stream.linear.gather [hbm4b:s6+s2], $0x80, $0x38;
	[tilespmem:$0x4000] =	vst v63  }
0xd8: {  	_ =	swait.ge [sflag:s4], $0x100  }
0xd9: {  	s31 =	sld [smem:$0x7C7]  }
0xda: {  	[sflag:s4] =	ssyncset.done $0x0  }
0xdb: {  	s1 =	sld [smem:$0x7C8];
	[sflag:s4] =	ssyncadd.s32 $0xFFFFFF00  }
0xdc: {  	[tilespmem:s31], [sflag:$0x2] =	stream.linear.gather [hbm4b:s5+s2], $0x80, $0x38;
	[tilespmem:$0x4000] =	vst v63  }
0xdd: {  	_ = 	snop  }
0xde: {  	[tilespmem:s1], [sflag:$0x2] =	stream.linear.gather [hbm4b:s6+s2], $0x80, $0x38;
	[tilespmem:$0x4000] =	vst v63  }
0xdf: {  	_ =	swait.ge [sflag:s4], $0x100  }
0xe0: {  	s9 =	sld [smem:$0x7C9]  }
0xe1: {  	[sflag:s4] =	ssyncset.done $0x0  }
0xe2: {  	s10 =	sld [smem:$0x7CA];
	[sflag:s4] =	ssyncadd.s32 $0xFFFFFF00  }
0xe3: {  	[tilespmem:s9], [sflag:$0x2] =	stream.linear.gather [hbm4b:s5+s2], $0x80, $0x38;
	[tilespmem:$0x4000] =	vst v63  }
0xe4: {  	_ = 	snop  }
0xe5: {  	[tilespmem:s10], [sflag:$0x2] =	stream.linear.gather [hbm4b:s6+s2], $0x80, $0x38;
	[tilespmem:$0x4000] =	vst v63  }
0xe6: {  	_ =	swait.ge [sflag:s4], $0x100  }
0xe7: {  	s11 =	sld [smem:$0x7CB]  }
0xe8: {  	[sflag:s4] =	ssyncset.done $0x0  }
0xe9: {  	s12 =	sld [smem:$0x7CC];
	[sflag:s4] =	ssyncadd.s32 $0xFFFFFF00  }
0xea: {  	[tilespmem:s11], [sflag:$0x2] =	stream.linear.gather [hbm4b:s5+s2], $0x80, $0x38;
	[tilespmem:$0x4000] =	vst v63  }
0xeb: {  	_ = 	snop  }
0xec: {  	[tilespmem:s12], [sflag:$0x2] =	stream.linear.gather [hbm4b:s6+s2], $0x80, $0x38;
	[tilespmem:$0x4000] =	vst v63  }
0xed: {  	_ =	swait.ge [sflag:s4], $0x100  }
0xee: {  	s13 =	sld [smem:$0x7CD]  }
0xef: {  	[sflag:s4] =	ssyncset.done $0x0  }
0xf0: {  	s14 =	sld [smem:$0x7CE];
	[sflag:s4] =	ssyncadd.s32 $0xFFFFFF00  }
0xf1: {  	[tilespmem:s13], [sflag:$0x2] =	stream.linear.gather [hbm4b:s5+s2], $0x80, $0x38;
	[tilespmem:$0x4000] =	vst v63  }
0xf2: {  	_ = 	snop  }
0xf3: {  	[tilespmem:s14], [sflag:$0x2] =	stream.linear.gather [hbm4b:s6+s2], $0x80, $0x38;
	[tilespmem:$0x4000] =	vst v63  }
0xf4: {  	_ =	swait.ge [sflag:s4], $0x100  }
0xf5: {  	s15 =	sld [smem:$0x7CF]  }
0xf6: {  	[sflag:s4] =	ssyncset.done $0x0  }
0xf7: {  	s16 =	sld [smem:$0x7D0];
	[sflag:s4] =	ssyncadd.s32 $0xFFFFFF00  }
0xf8: {  	[tilespmem:s15], [sflag:$0x2] =	stream.linear.gather [hbm4b:s5+s2], $0x80, $0x38;
	[tilespmem:$0x4000] =	vst v63  }
0xf9: {  	_ = 	snop  }
0xfa: {  	[tilespmem:s16], [sflag:$0x2] =	stream.linear.gather [hbm4b:s6+s2], $0x80, $0x38;
	[tilespmem:$0x4000] =	vst v63  }
0xfb: {  	_ =	swait.ge [sflag:s4], $0x100  }
0xfc: {  	s17 =	sld [smem:$0x7D1]  }
0xfd: {  	[sflag:s4] =	ssyncset.done $0x0  }
0xfe: {  	s18 =	sld [smem:$0x7D2];
	[sflag:s4] =	ssyncadd.s32 $0xFFFFFF00  }
0xff: {  	[tilespmem:s17], [sflag:$0x2] =	stream.linear.gather [hbm4b:s5+s2], $0x80, $0x38;
	[tilespmem:$0x4000] =	vst v63  }
0x100: {  	_ = 	snop  }
0x101: {  	[tilespmem:s18], [sflag:$0x2] =	stream.linear.gather [hbm4b:s6+s2], $0x80, $0x38;
	[tilespmem:$0x4000] =	vst v63  }
0x102: {  	_ =	swait.ge [sflag:s4], $0x100  }
0x103: {  	s19 =	sld [smem:$0x7D3]  }
0x104: {  	[sflag:s4] =	ssyncset.done $0x0  }
0x105: {  	s20 =	sld [smem:$0x7D4];
	[sflag:s4] =	ssyncadd.s32 $0xFFFFFF00  }
0x106: {  	[tilespmem:s19], [sflag:$0x2] =	stream.linear.gather [hbm4b:s5+s2], $0x80, $0x38;
	[tilespmem:$0x4000] =	vst v63  }
0x107: {  	_ = 	snop  }
0x108: {  	[tilespmem:s20], [sflag:$0x2] =	stream.linear.gather [hbm4b:s6+s2], $0x80, $0x38;
	[tilespmem:$0x4000] =	vst v63  }
0x109: {  	_ =	swait.ge [sflag:s4], $0x100  }
0x10a: {  	s21 =	sld [smem:$0x7D5]  }
0x10b: {  	[sflag:s4] =	ssyncset.done $0x0  }
0x10c: {  	s22 =	sld [smem:$0x7D6];
	[sflag:s4] =	ssyncadd.s32 $0xFFFFFF00  }
0x10d: {  	[tilespmem:s21], [sflag:$0x2] =	stream.linear.gather [hbm4b:s5+s2], $0x80, $0x38;
	[tilespmem:$0x4000] =	vst v63  }
0x10e: {  	_ = 	snop  }
0x10f: {  	[tilespmem:s22], [sflag:$0x2] =	stream.linear.gather [hbm4b:s6+s2], $0x80, $0x38;
	[tilespmem:$0x4000] =	vst v63  }
0x110: {  	_ =	swait.ge [sflag:s4], $0x100  }
0x111: {  	s23 =	sld [smem:$0x7D7]  }
0x112: {  	[sflag:s4] =	ssyncset.done $0x0  }
0x113: {  	s24 =	sld [smem:$0x7D8];
	[sflag:s4] =	ssyncadd.s32 $0xFFFFFF00  }
0x114: {  	[tilespmem:s23], [sflag:$0x2] =	stream.linear.gather [hbm4b:s5+s2], $0x80, $0x38;
	[tilespmem:$0x4000] =	vst v63  }
0x115: {  	_ = 	snop  }
0x116: {  	[tilespmem:s24], [sflag:$0x2] =	stream.linear.gather [hbm4b:s6+s2], $0x80, $0x38;
	[tilespmem:$0x4000] =	vst v63  }
0x117: {  	_ =	swait.ge [sflag:s4], $0x100  }
0x118: {  	s25 =	sld [smem:$0x7D9]  }
0x119: {  	[sflag:s4] =	ssyncset.done $0x0  }
0x11a: {  	s26 =	sld [smem:$0x7DA];
	[sflag:s4] =	ssyncadd.s32 $0xFFFFFF00  }
0x11b: {  	[tilespmem:s25], [sflag:$0x2] =	stream.linear.gather [hbm4b:s5+s2], $0x80, $0x38;
	[tilespmem:$0x4000] =	vst v63  }
0x11c: {  	_ = 	snop  }
0x11d: {  	[tilespmem:s26], [sflag:$0x2] =	stream.linear.gather [hbm4b:s6+s2], $0x80, $0x38;
	[tilespmem:$0x4000] =	vst v63  }
0x11e: {  	_ =	swait.ge [sflag:s4], $0x100  }
0x11f: {  	[sflag:s4] =	ssyncset.done $0x0  }
0x120: {  	s1 =	simm.s32 $0x2B00;
	[sflag:s4] =	ssyncadd.s32 $0xFFFFFF00  }
0x121: {  	[tilespmem:s1], [sflag:$0x2] =	stream.linear.gather [hbm4b:s5+s2], $0x80, $0x38;
	[tilespmem:$0x4000] =	vst v63  }
0x122: {  	s31 =	simm.s32 $0x2F00  }
0x123: {  	[tilespmem:s31], [sflag:$0x2] =	stream.linear.gather [hbm4b:s6+s2], $0x80, $0x38;
	[tilespmem:$0x4000] =	vst v63  }
0x124: {  	_ =	swait.ge [sflag:s4], $0x100  }
0x125: {  	[sflag:s4] =	ssyncset.done $0x0  }
0x126: {  	s9 =	simm.s32 $0x2B80;
	[sflag:s4] =	ssyncadd.s32 $0xFFFFFF00  }
0x127: {  	[tilespmem:s9], [sflag:$0x2] =	stream.linear.gather [hbm4b:s5+s2], $0x80, $0x38;
	[tilespmem:$0x4000] =	vst v63  }
0x128: {  	s10 =	simm.s32 $0x2F80  }
0x129: {  	[tilespmem:s10], [sflag:$0x2] =	stream.linear.gather [hbm4b:s6+s2], $0x80, $0x38;
	[tilespmem:$0x4000] =	vst v63  }
0x12a: {  	_ =	swait.ge [sflag:s4], $0x100  }
0x12b: {  	[sflag:s4] =	ssyncset.done $0x0  }
0x12c: {  	s11 =	simm.s32 $0x3800;
	[sflag:s4] =	ssyncadd.s32 $0xFFFFFF00  }
0x12d: {  	[tilespmem:s11], [sflag:$0x2] =	stream.linear.gather [hbm4b:s5+s2], $0x80, $0x38;
	[tilespmem:$0x4000] =	vst v63  }
0x12e: {  	s12 =	simm.s32 $0x3C00  }
0x12f: {  	[tilespmem:s12], [sflag:$0x2] =	stream.linear.gather [hbm4b:s6+s2], $0x80, $0x38;
	[tilespmem:$0x4000] =	vst v63  }
0x130: {  	_ =	swait.ge [sflag:s4], $0x100  }
0x131: {  	[sflag:s4] =	ssyncset.done $0x0  }
0x132: {  	s13 =	simm.s32 $0x3880;
	[sflag:s4] =	ssyncadd.s32 $0xFFFFFF00  }
0x133: {  	[tilespmem:s13], [sflag:$0x2] =	stream.linear.gather [hbm4b:s5+s2], $0x80, $0x38;
	[tilespmem:$0x4000] =	vst v63  }
0x134: {  	s14 =	simm.s32 $0x3C80  }
0x135: {  	[tilespmem:s14], [sflag:$0x2] =	stream.linear.gather [hbm4b:s6+s2], $0x80, $0x38;
	[tilespmem:$0x4000] =	vst v63  }
0x136: {  	_ =	swait.ge [sflag:s4], $0x100  }
0x137: {  	[sflag:s4] =	ssyncset.done $0x0  }
0x138: {  	s15 =	simm.s32 $0x3900;
	[sflag:s4] =	ssyncadd.s32 $0xFFFFFF00  }
0x139: {  	[tilespmem:s15], [sflag:$0x2] =	stream.linear.gather [hbm4b:s5+s2], $0x80, $0x38;
	[tilespmem:$0x4000] =	vst v63  }
0x13a: {  	s16 =	simm.s32 $0x3D00  }
0x13b: {  	[tilespmem:s16], [sflag:$0x2] =	stream.linear.gather [hbm4b:s6+s2], $0x80, $0x38;
	[tilespmem:$0x4000] =	vst v63  }
0x13c: {  	_ =	swait.ge [sflag:s4], $0x100  }
0x13d: {  	[sflag:s4] =	ssyncset.done $0x0  }
0x13e: {  	s17 =	simm.s32 $0x3980;
	[sflag:s4] =	ssyncadd.s32 $0xFFFFFF00  }
0x13f: {  	[tilespmem:s17], [sflag:$0x2] =	stream.linear.gather [hbm4b:s5+s2], $0x80, $0x38;
	[tilespmem:$0x4000] =	vst v63  }
0x140: {  	s18 =	simm.s32 $0x3D80  }
0x141: {  	[tilespmem:s18], [sflag:$0x2] =	stream.linear.gather [hbm4b:s6+s2], $0x80, $0x38;
	[tilespmem:$0x4000] =	vst v63  }
0x142: {  	_ =	swait.ge [sflag:s4], $0x100  }
0x143: {  	[sflag:s4] =	ssyncset.done $0x0  }
0x144: {  	s19 =	simm.s32 $0x3A00;
	[sflag:s4] =	ssyncadd.s32 $0xFFFFFF00  }
0x145: {  	[tilespmem:s19], [sflag:$0x2] =	stream.linear.gather [hbm4b:s5+s2], $0x80, $0x38;
	[tilespmem:$0x4000] =	vst v63  }
0x146: {  	s20 =	simm.s32 $0x3E00  }
0x147: {  	[tilespmem:s20], [sflag:$0x2] =	stream.linear.gather [hbm4b:s6+s2], $0x80, $0x38;
	[tilespmem:$0x4000] =	vst v63  }
0x148: {  	_ =	swait.ge [sflag:s4], $0x100  }
0x149: {  	[sflag:s4] =	ssyncset.done $0x0  }
0x14a: {  	s21 =	simm.s32 $0x3A80;
	[sflag:s4] =	ssyncadd.s32 $0xFFFFFF00  }
0x14b: {  	[tilespmem:s21], [sflag:$0x2] =	stream.linear.gather [hbm4b:s5+s2], $0x80, $0x38;
	[tilespmem:$0x4000] =	vst v63  }
0x14c: {  	s22 =	simm.s32 $0x3E80  }
0x14d: {  	[tilespmem:s22], [sflag:$0x2] =	stream.linear.gather [hbm4b:s6+s2], $0x80, $0x38;
	[tilespmem:$0x4000] =	vst v63  }
0x14e: {  	_ =	swait.ge [sflag:s4], $0x100  }
0x14f: {  	[sflag:s4] =	ssyncset.done $0x0  }
0x150: {  	s23 =	simm.s32 $0x3B00;
	[sflag:s4] =	ssyncadd.s32 $0xFFFFFF00  }
0x151: {  	[tilespmem:s23], [sflag:$0x2] =	stream.linear.gather [hbm4b:s5+s2], $0x80, $0x38;
	[tilespmem:$0x4000] =	vst v63  }
0x152: {  	s24 =	simm.s32 $0x3F00  }
0x153: {  	[tilespmem:s24], [sflag:$0x2] =	stream.linear.gather [hbm4b:s6+s2], $0x80, $0x38;
	[tilespmem:$0x4000] =	vst v63  }
0x154: {  	_ =	swait.ge [sflag:s4], $0x100  }
0x155: {  	[sflag:s4] =	ssyncset.done $0x0  }
0x156: {  	s25 =	simm.s32 $0x3B80;
	[sflag:s4] =	ssyncadd.s32 $0xFFFFFF00  }
0x157: {  	[tilespmem:s25], [sflag:$0x2] =	stream.linear.gather [hbm4b:s5+s2], $0x80, $0x38;
	[tilespmem:$0x4000] =	vst v63  }
0x158: {  	s26 =	simm.s32 $0x3F80  }
0x159: {  	[tilespmem:s26], [sflag:$0x2] =	stream.linear.gather [hbm4b:s6+s2], $0x80, $0x38;
	[tilespmem:$0x4000] =	vst v63  }
0x15a: {  	_ =	swait.ge [sflag:s4], $0x100  }
0x15b: {  	[sflag:s4] =	ssyncset.done $0x0  }
0x15c: {  	[sflag:s4] =	ssyncadd.s32 $0xFFFFFF00  }
0x15d: {  	[hbm4b:s3+s2] =	stream.linear.scatter [tilespmem:s2], [sflag:$0x2], $0x4000, $0x38;
	[tilespmem:$0x4000] =	vst v63  }
0x15e: {  	_ =	swait.ge [sflag:s4], $0x4000  }
0x15f: {  	s28 =	sshll.u32 s0, $0x6;
	[sflag:s4] =	ssyncset.done $0x0  }
0x160: {  	s28 =	sor.u32 $0x1C01, s28;
	s29 =	rddreg [dreg:$0x4];
	[sflag:s4] =	ssyncadd.s32 $0xFFFFC000  }
0x161: {  	[hbm:s29], [sflag:s28] =	dma.local [hbm:s3], $0x800  }
0x162: {  	s29 =	rddreg [dreg:$0x5]  }
0x163: {  	[hbm:s29], [sflag:s28] =	dma.local [hbm:s3], $0x800  }
0x164: {  	s29 =	rddreg [dreg:$0x6]  }
0x165: {  	[hbm:s29], [sflag:s28] =	dma.local [hbm:s3], $0x800  }
0x166: {  	s29 =	rddreg [dreg:$0x7]  }
0x167: {  	[hbm:s29], [sflag:s28] =	dma.local [hbm:s3], $0x800  }
0x168: {  	s29 =	rddreg [dreg:$0x8]  }
0x169: {  	[hbm:s29], [sflag:s28] =	dma.local [hbm:s3], $0x800  }
0x16a: {  	s29 =	rddreg [dreg:$0x9]  }
0x16b: {  	[hbm:s29], [sflag:s28] =	dma.local [hbm:s3], $0x800  }
0x16c: {  	s29 =	rddreg [dreg:$0xa]  }
0x16d: {  	[hbm:s29], [sflag:s28] =	dma.local [hbm:s3], $0x800  }
0x16e: {  	s29 =	rddreg [dreg:$0xb]  }
0x16f: {  	[hbm:s29], [sflag:s28] =	dma.local [hbm:s3], $0x800  }
0x170: {  	s29 =	rddreg [dreg:$0xc]  }
0x171: {  	[hbm:s29], [sflag:s28] =	dma.local [hbm:s3], $0x800  }
0x172: {  	s29 =	simm.s32 $0x1  }
0x173: {  	_ =	swait.ge [sflag:s29], $0x800  }
0x174: {  	[sflag:s29] =	ssyncset.done $0x0  }
0x175: {  	s31 =	rddreg [dreg:$0xd];
	[sflag:s29] =	ssyncadd.s32 $0xFFFFF800  }
0x176: {  	[hbm:s31], [sflag:s28] =	dma.local [hbm:s3], $0x800  }
0x177: {  	_ =	swait.ge [sflag:s29], $0x800  }
0x178: {  	[sflag:s29] =	ssyncset.done $0x0  }
0x179: {  	s7 =	rddreg [dreg:$0xe];
	[sflag:s29] =	ssyncadd.s32 $0xFFFFF800  }
0x17a: {  	[hbm:s7], [sflag:s28] =	dma.local [hbm:s3], $0x800  }
0x17b: {  	_ =	swait.ge [sflag:s29], $0x800  }
0x17c: {  	[sflag:s29] =	ssyncset.done $0x0  }
0x17d: {  	s8 =	rddreg [dreg:$0xf];
	[sflag:s29] =	ssyncadd.s32 $0xFFFFF800  }
0x17e: {  	[hbm:s8], [sflag:s28] =	dma.local [hbm:s3], $0x800  }
0x17f: {  	_ =	swait.ge [sflag:s29], $0x800  }
0x180: {  	[sflag:s29] =	ssyncset.done $0x0  }
0x181: {  	s0 =	rddreg [dreg:$0x10];
	[sflag:s29] =	ssyncadd.s32 $0xFFFFF800  }
0x182: {  	[hbm:s0], [sflag:s28] =	dma.local [hbm:s3], $0x800  }
0x183: {  	_ =	swait.ge [sflag:s29], $0x800  }
0x184: {  	[sflag:s29] =	ssyncset.done $0x0  }
0x185: {  	s1 =	rddreg [dreg:$0x11];
	[sflag:s29] =	ssyncadd.s32 $0xFFFFF800  }
0x186: {  	[hbm:s1], [sflag:s28] =	dma.local [hbm:s3], $0x800  }
0x187: {  	_ =	swait.ge [sflag:s29], $0x800  }
0x188: {  	[sflag:s29] =	ssyncset.done $0x0  }
0x189: {  	s7 =	rddreg [dreg:$0x12];
	[sflag:s29] =	ssyncadd.s32 $0xFFFFF800  }
0x18a: {  	[hbm:s7], [sflag:s28] =	dma.local [hbm:s3], $0x800  }
0x18b: {  	_ =	swait.ge [sflag:s29], $0x800  }
0x18c: {  	[sflag:s29] =	ssyncset.done $0x0  }
0x18d: {  	s8 =	rddreg [dreg:$0x13];
	[sflag:s29] =	ssyncadd.s32 $0xFFFFF800  }
0x18e: {  	[hbm:s8], [sflag:s28] =	dma.local [hbm:s3], $0x800  }
0x18f: {  	_ =	swait.ge [sflag:s29], $0x800  }
0x190: {  	[sflag:s29] =	ssyncset.done $0x0  }
0x191: {  	s0 =	rddreg [dreg:$0x14];
	[sflag:s29] =	ssyncadd.s32 $0xFFFFF800  }
0x192: {  	[hbm:s0], [sflag:s28] =	dma.local [hbm:s3], $0x800  }
0x193: {  	_ =	swait.ge [sflag:s29], $0x800  }
0x194: {  	[sflag:s29] =	ssyncset.done $0x0  }
0x195: {  	s1 =	rddreg [dreg:$0x15];
	[sflag:s29] =	ssyncadd.s32 $0xFFFFF800  }
0x196: {  	[hbm:s1], [sflag:s28] =	dma.local [hbm:s3], $0x800  }
0x197: {  	_ =	swait.ge [sflag:s29], $0x800  }
0x198: {  	[sflag:s29] =	ssyncset.done $0x0  }
0x199: {  	s7 =	rddreg [dreg:$0x16];
	[sflag:s29] =	ssyncadd.s32 $0xFFFFF800  }
0x19a: {  	[hbm:s7], [sflag:s28] =	dma.local [hbm:s3], $0x800  }
0x19b: {  	_ =	swait.ge [sflag:s29], $0x800  }
0x19c: {  	[sflag:s29] =	ssyncset.done $0x0  }
0x19d: {  	s8 =	rddreg [dreg:$0x17];
	[sflag:s29] =	ssyncadd.s32 $0xFFFFF800  }
0x19e: {  	[hbm:s8], [sflag:s28] =	dma.local [hbm:s3], $0x800  }
0x19f: {  	_ =	swait.ge [sflag:s29], $0x800  }
0x1a0: {  	[sflag:s29] =	ssyncset.done $0x0  }
0x1a1: {  	s0 =	rddreg [dreg:$0x18];
	[sflag:s29] =	ssyncadd.s32 $0xFFFFF800  }
0x1a2: {  	[hbm:s0], [sflag:s28] =	dma.local [hbm:s3], $0x800  }
0x1a3: {  	_ =	swait.ge [sflag:s29], $0x800  }
0x1a4: {  	[sflag:s29] =	ssyncset.done $0x0  }
0x1a5: {  	s1 =	rddreg [dreg:$0x19];
	[sflag:s29] =	ssyncadd.s32 $0xFFFFF800  }
0x1a6: {  	[hbm:s1], [sflag:s28] =	dma.local [hbm:s3], $0x800  }
0x1a7: {  	_ =	swait.ge [sflag:s29], $0x800  }
0x1a8: {  	[sflag:s29] =	ssyncset.done $0x0  }
0x1a9: {  	s7 =	rddreg [dreg:$0x1a];
	[sflag:s29] =	ssyncadd.s32 $0xFFFFF800  }
0x1aa: {  	[hbm:s7], [sflag:s28] =	dma.local [hbm:s3], $0x800  }
0x1ab: {  	_ =	swait.ge [sflag:s29], $0x800  }
0x1ac: {  	[sflag:s29] =	ssyncset.done $0x0  }
0x1ad: {  	s8 =	rddreg [dreg:$0x1b];
	[sflag:s29] =	ssyncadd.s32 $0xFFFFF800  }
0x1ae: {  	[hbm:s8], [sflag:s28] =	dma.local [hbm:s3], $0x800  }
0x1af: {  	_ =	swait.ge [sflag:s29], $0x800  }
0x1b0: {  	[sflag:s29] =	ssyncset.done $0x0  }
0x1b1: {  	s0 =	rddreg [dreg:$0x1c];
	[sflag:s29] =	ssyncadd.s32 $0xFFFFF800  }
0x1b2: {  	[hbm:s0], [sflag:s28] =	dma.local [hbm:s3], $0x800  }
0x1b3: {  	_ =	swait.ge [sflag:s29], $0x800  }
0x1b4: {  	[sflag:s29] =	ssyncset.done $0x0  }
0x1b5: {  	s1 =	rddreg [dreg:$0x1d];
	[sflag:s29] =	ssyncadd.s32 $0xFFFFF800  }
0x1b6: {  	[hbm:s1], [sflag:s28] =	dma.local [hbm:s3], $0x800  }
0x1b7: {  	_ =	swait.ge [sflag:s29], $0x800  }
0x1b8: {  	[sflag:s29] =	ssyncset.done $0x0  }
0x1b9: {  	s7 =	rddreg [dreg:$0x1e];
	[sflag:s29] =	ssyncadd.s32 $0xFFFFF800  }
0x1ba: {  	[hbm:s7], [sflag:s28] =	dma.local [hbm:s3], $0x800  }
0x1bb: {  	_ =	swait.ge [sflag:s29], $0x800  }
0x1bc: {  	[sflag:s29] =	ssyncset.done $0x0  }
0x1bd: {  	s8 =	rddreg [dreg:$0x1f];
	[sflag:s29] =	ssyncadd.s32 $0xFFFFF800  }
0x1be: {  	[hbm:s8], [sflag:s28] =	dma.local [hbm:s3], $0x800  }
0x1bf: {  	_ =	swait.ge [sflag:s29], $0x800  }
0x1c0: {  	s0 =	sld [smem:$0x7DB]  }
0x1c1: {  	[sflag:s29] =	ssyncset.done $0x0  }
0x1c2: {  	[sflag:s29] =	ssyncadd.s32 $0xFFFFF800  }
0x1c3: {  	[hbm:s0], [sflag:s28] =	dma.local [hbm:s3], $0x800  }
0x1c4: {  	_ =	swait.ge [sflag:s29], $0x800  }
0x1c5: {  	s1 =	sld [smem:$0x7DC]  }
0x1c6: {  	[sflag:s29] =	ssyncset.done $0x0  }
0x1c7: {  	[sflag:s29] =	ssyncadd.s32 $0xFFFFF800  }
0x1c8: {  	[hbm:s1], [sflag:s28] =	dma.local [hbm:s3], $0x800  }
0x1c9: {  	_ =	swait.ge [sflag:s29], $0x800  }
0x1ca: {  	s7 =	sld [smem:$0x7DD]  }
0x1cb: {  	[sflag:s29] =	ssyncset.done $0x0  }
0x1cc: {  	[sflag:s29] =	ssyncadd.s32 $0xFFFFF800  }
0x1cd: {  	[hbm:s7], [sflag:s28] =	dma.local [hbm:s3], $0x800  }
0x1ce: {  	_ =	swait.ge [sflag:s29], $0x800  }
0x1cf: {  	s8 =	sld [smem:$0x7DE]  }
0x1d0: {  	[sflag:s29] =	ssyncset.done $0x0  }
0x1d1: {  	[sflag:s29] =	ssyncadd.s32 $0xFFFFF800  }
0x1d2: {  	[hbm:s8], [sflag:s28] =	dma.local [hbm:s3], $0x800  }
0x1d3: {  	_ =	swait.ge [sflag:s29], $0x800  }
0x1d4: {  	s0 =	sld [smem:$0x7DF]  }
0x1d5: {  	[sflag:s29] =	ssyncset.done $0x0  }
0x1d6: {  	[sflag:s29] =	ssyncadd.s32 $0xFFFFF800  }
0x1d7: {  	[hbm:s0], [sflag:s28] =	dma.local [hbm:s3], $0x800  }
0x1d8: {  	_ =	swait.ge [sflag:s29], $0x800  }
0x1d9: {  	s1 =	sld [smem:$0x7E0]  }
0x1da: {  	[sflag:s29] =	ssyncset.done $0x0  }
0x1db: {  	[sflag:s29] =	ssyncadd.s32 $0xFFFFF800  }
0x1dc: {  	[hbm:s1], [sflag:s28] =	dma.local [hbm:s3], $0x800  }
0x1dd: {  	_ =	swait.ge [sflag:s29], $0x800  }
0x1de: {  	s7 =	sld [smem:$0x7E1]  }
0x1df: {  	[sflag:s29] =	ssyncset.done $0x0  }
0x1e0: {  	[sflag:s29] =	ssyncadd.s32 $0xFFFFF800  }
0x1e1: {  	[hbm:s7], [sflag:s28] =	dma.local [hbm:s3], $0x800  }
0x1e2: {  	_ =	swait.ge [sflag:s29], $0x800  }
0x1e3: {  	s8 =	sld [smem:$0x7E2]  }
0x1e4: {  	[sflag:s29] =	ssyncset.done $0x0  }
0x1e5: {  	[sflag:s29] =	ssyncadd.s32 $0xFFFFF800  }
0x1e6: {  	[hbm:s8], [sflag:s28] =	dma.local [hbm:s3], $0x800  }
0x1e7: {  	_ =	swait.ge [sflag:s29], $0x800  }
0x1e8: {  	s0 =	sld [smem:$0x7E3]  }
0x1e9: {  	[sflag:s29] =	ssyncset.done $0x0  }
0x1ea: {  	[sflag:s29] =	ssyncadd.s32 $0xFFFFF800  }
0x1eb: {  	[hbm:s0], [sflag:s28] =	dma.local [hbm:s3], $0x800  }
0x1ec: {  	_ =	swait.ge [sflag:s29], $0x800  }
0x1ed: {  	s1 =	sld [smem:$0x7E4]  }
0x1ee: {  	[sflag:s29] =	ssyncset.done $0x0  }
0x1ef: {  	[sflag:s29] =	ssyncadd.s32 $0xFFFFF800  }
0x1f0: {  	[hbm:s1], [sflag:s28] =	dma.local [hbm:s3], $0x800  }
0x1f1: {  	_ =	swait.ge [sflag:s29], $0x800  }
0x1f2: {  	s7 =	sld [smem:$0x7E5]  }
0x1f3: {  	[sflag:s29] =	ssyncset.done $0x0  }
0x1f4: {  	[sflag:s29] =	ssyncadd.s32 $0xFFFFF800  }
0x1f5: {  	[hbm:s7], [sflag:s28] =	dma.local [hbm:s3], $0x800  }
0x1f6: {  	_ =	swait.ge [sflag:s29], $0x800  }
0x1f7: {  	s8 =	sld [smem:$0x7E6]  }
0x1f8: {  	[sflag:s29] =	ssyncset.done $0x0  }
0x1f9: {  	[sflag:s29] =	ssyncadd.s32 $0xFFFFF800  }
0x1fa: {  	[hbm:s8], [sflag:s28] =	dma.local [hbm:s3], $0x800  }
0x1fb: {  	_ =	swait.ge [sflag:s29], $0x800  }
0x1fc: {  	s0 =	sld [smem:$0x7E7]  }
0x1fd: {  	[sflag:s29] =	ssyncset.done $0x0  }
0x1fe: {  	[sflag:s29] =	ssyncadd.s32 $0xFFFFF800  }
0x1ff: {  	[hbm:s0], [sflag:s28] =	dma.local [hbm:s3], $0x800  }
0x200: {  	_ =	swait.ge [sflag:s29], $0x800  }
0x201: {  	s1 =	sld [smem:$0x7E8]  }
0x202: {  	[sflag:s29] =	ssyncset.done $0x0  }
0x203: {  	[sflag:s29] =	ssyncadd.s32 $0xFFFFF800  }
0x204: {  	[hbm:s1], [sflag:s28] =	dma.local [hbm:s3], $0x800  }
0x205: {  	_ =	swait.ge [sflag:s29], $0x800  }
0x206: {  	s7 =	sld [smem:$0x7E9]  }
0x207: {  	[sflag:s29] =	ssyncset.done $0x0  }
0x208: {  	[sflag:s29] =	ssyncadd.s32 $0xFFFFF800  }
0x209: {  	[hbm:s7], [sflag:s28] =	dma.local [hbm:s3], $0x800  }
0x20a: {  	_ =	swait.ge [sflag:s29], $0x800  }
0x20b: {  	s8 =	sld [smem:$0x7EA]  }
0x20c: {  	[sflag:s29] =	ssyncset.done $0x0  }
0x20d: {  	[sflag:s29] =	ssyncadd.s32 $0xFFFFF800  }
0x20e: {  	[hbm:s8], [sflag:s28] =	dma.local [hbm:s3], $0x800  }
0x20f: {  	_ =	swait.ge [sflag:s29], $0x800  }
0x210: {  	s0 =	sld [smem:$0x7EB]  }
0x211: {  	[sflag:s29] =	ssyncset.done $0x0  }
0x212: {  	[sflag:s29] =	ssyncadd.s32 $0xFFFFF800  }
0x213: {  	[hbm:s0], [sflag:s28] =	dma.local [hbm:s3], $0x800  }
0x214: {  	_ =	swait.ge [sflag:s29], $0x800  }
0x215: {  	s1 =	sld [smem:$0x7EC]  }
0x216: {  	[sflag:s29] =	ssyncset.done $0x0  }
0x217: {  	[sflag:s29] =	ssyncadd.s32 $0xFFFFF800  }
0x218: {  	[hbm:s1], [sflag:s28] =	dma.local [hbm:s3], $0x800  }
0x219: {  	_ =	swait.ge [sflag:s29], $0x800  }
0x21a: {  	s7 =	sld [smem:$0x7ED]  }
0x21b: {  	[sflag:s29] =	ssyncset.done $0x0  }
0x21c: {  	[sflag:s29] =	ssyncadd.s32 $0xFFFFF800  }
0x21d: {  	[hbm:s7], [sflag:s28] =	dma.local [hbm:s3], $0x800  }
0x21e: {  	_ =	swait.ge [sflag:s29], $0x800  }
0x21f: {  	s8 =	sld [smem:$0x7EE]  }
0x220: {  	[sflag:s29] =	ssyncset.done $0x0  }
0x221: {  	[sflag:s29] =	ssyncadd.s32 $0xFFFFF800  }
0x222: {  	[hbm:s8], [sflag:s28] =	dma.local [hbm:s3], $0x800  }
0x223: {  	_ =	swait.ge [sflag:s29], $0x800  }
0x224: {  	s0 =	sld [smem:$0x7EF]  }
0x225: {  	[sflag:s29] =	ssyncset.done $0x0  }
0x226: {  	[sflag:s29] =	ssyncadd.s32 $0xFFFFF800  }
0x227: {  	[hbm:s0], [sflag:s28] =	dma.local [hbm:s3], $0x800  }
0x228: {  	_ =	swait.ge [sflag:s29], $0x800  }
0x229: {  	s1 =	sld [smem:$0x7F0]  }
0x22a: {  	[sflag:s29] =	ssyncset.done $0x0  }
0x22b: {  	[sflag:s29] =	ssyncadd.s32 $0xFFFFF800  }
0x22c: {  	[hbm:s1], [sflag:s28] =	dma.local [hbm:s3], $0x800  }
0x22d: {  	_ =	swait.ge [sflag:s29], $0x800  }
0x22e: {  	s7 =	sld [smem:$0x7F1]  }
0x22f: {  	[sflag:s29] =	ssyncset.done $0x0  }
0x230: {  	[sflag:s29] =	ssyncadd.s32 $0xFFFFF800  }
0x231: {  	[hbm:s7], [sflag:s28] =	dma.local [hbm:s3], $0x800  }
0x232: {  	_ =	swait.ge [sflag:s29], $0x800  }
0x233: {  	s8 =	sld [smem:$0x7F2]  }
0x234: {  	[sflag:s29] =	ssyncset.done $0x0  }
0x235: {  	[sflag:s29] =	ssyncadd.s32 $0xFFFFF800  }
0x236: {  	[hbm:s8], [sflag:s28] =	dma.local [hbm:s3], $0x800  }
0x237: {  	_ =	swait.ge [sflag:s29], $0x800  }
0x238: {  	s0 =	sld [smem:$0x7F3]  }
0x239: {  	[sflag:s29] =	ssyncset.done $0x0  }
0x23a: {  	[sflag:s29] =	ssyncadd.s32 $0xFFFFF800  }
0x23b: {  	[hbm:s0], [sflag:s28] =	dma.local [hbm:s3], $0x800  }
0x23c: {  	_ =	swait.ge [sflag:s29], $0x800  }
0x23d: {  	s1 =	sld [smem:$0x7F4]  }
0x23e: {  	[sflag:s29] =	ssyncset.done $0x0  }
0x23f: {  	[sflag:s29] =	ssyncadd.s32 $0xFFFFF800  }
0x240: {  	[hbm:s1], [sflag:s28] =	dma.local [hbm:s3], $0x800  }
0x241: {  	_ =	swait.ge [sflag:s29], $0x800  }
0x242: {  	s7 =	sld [smem:$0x7F5]  }
0x243: {  	[sflag:s29] =	ssyncset.done $0x0  }
0x244: {  	[sflag:s29] =	ssyncadd.s32 $0xFFFFF800  }
0x245: {  	[hbm:s7], [sflag:s28] =	dma.local [hbm:s3], $0x800  }
0x246: {  	_ =	swait.ge [sflag:s29], $0x800  }
0x247: {  	s8 =	sld [smem:$0x7F6]  }
0x248: {  	[sflag:s29] =	ssyncset.done $0x0  }
0x249: {  	[sflag:s29] =	ssyncadd.s32 $0xFFFFF800  }
0x24a: {  	[hbm:s8], [sflag:s28] =	dma.local [hbm:s3], $0x800  }
0x24b: {  	_ =	swait.ge [sflag:s29], $0x800  }
0x24c: {  	s0 =	sld [smem:$0x7F7]  }
0x24d: {  	[sflag:s29] =	ssyncset.done $0x0  }
0x24e: {  	[sflag:s29] =	ssyncadd.s32 $0xFFFFF800  }
0x24f: {  	[hbm:s0], [sflag:s28] =	dma.local [hbm:s3], $0x800  }
0x250: {  	_ =	swait.ge [sflag:s29], $0x800  }
0x251: {  	s1 =	sld [smem:$0x7F8]  }
0x252: {  	[sflag:s29] =	ssyncset.done $0x0  }
0x253: {  	[sflag:s29] =	ssyncadd.s32 $0xFFFFF800  }
0x254: {  	[hbm:s1], [sflag:s28] =	dma.local [hbm:s3], $0x800  }
0x255: {  	_ =	swait.ge [sflag:s29], $0x800  }
0x256: {  	s7 =	sld [smem:$0x7F9]  }
0x257: {  	[sflag:s29] =	ssyncset.done $0x0  }
0x258: {  	[sflag:s29] =	ssyncadd.s32 $0xFFFFF800  }
0x259: {  	[hbm:s7], [sflag:s28] =	dma.local [hbm:s3], $0x800  }
0x25a: {  	_ =	swait.ge [sflag:s29], $0x800  }
0x25b: {  	s8 =	sld [smem:$0x7FA]  }
0x25c: {  	[sflag:s29] =	ssyncset.done $0x0  }
0x25d: {  	[sflag:s29] =	ssyncadd.s32 $0xFFFFF800  }
0x25e: {  	[hbm:s8], [sflag:s28] =	dma.local [hbm:s3], $0x800  }
0x25f: {  	_ =	swait.ge [sflag:s29], $0x800  }
0x260: {  	s0 =	sld [smem:$0x7FB]  }
0x261: {  	[sflag:s29] =	ssyncset.done $0x0  }
0x262: {  	[sflag:s29] =	ssyncadd.s32 $0xFFFFF800  }
0x263: {  	[hbm:s0], [sflag:s28] =	dma.local [hbm:s3], $0x800  }
0x264: {  	_ =	swait.ge [sflag:s29], $0x800  }
0x265: {  	s1 =	sld [smem:$0x7FC]  }
0x266: {  	[sflag:s29] =	ssyncset.done $0x0  }
0x267: {  	[sflag:s29] =	ssyncadd.s32 $0xFFFFF800  }
0x268: {  	[hbm:s1], [sflag:s28] =	dma.local [hbm:s3], $0x800  }
0x269: {  	_ =	swait.ge [sflag:s29], $0x800  }
0x26a: {  	s7 =	sld [smem:$0x7FD]  }
0x26b: {  	[sflag:s29] =	ssyncset.done $0x0  }
0x26c: {  	[sflag:s29] =	ssyncadd.s32 $0xFFFFF800  }
0x26d: {  	[hbm:s7], [sflag:s28] =	dma.local [hbm:s3], $0x800  }
0x26e: {  	_ =	swait.ge [sflag:s29], $0x800  }
0x26f: {  	[sflag:s29] =	ssyncset.done $0x0  }
0x270: {  	[sflag:s29] =	ssyncadd.s32 $0xFFFFF800  }
0x271: {  	_ =	swait.ge [sflag:s29], $0x800  }
0x272: {  	[sflag:s29] =	ssyncset.done $0x0  }
0x273: {  	[sflag:s29] =	ssyncadd.s32 $0xFFFFF800  }
0x274: {  	_ =	swait.ge [sflag:s29], $0x800  }
0x275: {  	[sflag:s29] =	ssyncset.done $0x0  }
0x276: {  	[sflag:s29] =	ssyncadd.s32 $0xFFFFF800  }
0x277: {  	_ =	swait.ge [sflag:s29], $0x800  }
0x278: {  	[sflag:s29] =	ssyncset.done $0x0  }
0x279: {  	[sflag:s29] =	ssyncadd.s32 $0xFFFFF800  }
0x27a: {  	_ =	swait.ge [sflag:s29], $0x800  }
0x27b: {  	[sflag:s29] =	ssyncset.done $0x0  }
0x27c: {  	[sflag:s29] =	ssyncadd.s32 $0xFFFFF800  }
0x27d: {  	s30 =	ssub.s32 $0x2, s30;
	_ =	swait.ge [sflag:s29], $0x800  }
0x27e: {  	s8 =	sshrl.u32 s30, $0x1;
	[sflag:s29] =	ssyncset.done $0x0  }
0x27f: {  	s30 =	ssub.s32 s30, s8;
	[sflag:s29] =	ssyncadd.s32 $0xFFFFF800  }
0x280: {  	s30 =	smax.u32 s30, $0x1;
	_ =	swait.ge [sflag:s29], $0x800  }
0x281: {  	p0 =	sne.s32 s30, $0x1;
	[sflag:s29] =	ssyncset.done $0x0  }
.Ltmp0:
0x282: {  	[sflag:s29] =	ssyncadd.s32 $0xFFFFF800;
	(pc) =	sbr.rel @!p0 .LBB2_2-.Ltmp0, $4  }
0x283: {  	_ =	swait.ge [sflag:s29], $0x800  }
0x284: {  	[sflag:s29] =	ssyncset.done $0x0  }
0x285: {  	[sflag:s29] =	ssyncadd.s32 $0xFFFFF800  }
0x286: {  	s30 =	sadd.s32 $0xFFFFFFFF, s30;
	_ =	swait.ge [sflag:s29], $0x800  }
.LBB2_1:
0x287: {  	s31 =	sld [smem:$0x7A9]  }
0x288: {  	s0 =	sld [smem:$0x7AA]  }
0x289: {  	s1 =	rddreg [dreg:$0x3]  }
0x28a: {  	[sflag:s29] =	ssyncset.done $0x0;
	s7 =	sld [smem:$0x7AB]  }
0x28b: {  	s8 =	sld [smem:$0x7AC];
	[sflag:s29] =	ssyncadd.s32 $0xFFFFF800  }
0x28c: {  	[tilespmem:s2], [sflag:$0x2] =	stream.linear.gather [hbm4b:s1+s2], $0x800, $0x38;
	[tilespmem:$0x4000] =	vst v63  }
0x28d: {  	s1 =	sld [smem:$0x7AD]  }
0x28e: {  	[tilespmem:s0], [sflag:$0x2] =	stream.linear.gather [hbm4b:s7+s2], $0x800, $0x38;
	[tilespmem:$0x4000] =	vst v63  }
0x28f: {  	s7 =	sld [smem:$0x7AE]  }
0x290: {  	[tilespmem:s31], [sflag:$0x2] =	stream.linear.gather [hbm4b:s1+s2], $0x800, $0x38;
	[tilespmem:$0x4000] =	vst v63  }
0x291: {  	_ = 	snop  }
0x292: {  	[tilespmem:s8], [sflag:$0x2] =	stream.linear.gather [hbm4b:s7+s2], $0x800, $0x38;
	[tilespmem:$0x4000] =	vst v63  }
0x293: {  	_ =	swait.ge [sflag:s4], $0x2000  }
0x294: {  	s8 =	sld [smem:$0x7AF]  }
0x295: {  	[sflag:s4] =	ssyncset.done $0x0  }
0x296: {  	s31 =	sld [smem:$0x7B0];
	[sflag:s4] =	ssyncadd.s32 $0xFFFFE000  }
0x297: {  	[tilespmem:s8], [sflag:$0x2] =	stream.linear.gather [hbm4b:s5+s2], $0x80, $0x38;
	[tilespmem:$0x4000] =	vst v63  }
0x298: {  	_ = 	snop  }
0x299: {  	[tilespmem:s31], [sflag:$0x2] =	stream.linear.gather [hbm4b:s6+s2], $0x80, $0x38;
	[tilespmem:$0x4000] =	vst v63  }
0x29a: {  	_ =	swait.ge [sflag:s4], $0x100  }
0x29b: {  	s1 =	sld [smem:$0x7B1]  }
0x29c: {  	[sflag:s4] =	ssyncset.done $0x0  }
0x29d: {  	s7 =	sld [smem:$0x7B2];
	[sflag:s4] =	ssyncadd.s32 $0xFFFFFF00  }
0x29e: {  	[tilespmem:s1], [sflag:$0x2] =	stream.linear.gather [hbm4b:s5+s2], $0x80, $0x38;
	[tilespmem:$0x4000] =	vst v63  }
0x29f: {  	_ = 	snop  }
0x2a0: {  	[tilespmem:s7], [sflag:$0x2] =	stream.linear.gather [hbm4b:s6+s2], $0x80, $0x38;
	[tilespmem:$0x4000] =	vst v63  }
0x2a1: {  	_ =	swait.ge [sflag:s4], $0x100  }
0x2a2: {  	s8 =	sld [smem:$0x7B3]  }
0x2a3: {  	[sflag:s4] =	ssyncset.done $0x0  }
0x2a4: {  	s31 =	sld [smem:$0x7B4];
	[sflag:s4] =	ssyncadd.s32 $0xFFFFFF00  }
0x2a5: {  	[tilespmem:s8], [sflag:$0x2] =	stream.linear.gather [hbm4b:s5+s2], $0x80, $0x38;
	[tilespmem:$0x4000] =	vst v63  }
0x2a6: {  	_ = 	snop  }
0x2a7: {  	[tilespmem:s31], [sflag:$0x2] =	stream.linear.gather [hbm4b:s6+s2], $0x80, $0x38;
	[tilespmem:$0x4000] =	vst v63  }
0x2a8: {  	_ =	swait.ge [sflag:s4], $0x100  }
0x2a9: {  	s1 =	sld [smem:$0x7B5]  }
0x2aa: {  	[sflag:s4] =	ssyncset.done $0x0  }
0x2ab: {  	s7 =	sld [smem:$0x7B6];
	[sflag:s4] =	ssyncadd.s32 $0xFFFFFF00  }
0x2ac: {  	[tilespmem:s1], [sflag:$0x2] =	stream.linear.gather [hbm4b:s5+s2], $0x80, $0x38;
	[tilespmem:$0x4000] =	vst v63  }
0x2ad: {  	_ = 	snop  }
0x2ae: {  	[tilespmem:s7], [sflag:$0x2] =	stream.linear.gather [hbm4b:s6+s2], $0x80, $0x38;
	[tilespmem:$0x4000] =	vst v63  }
0x2af: {  	_ =	swait.ge [sflag:s4], $0x100  }
0x2b0: {  	s8 =	sld [smem:$0x7B7]  }
0x2b1: {  	[sflag:s4] =	ssyncset.done $0x0  }
0x2b2: {  	s31 =	sld [smem:$0x7B8];
	[sflag:s4] =	ssyncadd.s32 $0xFFFFFF00  }
0x2b3: {  	[tilespmem:s8], [sflag:$0x2] =	stream.linear.gather [hbm4b:s5+s2], $0x80, $0x38;
	[tilespmem:$0x4000] =	vst v63  }
0x2b4: {  	_ = 	snop  }
0x2b5: {  	[tilespmem:s31], [sflag:$0x2] =	stream.linear.gather [hbm4b:s6+s2], $0x80, $0x38;
	[tilespmem:$0x4000] =	vst v63  }
0x2b6: {  	_ =	swait.ge [sflag:s4], $0x100  }
0x2b7: {  	s1 =	sld [smem:$0x7B9]  }
0x2b8: {  	[sflag:s4] =	ssyncset.done $0x0  }
0x2b9: {  	s7 =	sld [smem:$0x7BA];
	[sflag:s4] =	ssyncadd.s32 $0xFFFFFF00  }
0x2ba: {  	[tilespmem:s1], [sflag:$0x2] =	stream.linear.gather [hbm4b:s5+s2], $0x80, $0x38;
	[tilespmem:$0x4000] =	vst v63  }
0x2bb: {  	_ = 	snop  }
0x2bc: {  	[tilespmem:s7], [sflag:$0x2] =	stream.linear.gather [hbm4b:s6+s2], $0x80, $0x38;
	[tilespmem:$0x4000] =	vst v63  }
0x2bd: {  	_ =	swait.ge [sflag:s4], $0x100  }
0x2be: {  	s8 =	sld [smem:$0x7BB]  }
0x2bf: {  	[sflag:s4] =	ssyncset.done $0x0  }
0x2c0: {  	s31 =	sld [smem:$0x7BC];
	[sflag:s4] =	ssyncadd.s32 $0xFFFFFF00  }
0x2c1: {  	[tilespmem:s8], [sflag:$0x2] =	stream.linear.gather [hbm4b:s5+s2], $0x80, $0x38;
	[tilespmem:$0x4000] =	vst v63  }
0x2c2: {  	_ = 	snop  }
0x2c3: {  	[tilespmem:s31], [sflag:$0x2] =	stream.linear.gather [hbm4b:s6+s2], $0x80, $0x38;
	[tilespmem:$0x4000] =	vst v63  }
0x2c4: {  	_ =	swait.ge [sflag:s4], $0x100  }
0x2c5: {  	s1 =	sld [smem:$0x7BD]  }
0x2c6: {  	[sflag:s4] =	ssyncset.done $0x0  }
0x2c7: {  	s7 =	sld [smem:$0x7BE];
	[sflag:s4] =	ssyncadd.s32 $0xFFFFFF00  }
0x2c8: {  	[tilespmem:s1], [sflag:$0x2] =	stream.linear.gather [hbm4b:s5+s2], $0x80, $0x38;
	[tilespmem:$0x4000] =	vst v63  }
0x2c9: {  	_ = 	snop  }
0x2ca: {  	[tilespmem:s7], [sflag:$0x2] =	stream.linear.gather [hbm4b:s6+s2], $0x80, $0x38;
	[tilespmem:$0x4000] =	vst v63  }
0x2cb: {  	_ =	swait.ge [sflag:s4], $0x100  }
0x2cc: {  	s8 =	sld [smem:$0x7BF]  }
0x2cd: {  	[sflag:s4] =	ssyncset.done $0x0  }
0x2ce: {  	s31 =	sld [smem:$0x7C0];
	[sflag:s4] =	ssyncadd.s32 $0xFFFFFF00  }
0x2cf: {  	[tilespmem:s8], [sflag:$0x2] =	stream.linear.gather [hbm4b:s5+s2], $0x80, $0x38;
	[tilespmem:$0x4000] =	vst v63  }
0x2d0: {  	_ = 	snop  }
0x2d1: {  	[tilespmem:s31], [sflag:$0x2] =	stream.linear.gather [hbm4b:s6+s2], $0x80, $0x38;
	[tilespmem:$0x4000] =	vst v63  }
0x2d2: {  	_ =	swait.ge [sflag:s4], $0x100  }
0x2d3: {  	s1 =	sld [smem:$0x7C1]  }
0x2d4: {  	[sflag:s4] =	ssyncset.done $0x0  }
0x2d5: {  	s7 =	sld [smem:$0x7C2];
	[sflag:s4] =	ssyncadd.s32 $0xFFFFFF00  }
0x2d6: {  	[tilespmem:s1], [sflag:$0x2] =	stream.linear.gather [hbm4b:s5+s2], $0x80, $0x38;
	[tilespmem:$0x4000] =	vst v63  }
0x2d7: {  	_ = 	snop  }
0x2d8: {  	[tilespmem:s7], [sflag:$0x2] =	stream.linear.gather [hbm4b:s6+s2], $0x80, $0x38;
	[tilespmem:$0x4000] =	vst v63  }
0x2d9: {  	_ =	swait.ge [sflag:s4], $0x100  }
0x2da: {  	s8 =	sld [smem:$0x7C3]  }
0x2db: {  	[sflag:s4] =	ssyncset.done $0x0  }
0x2dc: {  	s31 =	sld [smem:$0x7C4];
	[sflag:s4] =	ssyncadd.s32 $0xFFFFFF00  }
0x2dd: {  	[tilespmem:s8], [sflag:$0x2] =	stream.linear.gather [hbm4b:s5+s2], $0x80, $0x38;
	[tilespmem:$0x4000] =	vst v63  }
0x2de: {  	_ = 	snop  }
0x2df: {  	[tilespmem:s31], [sflag:$0x2] =	stream.linear.gather [hbm4b:s6+s2], $0x80, $0x38;
	[tilespmem:$0x4000] =	vst v63  }
0x2e0: {  	_ =	swait.ge [sflag:s4], $0x100  }
0x2e1: {  	s1 =	sld [smem:$0x7C5]  }
0x2e2: {  	[sflag:s4] =	ssyncset.done $0x0  }
0x2e3: {  	s7 =	sld [smem:$0x7C6];
	[sflag:s4] =	ssyncadd.s32 $0xFFFFFF00  }
0x2e4: {  	[tilespmem:s1], [sflag:$0x2] =	stream.linear.gather [hbm4b:s5+s2], $0x80, $0x38;
	[tilespmem:$0x4000] =	vst v63  }
0x2e5: {  	_ = 	snop  }
0x2e6: {  	[tilespmem:s7], [sflag:$0x2] =	stream.linear.gather [hbm4b:s6+s2], $0x80, $0x38;
	[tilespmem:$0x4000] =	vst v63  }
0x2e7: {  	_ =	swait.ge [sflag:s4], $0x100  }
0x2e8: {  	s8 =	sld [smem:$0x7C7]  }
0x2e9: {  	[sflag:s4] =	ssyncset.done $0x0  }
0x2ea: {  	s31 =	sld [smem:$0x7C8];
	[sflag:s4] =	ssyncadd.s32 $0xFFFFFF00  }
0x2eb: {  	[tilespmem:s8], [sflag:$0x2] =	stream.linear.gather [hbm4b:s5+s2], $0x80, $0x38;
	[tilespmem:$0x4000] =	vst v63  }
0x2ec: {  	_ = 	snop  }
0x2ed: {  	[tilespmem:s31], [sflag:$0x2] =	stream.linear.gather [hbm4b:s6+s2], $0x80, $0x38;
	[tilespmem:$0x4000] =	vst v63  }
0x2ee: {  	_ =	swait.ge [sflag:s4], $0x100  }
0x2ef: {  	s1 =	sld [smem:$0x7C9]  }
0x2f0: {  	[sflag:s4] =	ssyncset.done $0x0  }
0x2f1: {  	s7 =	sld [smem:$0x7CA];
	[sflag:s4] =	ssyncadd.s32 $0xFFFFFF00  }
0x2f2: {  	[tilespmem:s1], [sflag:$0x2] =	stream.linear.gather [hbm4b:s5+s2], $0x80, $0x38;
	[tilespmem:$0x4000] =	vst v63  }
0x2f3: {  	_ = 	snop  }
0x2f4: {  	[tilespmem:s7], [sflag:$0x2] =	stream.linear.gather [hbm4b:s6+s2], $0x80, $0x38;
	[tilespmem:$0x4000] =	vst v63  }
0x2f5: {  	_ =	swait.ge [sflag:s4], $0x100  }
0x2f6: {  	s8 =	sld [smem:$0x7CB]  }
0x2f7: {  	[sflag:s4] =	ssyncset.done $0x0  }
0x2f8: {  	s31 =	sld [smem:$0x7CC];
	[sflag:s4] =	ssyncadd.s32 $0xFFFFFF00  }
0x2f9: {  	[tilespmem:s8], [sflag:$0x2] =	stream.linear.gather [hbm4b:s5+s2], $0x80, $0x38;
	[tilespmem:$0x4000] =	vst v63  }
0x2fa: {  	_ = 	snop  }
0x2fb: {  	[tilespmem:s31], [sflag:$0x2] =	stream.linear.gather [hbm4b:s6+s2], $0x80, $0x38;
	[tilespmem:$0x4000] =	vst v63  }
0x2fc: {  	_ =	swait.ge [sflag:s4], $0x100  }
0x2fd: {  	s1 =	sld [smem:$0x7CD]  }
0x2fe: {  	[sflag:s4] =	ssyncset.done $0x0  }
0x2ff: {  	s7 =	sld [smem:$0x7CE];
	[sflag:s4] =	ssyncadd.s32 $0xFFFFFF00  }
0x300: {  	[tilespmem:s1], [sflag:$0x2] =	stream.linear.gather [hbm4b:s5+s2], $0x80, $0x38;
	[tilespmem:$0x4000] =	vst v63  }
0x301: {  	_ = 	snop  }
0x302: {  	[tilespmem:s7], [sflag:$0x2] =	stream.linear.gather [hbm4b:s6+s2], $0x80, $0x38;
	[tilespmem:$0x4000] =	vst v63  }
0x303: {  	_ =	swait.ge [sflag:s4], $0x100  }
0x304: {  	s8 =	sld [smem:$0x7CF]  }
0x305: {  	[sflag:s4] =	ssyncset.done $0x0  }
0x306: {  	s31 =	sld [smem:$0x7D0];
	[sflag:s4] =	ssyncadd.s32 $0xFFFFFF00  }
0x307: {  	[tilespmem:s8], [sflag:$0x2] =	stream.linear.gather [hbm4b:s5+s2], $0x80, $0x38;
	[tilespmem:$0x4000] =	vst v63  }
0x308: {  	_ = 	snop  }
0x309: {  	[tilespmem:s31], [sflag:$0x2] =	stream.linear.gather [hbm4b:s6+s2], $0x80, $0x38;
	[tilespmem:$0x4000] =	vst v63  }
0x30a: {  	_ =	swait.ge [sflag:s4], $0x100  }
0x30b: {  	s1 =	sld [smem:$0x7D1]  }
0x30c: {  	[sflag:s4] =	ssyncset.done $0x0  }
0x30d: {  	s7 =	sld [smem:$0x7D2];
	[sflag:s4] =	ssyncadd.s32 $0xFFFFFF00  }
0x30e: {  	[tilespmem:s1], [sflag:$0x2] =	stream.linear.gather [hbm4b:s5+s2], $0x80, $0x38;
	[tilespmem:$0x4000] =	vst v63  }
0x30f: {  	_ = 	snop  }
0x310: {  	[tilespmem:s7], [sflag:$0x2] =	stream.linear.gather [hbm4b:s6+s2], $0x80, $0x38;
	[tilespmem:$0x4000] =	vst v63  }
0x311: {  	_ =	swait.ge [sflag:s4], $0x100  }
0x312: {  	s8 =	sld [smem:$0x7D3]  }
0x313: {  	[sflag:s4] =	ssyncset.done $0x0  }
0x314: {  	s31 =	sld [smem:$0x7D4];
	[sflag:s4] =	ssyncadd.s32 $0xFFFFFF00  }
0x315: {  	[tilespmem:s8], [sflag:$0x2] =	stream.linear.gather [hbm4b:s5+s2], $0x80, $0x38;
	[tilespmem:$0x4000] =	vst v63  }
0x316: {  	_ = 	snop  }
0x317: {  	[tilespmem:s31], [sflag:$0x2] =	stream.linear.gather [hbm4b:s6+s2], $0x80, $0x38;
	[tilespmem:$0x4000] =	vst v63  }
0x318: {  	_ =	swait.ge [sflag:s4], $0x100  }
0x319: {  	s1 =	sld [smem:$0x7D5]  }
0x31a: {  	[sflag:s4] =	ssyncset.done $0x0  }
0x31b: {  	s7 =	sld [smem:$0x7D6];
	[sflag:s4] =	ssyncadd.s32 $0xFFFFFF00  }
0x31c: {  	[tilespmem:s1], [sflag:$0x2] =	stream.linear.gather [hbm4b:s5+s2], $0x80, $0x38;
	[tilespmem:$0x4000] =	vst v63  }
0x31d: {  	_ = 	snop  }
0x31e: {  	[tilespmem:s7], [sflag:$0x2] =	stream.linear.gather [hbm4b:s6+s2], $0x80, $0x38;
	[tilespmem:$0x4000] =	vst v63  }
0x31f: {  	_ =	swait.ge [sflag:s4], $0x100  }
0x320: {  	s8 =	sld [smem:$0x7D7]  }
0x321: {  	[sflag:s4] =	ssyncset.done $0x0  }
0x322: {  	s31 =	sld [smem:$0x7D8];
	[sflag:s4] =	ssyncadd.s32 $0xFFFFFF00  }
0x323: {  	[tilespmem:s8], [sflag:$0x2] =	stream.linear.gather [hbm4b:s5+s2], $0x80, $0x38;
	[tilespmem:$0x4000] =	vst v63  }
0x324: {  	_ = 	snop  }
0x325: {  	[tilespmem:s31], [sflag:$0x2] =	stream.linear.gather [hbm4b:s6+s2], $0x80, $0x38;
	[tilespmem:$0x4000] =	vst v63  }
0x326: {  	_ =	swait.ge [sflag:s4], $0x100  }
0x327: {  	s7 =	sld [smem:$0x7D9]  }
0x328: {  	[sflag:s4] =	ssyncset.done $0x0  }
0x329: {  	s8 =	sld [smem:$0x7DA];
	[sflag:s4] =	ssyncadd.s32 $0xFFFFFF00  }
0x32a: {  	[tilespmem:s7], [sflag:$0x2] =	stream.linear.gather [hbm4b:s5+s2], $0x80, $0x38;
	[tilespmem:$0x4000] =	vst v63  }
0x32b: {  	_ = 	snop  }
0x32c: {  	[tilespmem:s8], [sflag:$0x2] =	stream.linear.gather [hbm4b:s6+s2], $0x80, $0x38;
	[tilespmem:$0x4000] =	vst v63  }
0x32d: {  	_ =	swait.ge [sflag:s4], $0x100  }
0x32e: {  	[sflag:s4] =	ssyncset.done $0x0  }
0x32f: {  	s31 =	simm.s32 $0x2B00;
	[sflag:s4] =	ssyncadd.s32 $0xFFFFFF00  }
0x330: {  	[tilespmem:s31], [sflag:$0x2] =	stream.linear.gather [hbm4b:s5+s2], $0x80, $0x38;
	[tilespmem:$0x4000] =	vst v63  }
0x331: {  	s1 =	simm.s32 $0x2F00  }
0x332: {  	[tilespmem:s1], [sflag:$0x2] =	stream.linear.gather [hbm4b:s6+s2], $0x80, $0x38;
	[tilespmem:$0x4000] =	vst v63  }
0x333: {  	_ =	swait.ge [sflag:s4], $0x100  }
0x334: {  	[sflag:s4] =	ssyncset.done $0x0  }
0x335: {  	[sflag:s4] =	ssyncadd.s32 $0xFFFFFF00  }
0x336: {  	[tilespmem:s9], [sflag:$0x2] =	stream.linear.gather [hbm4b:s5+s2], $0x80, $0x38;
	[tilespmem:$0x4000] =	vst v63  }
0x337: {  	_ = 	snop  }
0x338: {  	[tilespmem:s10], [sflag:$0x2] =	stream.linear.gather [hbm4b:s6+s2], $0x80, $0x38;
	[tilespmem:$0x4000] =	vst v63  }
0x339: {  	_ =	swait.ge [sflag:s4], $0x100  }
0x33a: {  	[sflag:s4] =	ssyncset.done $0x0  }
0x33b: {  	[sflag:s4] =	ssyncadd.s32 $0xFFFFFF00  }
0x33c: {  	[tilespmem:s11], [sflag:$0x2] =	stream.linear.gather [hbm4b:s5+s2], $0x80, $0x38;
	[tilespmem:$0x4000] =	vst v63  }
0x33d: {  	_ = 	snop  }
0x33e: {  	[tilespmem:s12], [sflag:$0x2] =	stream.linear.gather [hbm4b:s6+s2], $0x80, $0x38;
	[tilespmem:$0x4000] =	vst v63  }
0x33f: {  	_ =	swait.ge [sflag:s4], $0x100  }
0x340: {  	[sflag:s4] =	ssyncset.done $0x0  }
0x341: {  	[sflag:s4] =	ssyncadd.s32 $0xFFFFFF00  }
0x342: {  	[tilespmem:s13], [sflag:$0x2] =	stream.linear.gather [hbm4b:s5+s2], $0x80, $0x38;
	[tilespmem:$0x4000] =	vst v63  }
0x343: {  	_ = 	snop  }
0x344: {  	[tilespmem:s14], [sflag:$0x2] =	stream.linear.gather [hbm4b:s6+s2], $0x80, $0x38;
	[tilespmem:$0x4000] =	vst v63  }
0x345: {  	_ =	swait.ge [sflag:s4], $0x100  }
0x346: {  	[sflag:s4] =	ssyncset.done $0x0  }
0x347: {  	[sflag:s4] =	ssyncadd.s32 $0xFFFFFF00  }
0x348: {  	[tilespmem:s15], [sflag:$0x2] =	stream.linear.gather [hbm4b:s5+s2], $0x80, $0x38;
	[tilespmem:$0x4000] =	vst v63  }
0x349: {  	_ = 	snop  }
0x34a: {  	[tilespmem:s16], [sflag:$0x2] =	stream.linear.gather [hbm4b:s6+s2], $0x80, $0x38;
	[tilespmem:$0x4000] =	vst v63  }
0x34b: {  	_ =	swait.ge [sflag:s4], $0x100  }
0x34c: {  	[sflag:s4] =	ssyncset.done $0x0  }
0x34d: {  	[sflag:s4] =	ssyncadd.s32 $0xFFFFFF00  }
0x34e: {  	[tilespmem:s17], [sflag:$0x2] =	stream.linear.gather [hbm4b:s5+s2], $0x80, $0x38;
	[tilespmem:$0x4000] =	vst v63  }
0x34f: {  	_ = 	snop  }
0x350: {  	[tilespmem:s18], [sflag:$0x2] =	stream.linear.gather [hbm4b:s6+s2], $0x80, $0x38;
	[tilespmem:$0x4000] =	vst v63  }
0x351: {  	_ =	swait.ge [sflag:s4], $0x100  }
0x352: {  	[sflag:s4] =	ssyncset.done $0x0  }
0x353: {  	[sflag:s4] =	ssyncadd.s32 $0xFFFFFF00  }
0x354: {  	[tilespmem:s19], [sflag:$0x2] =	stream.linear.gather [hbm4b:s5+s2], $0x80, $0x38;
	[tilespmem:$0x4000] =	vst v63  }
0x355: {  	_ = 	snop  }
0x356: {  	[tilespmem:s20], [sflag:$0x2] =	stream.linear.gather [hbm4b:s6+s2], $0x80, $0x38;
	[tilespmem:$0x4000] =	vst v63  }
0x357: {  	_ =	swait.ge [sflag:s4], $0x100  }
0x358: {  	[sflag:s4] =	ssyncset.done $0x0  }
0x359: {  	[sflag:s4] =	ssyncadd.s32 $0xFFFFFF00  }
0x35a: {  	[tilespmem:s21], [sflag:$0x2] =	stream.linear.gather [hbm4b:s5+s2], $0x80, $0x38;
	[tilespmem:$0x4000] =	vst v63  }
0x35b: {  	_ = 	snop  }
0x35c: {  	[tilespmem:s22], [sflag:$0x2] =	stream.linear.gather [hbm4b:s6+s2], $0x80, $0x38;
	[tilespmem:$0x4000] =	vst v63  }
0x35d: {  	_ =	swait.ge [sflag:s4], $0x100  }
0x35e: {  	[sflag:s4] =	ssyncset.done $0x0  }
0x35f: {  	[sflag:s4] =	ssyncadd.s32 $0xFFFFFF00  }
0x360: {  	[tilespmem:s23], [sflag:$0x2] =	stream.linear.gather [hbm4b:s5+s2], $0x80, $0x38;
	[tilespmem:$0x4000] =	vst v63  }
0x361: {  	_ = 	snop  }
0x362: {  	[tilespmem:s24], [sflag:$0x2] =	stream.linear.gather [hbm4b:s6+s2], $0x80, $0x38;
	[tilespmem:$0x4000] =	vst v63  }
0x363: {  	_ =	swait.ge [sflag:s4], $0x100  }
0x364: {  	[sflag:s4] =	ssyncset.done $0x0  }
0x365: {  	[sflag:s4] =	ssyncadd.s32 $0xFFFFFF00  }
0x366: {  	[tilespmem:s25], [sflag:$0x2] =	stream.linear.gather [hbm4b:s5+s2], $0x80, $0x38;
	[tilespmem:$0x4000] =	vst v63  }
0x367: {  	_ = 	snop  }
0x368: {  	[tilespmem:s26], [sflag:$0x2] =	stream.linear.gather [hbm4b:s6+s2], $0x80, $0x38;
	[tilespmem:$0x4000] =	vst v63  }
0x369: {  	_ =	swait.ge [sflag:s4], $0x100  }
0x36a: {  	[sflag:s4] =	ssyncset.done $0x0  }
0x36b: {  	[sflag:s4] =	ssyncadd.s32 $0xFFFFFF00  }
0x36c: {  	[hbm4b:s3+s2] =	stream.linear.scatter [tilespmem:s2], [sflag:$0x2], $0x4000, $0x38;
	[tilespmem:$0x4000] =	vst v63  }
0x36d: {  	_ =	swait.ge [sflag:s4], $0x4000  }
0x36e: {  	[sflag:s4] =	ssyncset.done $0x0  }
0x36f: {  	s7 =	rddreg [dreg:$0x4];
	[sflag:s4] =	ssyncadd.s32 $0xFFFFC000  }
0x370: {  	[hbm:s7], [sflag:s28] =	dma.local [hbm:s3], $0x800  }
0x371: {  	s0 =	rddreg [dreg:$0x5]  }
0x372: {  	[hbm:s0], [sflag:s28] =	dma.local [hbm:s3], $0x800  }
0x373: {  	s0 =	rddreg [dreg:$0x6]  }
0x374: {  	[hbm:s0], [sflag:s28] =	dma.local [hbm:s3], $0x800  }
0x375: {  	s0 =	rddreg [dreg:$0x7]  }
0x376: {  	[hbm:s0], [sflag:s28] =	dma.local [hbm:s3], $0x800  }
0x377: {  	s0 =	rddreg [dreg:$0x8]  }
0x378: {  	[hbm:s0], [sflag:s28] =	dma.local [hbm:s3], $0x800  }
0x379: {  	s0 =	rddreg [dreg:$0x9]  }
0x37a: {  	[hbm:s0], [sflag:s28] =	dma.local [hbm:s3], $0x800  }
0x37b: {  	s0 =	rddreg [dreg:$0xa]  }
0x37c: {  	[hbm:s0], [sflag:s28] =	dma.local [hbm:s3], $0x800  }
0x37d: {  	s0 =	rddreg [dreg:$0xb]  }
0x37e: {  	[hbm:s0], [sflag:s28] =	dma.local [hbm:s3], $0x800  }
0x37f: {  	s0 =	rddreg [dreg:$0xc]  }
0x380: {  	[hbm:s0], [sflag:s28] =	dma.local [hbm:s3], $0x800  }
0x381: {  	_ =	swait.ge [sflag:s29], $0x800  }
0x382: {  	[sflag:s29] =	ssyncset.done $0x0  }
0x383: {  	s8 =	rddreg [dreg:$0xd];
	[sflag:s29] =	ssyncadd.s32 $0xFFFFF800  }
0x384: {  	[hbm:s8], [sflag:s28] =	dma.local [hbm:s3], $0x800  }
0x385: {  	_ =	swait.ge [sflag:s29], $0x800  }
0x386: {  	[sflag:s29] =	ssyncset.done $0x0  }
0x387: {  	s31 =	rddreg [dreg:$0xe];
	[sflag:s29] =	ssyncadd.s32 $0xFFFFF800  }
0x388: {  	[hbm:s31], [sflag:s28] =	dma.local [hbm:s3], $0x800  }
0x389: {  	_ =	swait.ge [sflag:s29], $0x800  }
0x38a: {  	[sflag:s29] =	ssyncset.done $0x0  }
0x38b: {  	s1 =	rddreg [dreg:$0xf];
	[sflag:s29] =	ssyncadd.s32 $0xFFFFF800  }
0x38c: {  	[hbm:s1], [sflag:s28] =	dma.local [hbm:s3], $0x800  }
0x38d: {  	_ =	swait.ge [sflag:s29], $0x800  }
0x38e: {  	[sflag:s29] =	ssyncset.done $0x0  }
0x38f: {  	s7 =	rddreg [dreg:$0x10];
	[sflag:s29] =	ssyncadd.s32 $0xFFFFF800  }
0x390: {  	[hbm:s7], [sflag:s28] =	dma.local [hbm:s3], $0x800  }
0x391: {  	_ =	swait.ge [sflag:s29], $0x800  }
0x392: {  	[sflag:s29] =	ssyncset.done $0x0  }
0x393: {  	s8 =	rddreg [dreg:$0x11];
	[sflag:s29] =	ssyncadd.s32 $0xFFFFF800  }
0x394: {  	[hbm:s8], [sflag:s28] =	dma.local [hbm:s3], $0x800  }
0x395: {  	_ =	swait.ge [sflag:s29], $0x800  }
0x396: {  	[sflag:s29] =	ssyncset.done $0x0  }
0x397: {  	s31 =	rddreg [dreg:$0x12];
	[sflag:s29] =	ssyncadd.s32 $0xFFFFF800  }
0x398: {  	[hbm:s31], [sflag:s28] =	dma.local [hbm:s3], $0x800  }
0x399: {  	_ =	swait.ge [sflag:s29], $0x800  }
0x39a: {  	[sflag:s29] =	ssyncset.done $0x0  }
0x39b: {  	s1 =	rddreg [dreg:$0x13];
	[sflag:s29] =	ssyncadd.s32 $0xFFFFF800  }
0x39c: {  	[hbm:s1], [sflag:s28] =	dma.local [hbm:s3], $0x800  }
0x39d: {  	_ =	swait.ge [sflag:s29], $0x800  }
0x39e: {  	[sflag:s29] =	ssyncset.done $0x0  }
0x39f: {  	s7 =	rddreg [dreg:$0x14];
	[sflag:s29] =	ssyncadd.s32 $0xFFFFF800  }
0x3a0: {  	[hbm:s7], [sflag:s28] =	dma.local [hbm:s3], $0x800  }
0x3a1: {  	_ =	swait.ge [sflag:s29], $0x800  }
0x3a2: {  	[sflag:s29] =	ssyncset.done $0x0  }
0x3a3: {  	s8 =	rddreg [dreg:$0x15];
	[sflag:s29] =	ssyncadd.s32 $0xFFFFF800  }
0x3a4: {  	[hbm:s8], [sflag:s28] =	dma.local [hbm:s3], $0x800  }
0x3a5: {  	_ =	swait.ge [sflag:s29], $0x800  }
0x3a6: {  	[sflag:s29] =	ssyncset.done $0x0  }
0x3a7: {  	s31 =	rddreg [dreg:$0x16];
	[sflag:s29] =	ssyncadd.s32 $0xFFFFF800  }
0x3a8: {  	[hbm:s31], [sflag:s28] =	dma.local [hbm:s3], $0x800  }
0x3a9: {  	_ =	swait.ge [sflag:s29], $0x800  }
0x3aa: {  	[sflag:s29] =	ssyncset.done $0x0  }
0x3ab: {  	s1 =	rddreg [dreg:$0x17];
	[sflag:s29] =	ssyncadd.s32 $0xFFFFF800  }
0x3ac: {  	[hbm:s1], [sflag:s28] =	dma.local [hbm:s3], $0x800  }
0x3ad: {  	_ =	swait.ge [sflag:s29], $0x800  }
0x3ae: {  	[sflag:s29] =	ssyncset.done $0x0  }
0x3af: {  	s7 =	rddreg [dreg:$0x18];
	[sflag:s29] =	ssyncadd.s32 $0xFFFFF800  }
0x3b0: {  	[hbm:s7], [sflag:s28] =	dma.local [hbm:s3], $0x800  }
0x3b1: {  	_ =	swait.ge [sflag:s29], $0x800  }
0x3b2: {  	[sflag:s29] =	ssyncset.done $0x0  }
0x3b3: {  	s8 =	rddreg [dreg:$0x19];
	[sflag:s29] =	ssyncadd.s32 $0xFFFFF800  }
0x3b4: {  	[hbm:s8], [sflag:s28] =	dma.local [hbm:s3], $0x800  }
0x3b5: {  	_ =	swait.ge [sflag:s29], $0x800  }
0x3b6: {  	[sflag:s29] =	ssyncset.done $0x0  }
0x3b7: {  	s31 =	rddreg [dreg:$0x1a];
	[sflag:s29] =	ssyncadd.s32 $0xFFFFF800  }
0x3b8: {  	[hbm:s31], [sflag:s28] =	dma.local [hbm:s3], $0x800  }
0x3b9: {  	_ =	swait.ge [sflag:s29], $0x800  }
0x3ba: {  	[sflag:s29] =	ssyncset.done $0x0  }
0x3bb: {  	s1 =	rddreg [dreg:$0x1b];
	[sflag:s29] =	ssyncadd.s32 $0xFFFFF800  }
0x3bc: {  	[hbm:s1], [sflag:s28] =	dma.local [hbm:s3], $0x800  }
0x3bd: {  	_ =	swait.ge [sflag:s29], $0x800  }
0x3be: {  	[sflag:s29] =	ssyncset.done $0x0  }
0x3bf: {  	s7 =	rddreg [dreg:$0x1c];
	[sflag:s29] =	ssyncadd.s32 $0xFFFFF800  }
0x3c0: {  	[hbm:s7], [sflag:s28] =	dma.local [hbm:s3], $0x800  }
0x3c1: {  	_ =	swait.ge [sflag:s29], $0x800  }
0x3c2: {  	[sflag:s29] =	ssyncset.done $0x0  }
0x3c3: {  	s8 =	rddreg [dreg:$0x1d];
	[sflag:s29] =	ssyncadd.s32 $0xFFFFF800  }
0x3c4: {  	[hbm:s8], [sflag:s28] =	dma.local [hbm:s3], $0x800  }
0x3c5: {  	_ =	swait.ge [sflag:s29], $0x800  }
0x3c6: {  	[sflag:s29] =	ssyncset.done $0x0  }
0x3c7: {  	s31 =	rddreg [dreg:$0x1e];
	[sflag:s29] =	ssyncadd.s32 $0xFFFFF800  }
0x3c8: {  	[hbm:s31], [sflag:s28] =	dma.local [hbm:s3], $0x800  }
0x3c9: {  	_ =	swait.ge [sflag:s29], $0x800  }
0x3ca: {  	[sflag:s29] =	ssyncset.done $0x0  }
0x3cb: {  	s1 =	rddreg [dreg:$0x1f];
	[sflag:s29] =	ssyncadd.s32 $0xFFFFF800  }
0x3cc: {  	[hbm:s1], [sflag:s28] =	dma.local [hbm:s3], $0x800  }
0x3cd: {  	_ =	swait.ge [sflag:s29], $0x800  }
0x3ce: {  	s7 =	sld [smem:$0x7DB]  }
0x3cf: {  	[sflag:s29] =	ssyncset.done $0x0  }
0x3d0: {  	[sflag:s29] =	ssyncadd.s32 $0xFFFFF800  }
0x3d1: {  	[hbm:s7], [sflag:s28] =	dma.local [hbm:s3], $0x800  }
0x3d2: {  	_ =	swait.ge [sflag:s29], $0x800  }
0x3d3: {  	s8 =	sld [smem:$0x7DC]  }
0x3d4: {  	[sflag:s29] =	ssyncset.done $0x0  }
0x3d5: {  	[sflag:s29] =	ssyncadd.s32 $0xFFFFF800  }
0x3d6: {  	[hbm:s8], [sflag:s28] =	dma.local [hbm:s3], $0x800  }
0x3d7: {  	_ =	swait.ge [sflag:s29], $0x800  }
0x3d8: {  	s31 =	sld [smem:$0x7DD]  }
0x3d9: {  	[sflag:s29] =	ssyncset.done $0x0  }
0x3da: {  	[sflag:s29] =	ssyncadd.s32 $0xFFFFF800  }
0x3db: {  	[hbm:s31], [sflag:s28] =	dma.local [hbm:s3], $0x800  }
0x3dc: {  	_ =	swait.ge [sflag:s29], $0x800  }
0x3dd: {  	s1 =	sld [smem:$0x7DE]  }
0x3de: {  	[sflag:s29] =	ssyncset.done $0x0  }
0x3df: {  	[sflag:s29] =	ssyncadd.s32 $0xFFFFF800  }
0x3e0: {  	[hbm:s1], [sflag:s28] =	dma.local [hbm:s3], $0x800  }
0x3e1: {  	_ =	swait.ge [sflag:s29], $0x800  }
0x3e2: {  	s7 =	sld [smem:$0x7DF]  }
0x3e3: {  	[sflag:s29] =	ssyncset.done $0x0  }
0x3e4: {  	[sflag:s29] =	ssyncadd.s32 $0xFFFFF800  }
0x3e5: {  	[hbm:s7], [sflag:s28] =	dma.local [hbm:s3], $0x800  }
0x3e6: {  	_ =	swait.ge [sflag:s29], $0x800  }
0x3e7: {  	s8 =	sld [smem:$0x7E0]  }
0x3e8: {  	[sflag:s29] =	ssyncset.done $0x0  }
0x3e9: {  	[sflag:s29] =	ssyncadd.s32 $0xFFFFF800  }
0x3ea: {  	[hbm:s8], [sflag:s28] =	dma.local [hbm:s3], $0x800  }
0x3eb: {  	_ =	swait.ge [sflag:s29], $0x800  }
0x3ec: {  	s31 =	sld [smem:$0x7E1]  }
0x3ed: {  	[sflag:s29] =	ssyncset.done $0x0  }
0x3ee: {  	[sflag:s29] =	ssyncadd.s32 $0xFFFFF800  }
0x3ef: {  	[hbm:s31], [sflag:s28] =	dma.local [hbm:s3], $0x800  }
0x3f0: {  	_ =	swait.ge [sflag:s29], $0x800  }
0x3f1: {  	s1 =	sld [smem:$0x7E2]  }
0x3f2: {  	[sflag:s29] =	ssyncset.done $0x0  }
0x3f3: {  	[sflag:s29] =	ssyncadd.s32 $0xFFFFF800  }
0x3f4: {  	[hbm:s1], [sflag:s28] =	dma.local [hbm:s3], $0x800  }
0x3f5: {  	_ =	swait.ge [sflag:s29], $0x800  }
0x3f6: {  	s7 =	sld [smem:$0x7E3]  }
0x3f7: {  	[sflag:s29] =	ssyncset.done $0x0  }
0x3f8: {  	[sflag:s29] =	ssyncadd.s32 $0xFFFFF800  }
0x3f9: {  	[hbm:s7], [sflag:s28] =	dma.local [hbm:s3], $0x800  }
0x3fa: {  	_ =	swait.ge [sflag:s29], $0x800  }
0x3fb: {  	s8 =	sld [smem:$0x7E4]  }
0x3fc: {  	[sflag:s29] =	ssyncset.done $0x0  }
0x3fd: {  	[sflag:s29] =	ssyncadd.s32 $0xFFFFF800  }
0x3fe: {  	[hbm:s8], [sflag:s28] =	dma.local [hbm:s3], $0x800  }
0x3ff: {  	_ =	swait.ge [sflag:s29], $0x800  }
0x400: {  	s31 =	sld [smem:$0x7E5]  }
0x401: {  	[sflag:s29] =	ssyncset.done $0x0  }
0x402: {  	[sflag:s29] =	ssyncadd.s32 $0xFFFFF800  }
0x403: {  	[hbm:s31], [sflag:s28] =	dma.local [hbm:s3], $0x800  }
0x404: {  	_ =	swait.ge [sflag:s29], $0x800  }
0x405: {  	s1 =	sld [smem:$0x7E6]  }
0x406: {  	[sflag:s29] =	ssyncset.done $0x0  }
0x407: {  	[sflag:s29] =	ssyncadd.s32 $0xFFFFF800  }
0x408: {  	[hbm:s1], [sflag:s28] =	dma.local [hbm:s3], $0x800  }
0x409: {  	_ =	swait.ge [sflag:s29], $0x800  }
0x40a: {  	s7 =	sld [smem:$0x7E7]  }
0x40b: {  	[sflag:s29] =	ssyncset.done $0x0  }
0x40c: {  	[sflag:s29] =	ssyncadd.s32 $0xFFFFF800  }
0x40d: {  	[hbm:s7], [sflag:s28] =	dma.local [hbm:s3], $0x800  }
0x40e: {  	_ =	swait.ge [sflag:s29], $0x800  }
0x40f: {  	s8 =	sld [smem:$0x7E8]  }
0x410: {  	[sflag:s29] =	ssyncset.done $0x0  }
0x411: {  	[sflag:s29] =	ssyncadd.s32 $0xFFFFF800  }
0x412: {  	[hbm:s8], [sflag:s28] =	dma.local [hbm:s3], $0x800  }
0x413: {  	_ =	swait.ge [sflag:s29], $0x800  }
0x414: {  	s31 =	sld [smem:$0x7E9]  }
0x415: {  	[sflag:s29] =	ssyncset.done $0x0  }
0x416: {  	[sflag:s29] =	ssyncadd.s32 $0xFFFFF800  }
0x417: {  	[hbm:s31], [sflag:s28] =	dma.local [hbm:s3], $0x800  }
0x418: {  	_ =	swait.ge [sflag:s29], $0x800  }
0x419: {  	s1 =	sld [smem:$0x7EA]  }
0x41a: {  	[sflag:s29] =	ssyncset.done $0x0  }
0x41b: {  	[sflag:s29] =	ssyncadd.s32 $0xFFFFF800  }
0x41c: {  	[hbm:s1], [sflag:s28] =	dma.local [hbm:s3], $0x800  }
0x41d: {  	_ =	swait.ge [sflag:s29], $0x800  }
0x41e: {  	s7 =	sld [smem:$0x7EB]  }
0x41f: {  	[sflag:s29] =	ssyncset.done $0x0  }
0x420: {  	[sflag:s29] =	ssyncadd.s32 $0xFFFFF800  }
0x421: {  	[hbm:s7], [sflag:s28] =	dma.local [hbm:s3], $0x800  }
0x422: {  	_ =	swait.ge [sflag:s29], $0x800  }
0x423: {  	s8 =	sld [smem:$0x7EC]  }
0x424: {  	[sflag:s29] =	ssyncset.done $0x0  }
0x425: {  	[sflag:s29] =	ssyncadd.s32 $0xFFFFF800  }
0x426: {  	[hbm:s8], [sflag:s28] =	dma.local [hbm:s3], $0x800  }
0x427: {  	_ =	swait.ge [sflag:s29], $0x800  }
0x428: {  	s31 =	sld [smem:$0x7ED]  }
0x429: {  	[sflag:s29] =	ssyncset.done $0x0  }
0x42a: {  	[sflag:s29] =	ssyncadd.s32 $0xFFFFF800  }
0x42b: {  	[hbm:s31], [sflag:s28] =	dma.local [hbm:s3], $0x800  }
0x42c: {  	_ =	swait.ge [sflag:s29], $0x800  }
0x42d: {  	s1 =	sld [smem:$0x7EE]  }
0x42e: {  	[sflag:s29] =	ssyncset.done $0x0  }
0x42f: {  	[sflag:s29] =	ssyncadd.s32 $0xFFFFF800  }
0x430: {  	[hbm:s1], [sflag:s28] =	dma.local [hbm:s3], $0x800  }
0x431: {  	_ =	swait.ge [sflag:s29], $0x800  }
0x432: {  	s7 =	sld [smem:$0x7EF]  }
0x433: {  	[sflag:s29] =	ssyncset.done $0x0  }
0x434: {  	[sflag:s29] =	ssyncadd.s32 $0xFFFFF800  }
0x435: {  	[hbm:s7], [sflag:s28] =	dma.local [hbm:s3], $0x800  }
0x436: {  	_ =	swait.ge [sflag:s29], $0x800  }
0x437: {  	s8 =	sld [smem:$0x7F0]  }
0x438: {  	[sflag:s29] =	ssyncset.done $0x0  }
0x439: {  	[sflag:s29] =	ssyncadd.s32 $0xFFFFF800  }
0x43a: {  	[hbm:s8], [sflag:s28] =	dma.local [hbm:s3], $0x800  }
0x43b: {  	_ =	swait.ge [sflag:s29], $0x800  }
0x43c: {  	s31 =	sld [smem:$0x7F1]  }
0x43d: {  	[sflag:s29] =	ssyncset.done $0x0  }
0x43e: {  	[sflag:s29] =	ssyncadd.s32 $0xFFFFF800  }
0x43f: {  	[hbm:s31], [sflag:s28] =	dma.local [hbm:s3], $0x800  }
0x440: {  	_ =	swait.ge [sflag:s29], $0x800  }
0x441: {  	s1 =	sld [smem:$0x7F2]  }
0x442: {  	[sflag:s29] =	ssyncset.done $0x0  }
0x443: {  	[sflag:s29] =	ssyncadd.s32 $0xFFFFF800  }
0x444: {  	[hbm:s1], [sflag:s28] =	dma.local [hbm:s3], $0x800  }
0x445: {  	_ =	swait.ge [sflag:s29], $0x800  }
0x446: {  	s7 =	sld [smem:$0x7F3]  }
0x447: {  	[sflag:s29] =	ssyncset.done $0x0  }
0x448: {  	[sflag:s29] =	ssyncadd.s32 $0xFFFFF800  }
0x449: {  	[hbm:s7], [sflag:s28] =	dma.local [hbm:s3], $0x800  }
0x44a: {  	_ =	swait.ge [sflag:s29], $0x800  }
0x44b: {  	s8 =	sld [smem:$0x7F4]  }
0x44c: {  	[sflag:s29] =	ssyncset.done $0x0  }
0x44d: {  	[sflag:s29] =	ssyncadd.s32 $0xFFFFF800  }
0x44e: {  	[hbm:s8], [sflag:s28] =	dma.local [hbm:s3], $0x800  }
0x44f: {  	_ =	swait.ge [sflag:s29], $0x800  }
0x450: {  	s31 =	sld [smem:$0x7F5]  }
0x451: {  	[sflag:s29] =	ssyncset.done $0x0  }
0x452: {  	[sflag:s29] =	ssyncadd.s32 $0xFFFFF800  }
0x453: {  	[hbm:s31], [sflag:s28] =	dma.local [hbm:s3], $0x800  }
0x454: {  	_ =	swait.ge [sflag:s29], $0x800  }
0x455: {  	s1 =	sld [smem:$0x7F6]  }
0x456: {  	[sflag:s29] =	ssyncset.done $0x0  }
0x457: {  	[sflag:s29] =	ssyncadd.s32 $0xFFFFF800  }
0x458: {  	[hbm:s1], [sflag:s28] =	dma.local [hbm:s3], $0x800  }
0x459: {  	_ =	swait.ge [sflag:s29], $0x800  }
0x45a: {  	s7 =	sld [smem:$0x7F7]  }
0x45b: {  	[sflag:s29] =	ssyncset.done $0x0  }
0x45c: {  	[sflag:s29] =	ssyncadd.s32 $0xFFFFF800  }
0x45d: {  	[hbm:s7], [sflag:s28] =	dma.local [hbm:s3], $0x800  }
0x45e: {  	_ =	swait.ge [sflag:s29], $0x800  }
0x45f: {  	s8 =	sld [smem:$0x7F8]  }
0x460: {  	[sflag:s29] =	ssyncset.done $0x0  }
0x461: {  	[sflag:s29] =	ssyncadd.s32 $0xFFFFF800  }
0x462: {  	[hbm:s8], [sflag:s28] =	dma.local [hbm:s3], $0x800  }
0x463: {  	_ =	swait.ge [sflag:s29], $0x800  }
0x464: {  	s31 =	sld [smem:$0x7F9]  }
0x465: {  	[sflag:s29] =	ssyncset.done $0x0  }
0x466: {  	[sflag:s29] =	ssyncadd.s32 $0xFFFFF800  }
0x467: {  	[hbm:s31], [sflag:s28] =	dma.local [hbm:s3], $0x800  }
0x468: {  	_ =	swait.ge [sflag:s29], $0x800  }
0x469: {  	s1 =	sld [smem:$0x7FA]  }
0x46a: {  	[sflag:s29] =	ssyncset.done $0x0  }
0x46b: {  	[sflag:s29] =	ssyncadd.s32 $0xFFFFF800  }
0x46c: {  	[hbm:s1], [sflag:s28] =	dma.local [hbm:s3], $0x800  }
0x46d: {  	_ =	swait.ge [sflag:s29], $0x800  }
0x46e: {  	s7 =	sld [smem:$0x7FB]  }
0x46f: {  	[sflag:s29] =	ssyncset.done $0x0  }
0x470: {  	[sflag:s29] =	ssyncadd.s32 $0xFFFFF800  }
0x471: {  	[hbm:s7], [sflag:s28] =	dma.local [hbm:s3], $0x800  }
0x472: {  	_ =	swait.ge [sflag:s29], $0x800  }
0x473: {  	s8 =	sld [smem:$0x7FC]  }
0x474: {  	[sflag:s29] =	ssyncset.done $0x0  }
0x475: {  	[sflag:s29] =	ssyncadd.s32 $0xFFFFF800  }
0x476: {  	[hbm:s8], [sflag:s28] =	dma.local [hbm:s3], $0x800  }
0x477: {  	_ =	swait.ge [sflag:s29], $0x800  }
0x478: {  	s31 =	sld [smem:$0x7FD]  }
0x479: {  	[sflag:s29] =	ssyncset.done $0x0  }
0x47a: {  	[sflag:s29] =	ssyncadd.s32 $0xFFFFF800  }
0x47b: {  	[hbm:s31], [sflag:s28] =	dma.local [hbm:s3], $0x800  }
0x47c: {  	_ =	swait.ge [sflag:s29], $0x800  }
0x47d: {  	[sflag:s29] =	ssyncset.done $0x0  }
0x47e: {  	[sflag:s29] =	ssyncadd.s32 $0xFFFFF800  }
0x47f: {  	_ =	swait.ge [sflag:s29], $0x800  }
0x480: {  	[sflag:s29] =	ssyncset.done $0x0  }
0x481: {  	[sflag:s29] =	ssyncadd.s32 $0xFFFFF800  }
0x482: {  	_ =	swait.ge [sflag:s29], $0x800  }
0x483: {  	[sflag:s29] =	ssyncset.done $0x0  }
0x484: {  	[sflag:s29] =	ssyncadd.s32 $0xFFFFF800  }
0x485: {  	_ =	swait.ge [sflag:s29], $0x800  }
0x486: {  	[sflag:s29] =	ssyncset.done $0x0  }
0x487: {  	[sflag:s29] =	ssyncadd.s32 $0xFFFFF800  }
0x488: {  	_ =	swait.ge [sflag:s29], $0x800  }
0x489: {  	[sflag:s29] =	ssyncset.done $0x0  }
0x48a: {  	[sflag:s29] =	ssyncadd.s32 $0xFFFFF800  }
0x48b: {  	_ =	swait.ge [sflag:s29], $0x800  }
0x48c: {  	[sflag:s29] =	ssyncset.done $0x0  }
0x48d: {  	[sflag:s29] =	ssyncadd.s32 $0xFFFFF800  }
0x48e: {  	_ =	swait.ge [sflag:s29], $0x800  }
0x48f: {  	p0 =	sne.s32 s30, $0x1;
	[sflag:s29] =	ssyncset.done $0x0  }
.Ltmp1:
0x490: {  	[sflag:s29] =	ssyncadd.s32 $0xFFFFF800;
	(pc) =	sbr.rel @p0 .LBB2_1-.Ltmp1, $4  }
0x491: {  	_ =	swait.ge [sflag:s29], $0x800  }
0x492: {  	[sflag:s29] =	ssyncset.done $0x0  }
0x493: {  	[sflag:s29] =	ssyncadd.s32 $0xFFFFF800  }
0x494: {  	s30 =	sadd.s32 $0xFFFFFFFF, s30;
	_ =	swait.ge [sflag:s29], $0x800  }
.LBB2_2:
0x495: {  	[sflag:s29] =	ssyncset.done $0x0  }
0x496: {  	[sflag:s29] =	ssyncadd.s32 $0xFFFFF800  }
0x497: {  	_ =	sfence.sel $0x180000  }
0x498: {  	[bflag:$0x0] =	sbarrier.arrive $0xFFFF  }
0x499: {  	_ =	strace $0x90000047  }
0x49a: {  	s0 =	stileid.u32;
	[bflag:$0x2] =	sbarrier.arrive $0xFFFF  }
0x49b: {  	p0 =	sne.s32 s0, $0x0;
	s0 =	rddreg [dreg:$0x2]  }
0x49c: {  	s0 =	sadd.s32 @!p0 $0x100000, s0  }
0x49d: {  	[sflag:s0] =	ssyncadd.tile.s32 @!p0 $0x1;
	_ =	shalt  }
.Lfunc_end2:
_tile_overlayer_lowered:
.L_overlay_start_2:
0x49e: {  	(tag) =	ssettag $0x2  }
0x49f: {  	s0 =	rddreg [dreg:$0x0];
	s2 =	stileid.u32  }
0x4a0: {  	s1 =	rddreg [dreg:$0x1];
	p0 =	sne.s32 s2, $0x0  }
0x4a1: {  	s3 =	rddreg [dreg:$0x2];
	[bflag:$0x3] =	sbarrier.arrive $0xFFFF;
	s2 =	simm.s32 @!p0 $0x1C02  }
0x4a2: {  	[timem:s3], [sflag:s2] =	dma.local @!p0 [hbm:s0], s1  }
0x4a3: {  	s0 =	simm.s32 @!p0 $0x2  }
0x4a4: {  	_ =	swait.ge @!p0 [sflag:s0], s1  }
0x4a5: {  	s1 =	ssub.s32 @!p0 $0x0, s1;
	[sflag:s0] =	ssyncset.done @!p0 $0x0  }
0x4a6: {  	[sflag:s0] =	ssyncadd.s32 @!p0 s1  }
0x4a7: {  	[bflag:$0x3] =	sbarrier.arrive $0xFFFF  }
0x4a8: {  	_ =	shalt  }

</sc_bundles>
